<compile_context>
chip_gen: v7x
topology: tpu7x:2x2x1
jax: 0.10.2.dev20260603
libtpu: 0.0.44.dev20260713+nightly
codegen_flags: <defaults>
</compile_context>

<pallas_src>
import functools
import math

import jax
import jax.numpy as jnp
from jax import lax
from jax.experimental import pallas as pl
from jax.experimental.pallas import tpu as pltpu
from jax.experimental.pallas import tpu_sc as plsc

N = 10000
D = 128
E = 320000
C = 40
ALPHA = 0.9
LAMBDA = 1.0

NC = 2
NS = 16
NW = NC * NS
NPAD = 10112
RPT = NPAD // NS
DUMMY = N

CH = 128
EPT = E // NW
CAP = 79
KD = 288
FLEND = 10368
NCHD = FLEND // KD


@functools.cache
def _sc_mesh():
    return plsc.VectorSubcoreMesh(core_axis_name="c", subcore_axis_name="s")


@functools.cache
def _sc_deg_fn():
    @functools.partial(
        pl.kernel,
        out_type=jax.ShapeDtypeStruct((NC, NPAD, D), jnp.float32),
        mesh=_sc_mesh(),
        scratch_types=[
            pltpu.VMEM_SHARED((NPAD, D), jnp.float32),
            pltpu.VMEM((FLEND,), jnp.int32),
            pltpu.VMEM((KD, D), jnp.float32),
            pltpu.SemaphoreType.DMA,
        ],
    )
    def deg_kernel(dstf, ones_h, zeros_h, deg_out, deg_sh, dst_v, ones_v,
                   sem):
        c = lax.axis_index("c")
        s = lax.axis_index("s")
        wid = s * NC + c
        pltpu.sync_copy(zeros_h.at[pl.ds(s * RPT, RPT)],
                        deg_sh.at[pl.ds(s * RPT, RPT)])
        pltpu.sync_copy(dstf.at[pl.ds(wid * FLEND, FLEND)], dst_v)
        pltpu.sync_copy(ones_h, ones_v)
        plsc.subcore_barrier()

        @pl.loop(0, NCHD)
        def _(j):
            pltpu.async_copy(ones_v, deg_sh.at[dst_v.at[pl.ds(j * KD, KD)]],
                             sem, add=True)

        @pl.loop(0, NCHD)
        def _(j):
            pltpu.make_async_copy(ones_v,
                                  deg_sh.at[dst_v.at[pl.ds(0, KD)]],
                                  sem).wait()

        plsc.subcore_barrier()
        pltpu.sync_copy(deg_sh.at[pl.ds(s * RPT, RPT)],
                        deg_out.at[c, pl.ds(s * RPT, RPT)])

    return deg_kernel


@functools.cache
def _sc_layer_fn():
    @functools.partial(
        pl.kernel,
        out_type=jax.ShapeDtypeStruct((NC, NPAD, D), jnp.float32),
        mesh=_sc_mesh(),
        scratch_types=[
            pltpu.VMEM_SHARED((NPAD, D), jnp.float32),
            pltpu.VMEM((CAP, CH), jnp.int32),
            pltpu.VMEM((CAP, CH), jnp.int32),
            pltpu.VMEM((CH, D), jnp.float32),
            pltpu.SemaphoreType.DMA,
        ],
    )
    def layer_kernel(hs, srcp, dstp, zeros_h, m_out,
                     m_sh, src_v, dst_v, buf, sem):
        c = lax.axis_index("c")
        s = lax.axis_index("s")
        wid = s * NC + c
        pltpu.sync_copy(zeros_h.at[pl.ds(s * RPT, RPT)],
                        m_sh.at[pl.ds(s * RPT, RPT)])
        pltpu.sync_copy(srcp.at[wid], src_v)
        pltpu.sync_copy(dstp.at[wid], dst_v)
        plsc.subcore_barrier()

        @pl.loop(0, CAP)
        def _(j):
            pltpu.async_copy(hs.at[src_v.at[j]], buf, sem).wait()
            pltpu.sync_copy(buf, m_sh.at[dst_v.at[j]], add=True)

        plsc.subcore_barrier()
        pltpu.sync_copy(m_sh.at[pl.ds(s * RPT, RPT)],
                        m_out.at[c, pl.ds(s * RPT, RPT)])

    return layer_kernel


BLK = 1000


def _tc_prep(deg2, x):
    def body(deg_ref, x_ref, norm_ref, hs_ref):
        d = deg_ref[0, :, 0:1] + deg_ref[1, :, 0:1]
        nrm = lax.rsqrt(jnp.maximum(d, 1.0))
        nb = jnp.broadcast_to(nrm, (BLK, D))
        norm_ref[...] = nb
        hs_ref[...] = x_ref[...] * nb

    return pl.pallas_call(
        body,
        grid=(N // BLK,),
        in_specs=[
            pl.BlockSpec((NC, BLK, D), lambda j: (0, j, 0)),
            pl.BlockSpec((BLK, D), lambda j: (j, 0)),
        ],
        out_specs=[
            pl.BlockSpec((BLK, D), lambda j: (j, 0)),
            pl.BlockSpec((BLK, D), lambda j: (j, 0)),
        ],
        out_shape=[
            jax.ShapeDtypeStruct((N, D), jnp.float32),
            jax.ShapeDtypeStruct((NPAD, D), jnp.float32),
        ],
    )(deg2, x)


def _tc_layer(m2, x, normb, W, beta):
    def body(m_ref, x_ref, n_ref, w_ref, hs_ref):
        mcat = m_ref[0] + m_ref[1]
        nb = n_ref[...]
        g = mcat * nb * (1.0 - ALPHA) + ALPHA * x_ref[...]
        hw = jnp.dot(g, w_ref[...], preferred_element_type=jnp.float32)
        h = jnp.maximum((1.0 - beta) * g + beta * hw, 0.0)
        hs_ref[...] = h * nb

    return pl.pallas_call(
        body,
        grid=(N // BLK,),
        in_specs=[
            pl.BlockSpec((NC, BLK, D), lambda j: (0, j, 0)),
            pl.BlockSpec((BLK, D), lambda j: (j, 0)),
            pl.BlockSpec((BLK, D), lambda j: (j, 0)),
            pl.BlockSpec((D, D), lambda j: (0, 0)),
        ],
        out_specs=pl.BlockSpec((BLK, D), lambda j: (j, 0)),
        out_shape=jax.ShapeDtypeStruct((NPAD, D), jnp.float32),
    )(m2, x, normb, W)


def _tc_final(m2, x, normb, W, Wfc, bfc2, beta):
    def body(m_ref, x_ref, n_ref, w_ref, wfc_ref, b_ref, out_ref):
        mcat = m_ref[0] + m_ref[1]
        nb = n_ref[...]
        g = mcat * nb * (1.0 - ALPHA) + ALPHA * x_ref[...]
        hw = jnp.dot(g, w_ref[...], preferred_element_type=jnp.float32)
        h = jnp.maximum((1.0 - beta) * g + beta * hw, 0.0)
        out_ref[...] = (jnp.dot(h, wfc_ref[...],
                                preferred_element_type=jnp.float32)
                        + b_ref[...])

    return pl.pallas_call(
        body,
        grid=(N // BLK,),
        in_specs=[
            pl.BlockSpec((NC, BLK, D), lambda j: (0, j, 0)),
            pl.BlockSpec((BLK, D), lambda j: (j, 0)),
            pl.BlockSpec((BLK, D), lambda j: (j, 0)),
            pl.BlockSpec((D, D), lambda j: (0, 0)),
            pl.BlockSpec((D, C), lambda j: (0, 0)),
            pl.BlockSpec((1, C), lambda j: (0, 0)),
        ],
        out_specs=pl.BlockSpec((BLK, C), lambda j: (j, 0)),
        out_shape=jax.ShapeDtypeStruct((N, C), jnp.float32),
    )(m2, x, normb, W, Wfc, bfc2)


def kernel(x, edge_index, W1, W2, W3, W4, W5, Wfc, bfc):
    src = edge_index[0].astype(jnp.int32)
    dst = edge_index[1].astype(jnp.int32)
    srcp = jnp.pad(src.reshape(NW, EPT), ((0, 0), (0, CAP * CH - EPT)),
                   constant_values=DUMMY).reshape(NW, CAP, CH)
    dstp = jnp.pad(dst.reshape(NW, EPT), ((0, 0), (0, CAP * CH - EPT)),
                   constant_values=DUMMY).reshape(NW, CAP, CH)
    dstf = jnp.pad(dst.reshape(NW, EPT), ((0, 0), (0, FLEND - EPT)),
                   constant_values=DUMMY).reshape(NW * FLEND)
    zerosd = jnp.zeros((NPAD, D), jnp.float32)
    onesd = jnp.ones((KD, D), jnp.float32)

    deg2 = _sc_deg_fn()(dstf, onesd, zerosd)
    normb, hs = _tc_prep(deg2, x)

    Ws = (W1, W2, W3, W4, W5)
    for i in range(4):
        beta = math.log(LAMBDA / (i + 1) + 1.0)
        m2 = _sc_layer_fn()(hs, srcp, dstp, zerosd)
        hs = _tc_layer(m2, x, normb, Ws[i], beta)
    beta = math.log(LAMBDA / 5.0 + 1.0)
    m2 = _sc_layer_fn()(hs, srcp, dstp, zerosd)
    return _tc_final(m2, x, normb, Ws[4], Wfc, bfc.reshape(1, C), beta)

# --- scband reference (transcript-rebuilt; emitter-appended) ---
"""Pipeline reference for scband-gcn2-model-90460601188828 (READ-ONLY COPY).

The authoritative reference and input builder live on the scoring server;
editing this copy changes nothing except your own understanding.
"""

import jax, jax.numpy as jnp
import numpy as np
import math

N = 10000
D = 128
E = 320000
C = 40
NUM_BLOCKS = 4
ALPHA = 0.9
LAMBDA = 1.0


def setup_inputs(seed: int = 0):
    key = jax.random.key(seed)
    ks = jax.random.split(key, 9)
    inp = {}
    inp["x"] = jax.random.normal(ks[0], (N, D), dtype=jnp.float32)
    inp["edge_index"] = jax.random.randint(ks[1], (2, E), 0, N, dtype=jnp.int32)
    s = 1.0 / math.sqrt(D)
    for i in range(NUM_BLOCKS + 1):
        inp["W%d" % (i + 1)] = jax.random.normal(ks[2 + i], (D, D), dtype=jnp.float32) * s
    inp["Wfc"] = jax.random.normal(ks[7], (D, C), dtype=jnp.float32) * s
    inp["bfc"] = jnp.zeros((C,), dtype=jnp.float32)
    return inp


def _gcn2_conv(h, h0, W, src, dst, norm, beta):
    # symmetric degree normalization (DGL GCN2Conv)
    h = h * norm[:, None]
    m = jnp.zeros_like(h).at[dst].add(h[src])
    h = m * norm[:, None]
    # identity mapping with initial residual (GCNII)
    h = (1.0 - ALPHA) * h + ALPHA * h0
    return (1.0 - beta) * h + beta * (h @ W)


def reference(x, edge_index, W1, W2, W3, W4, W5, Wfc, bfc):
    src = edge_index[0]
    dst = edge_index[1]
    deg = jnp.zeros((N,), dtype=jnp.float32).at[dst].add(1.0)
    norm = jax.lax.rsqrt(jnp.maximum(deg, 1.0))
    Ws = [W1, W2, W3, W4, W5]
    h = x
    for i, W in enumerate(Ws):
        beta = math.log(LAMBDA / (i + 1) + 1.0)
        h = _gcn2_conv(h, x, W, src, dst, norm, beta)
        h = jax.nn.relu(h)
        # dropout is identity in eval mode
    out = h @ Wfc + bfc
    return jnp.squeeze(out)

if __name__ == "__main__":
    import jax
    _d = setup_inputs()
    print(jax.jit(kernel)(*tuple(_d.values())))

</pallas_src>

<mosaic_0001>
#map = affine_map<(d0, d1) -> (0)>
#map1 = affine_map<(d0, d1) -> (0, 0)>
#map2 = affine_map<(d0, d1) -> (0, 0, 0)>
module attributes {stable_mosaic.version = 14 : i64} {
  func.func @deg_kernel(%arg0: i32, %arg1: i32, %arg2: memref<331776xi32, #tpu.memory_space<hbm>>, %arg3: memref<288x128xf32, #tpu.memory_space<hbm>>, %arg4: memref<10112x128xf32, #tpu.memory_space<hbm>>, %arg5: memref<2x10112x128xf32, #tpu.memory_space<hbm>>, %arg6: memref<10112x128xf32, #tpu.memory_space<vmem_shared>>, %arg7: memref<10368xi32, #tpu.memory_space<vmem>>, %arg8: memref<288x128xf32, #tpu.memory_space<vmem>>, %arg9: memref<!tpu.dma_semaphore, #tpu.memory_space<semaphore_mem>>) attributes {dimension_semantics = [#tpu.dimension_semantics<core_parallel>, #tpu.dimension_semantics<subcore_parallel>], iteration_bounds = array<i64: 2, 16>, scalar_prefetch = 0 : i64, scratch_operands = 4 : i64, tpu.core_type = #tpu.core_type<sc_vector_subcore>, window_params = [{transform_indices = #map}, {transform_indices = #map1}, {transform_indices = #map1}, {transform_indices = #map2}]} {
    %mul3A = arith.constant 2 : i32
    %mul3A_0 = arith.muli %arg1, %mul3A : i32
    %add3A = arith.addi %mul3A_0, %arg0 : i32
    %mul3A_1 = arith.constant 632 : i32
    %mul3A_2 = arith.muli %arg1, %mul3A_1 : i32
    %mul3A_3 = arith.constant 632 : i32
    %mul3A_4 = arith.muli %arg1, %mul3A_3 : i32
    "tpu.region"() ({
      %run_scoped3A = tpu.sem_alloc : memref<!tpu.dma_semaphore, #tpu.memory_space<semaphore_mem>>
      %dma_start3A = arith.constant 0 : i32
      %dma_start3A_21 = tpu.memref_slice %arg6[%mul3A_4, %dma_start3A] : memref<10112x128xf32, #tpu.memory_space<vmem_shared>> -> memref<632x128xf32, #tpu.memory_space<vmem_shared>>
      %dma_start3A_22 = arith.constant 0 : i32
      %dma_start3A_23 = tpu.memref_slice %arg4[%mul3A_2, %dma_start3A_22] : memref<10112x128xf32, #tpu.memory_space<hbm>> -> memref<632x128xf32, #tpu.memory_space<hbm>>
      tpu.enqueue_dma source(%dma_start3A_23 : memref<632x128xf32, #tpu.memory_space<hbm>>) target(%dma_start3A_21 : memref<632x128xf32, #tpu.memory_space<vmem_shared>>) target_semaphore(%run_scoped3A : memref<!tpu.dma_semaphore, #tpu.memory_space<semaphore_mem>>)
      %dma_wait3A = arith.constant 0 : i32
      %dma_wait3A_24 = tpu.memref_slice %arg6[%mul3A_4, %dma_wait3A] : memref<10112x128xf32, #tpu.memory_space<vmem_shared>> -> memref<632x128xf32, #tpu.memory_space<vmem_shared>>
      %dma_wait3A_25 = arith.constant 0 : i32
      %dma_wait3A_26 = tpu.memref_slice %arg4[%mul3A_2, %dma_wait3A_25] : memref<10112x128xf32, #tpu.memory_space<hbm>> -> memref<632x128xf32, #tpu.memory_space<hbm>>
      tpu.wait_dma2 semaphore(%run_scoped3A : memref<!tpu.dma_semaphore, #tpu.memory_space<semaphore_mem>>) src(%dma_wait3A_26 : memref<632x128xf32, #tpu.memory_space<hbm>>) dst(%dma_wait3A_24 : memref<632x128xf32, #tpu.memory_space<vmem_shared>>)
      tpu.yield
    }) : () -> ()
    %mul3A_5 = arith.constant 10368 : i32
    %mul3A_6 = arith.muli %add3A, %mul3A_5 : i32
    "tpu.region"() ({
      %run_scoped3A = tpu.sem_alloc : memref<!tpu.dma_semaphore, #tpu.memory_space<semaphore_mem>>
      %dma_start3A = tpu.memref_slice %arg2[%mul3A_6] : memref<331776xi32, #tpu.memory_space<hbm>> -> memref<10368xi32, #tpu.memory_space<hbm>>
      %dma_start3A_21 = tpu.memref_slice %arg2[%mul3A_6] : memref<331776xi32, #tpu.memory_space<hbm>> -> memref<10368xi32, #tpu.memory_space<hbm>>
      tpu.enqueue_dma source(%dma_start3A_21 : memref<10368xi32, #tpu.memory_space<hbm>>) target(%arg7 : memref<10368xi32, #tpu.memory_space<vmem>>) target_semaphore(%run_scoped3A : memref<!tpu.dma_semaphore, #tpu.memory_space<semaphore_mem>>)
      %dma_wait3A = tpu.memref_slice %arg2[%mul3A_6] : memref<331776xi32, #tpu.memory_space<hbm>> -> memref<10368xi32, #tpu.memory_space<hbm>>
      %dma_wait3A_22 = tpu.memref_slice %arg2[%mul3A_6] : memref<331776xi32, #tpu.memory_space<hbm>> -> memref<10368xi32, #tpu.memory_space<hbm>>
      tpu.wait_dma2 semaphore(%run_scoped3A : memref<!tpu.dma_semaphore, #tpu.memory_space<semaphore_mem>>) src(%dma_wait3A_22 : memref<10368xi32, #tpu.memory_space<hbm>>) dst(%arg7 : memref<10368xi32, #tpu.memory_space<vmem>>)
      tpu.yield
    }) : () -> ()
    "tpu.region"() ({
      %run_scoped3A = tpu.sem_alloc : memref<!tpu.dma_semaphore, #tpu.memory_space<semaphore_mem>>
      tpu.enqueue_dma source(%arg3 : memref<288x128xf32, #tpu.memory_space<hbm>>) target(%arg8 : memref<288x128xf32, #tpu.memory_space<vmem>>) target_semaphore(%run_scoped3A : memref<!tpu.dma_semaphore, #tpu.memory_space<semaphore_mem>>)
      tpu.wait_dma2 semaphore(%run_scoped3A : memref<!tpu.dma_semaphore, #tpu.memory_space<semaphore_mem>>) src(%arg3 : memref<288x128xf32, #tpu.memory_space<hbm>>) dst(%arg8 : memref<288x128xf32, #tpu.memory_space<vmem>>)
      tpu.yield
    }) : () -> ()
    %barrier3A = arith.constant 0 : index
    tpu.barrier barrier_id(%barrier3A)
    %scan3A = arith.constant 0 : i32
    %scan3A_7 = arith.constant 36 : i32
    %scan3A_8 = arith.addi %scan3A, %scan3A_7 : i32
    %scan3A_9 = arith.constant 1 : i32
    scf.for %scan3A_21 = %scan3A to %scan3A_8 step %scan3A_9  : i32 {
      %mul3A_22 = arith.constant 1 : i32
      %mul3A_23 = arith.muli %scan3A_21, %mul3A_22 : i32
      %add3A_24 = arith.constant 0 : i32
      %add3A_25 = arith.addi %add3A_24, %mul3A_23 : i32
      %mul3A_26 = arith.constant 288 : i32
      %mul3A_27 = arith.muli %add3A_25, %mul3A_26 : i32
      %dma_start3A = tpu.memref_slice %arg7[%mul3A_27] : memref<10368xi32, #tpu.memory_space<vmem>> -> memref<288xi32, #tpu.memory_space<vmem>>
      %dma_start3A_28 = arith.constant 0 : i32
      %dma_start3A_29 = arith.constant 0 : i32
      %dma_start3A_30 = tpu.memref_slice %arg6[%dma_start3A_28, %dma_start3A_29] : memref<10112x128xf32, #tpu.memory_space<vmem_shared>> -> memref<10112x128xf32, #tpu.memory_space<vmem_shared>>
      tpu.enqueue_indirect_dma source(%arg8 : memref<288x128xf32, #tpu.memory_space<vmem>>) target(%dma_start3A_30 : memref<10112x128xf32, #tpu.memory_space<vmem_shared>>) offsets(%dma_start3A : memref<288xi32, #tpu.memory_space<vmem>>) semaphore(%arg9 : memref<!tpu.dma_semaphore, #tpu.memory_space<semaphore_mem>>) {add = true}
    }
    %scan3A_10 = arith.constant 36 : i32
    %scan3A_11 = arith.constant 0 : i32
    %scan3A_12 = arith.constant 36 : i32
    %scan3A_13 = arith.addi %scan3A_11, %scan3A_12 : i32
    %scan3A_14 = arith.constant 1 : i32
    scf.for %scan3A_21 = %scan3A_11 to %scan3A_13 step %scan3A_14  : i32 {
      %mul3A_22 = arith.constant 1 : i32
      %mul3A_23 = arith.muli %scan3A_21, %mul3A_22 : i32
      %add3A_24 = arith.constant 0 : i32
      %add3A_25 = arith.addi %add3A_24, %mul3A_23 : i32
      %dma_wait3A = arith.constant 0 : i32
      %dma_wait3A_26 = tpu.memref_slice %arg7[%dma_wait3A] : memref<10368xi32, #tpu.memory_space<vmem>> -> memref<288xi32, #tpu.memory_space<vmem>>
      %dma_wait3A_27 = arith.constant 0 : i32
      %dma_wait3A_28 = arith.constant 0 : i32
      %dma_wait3A_29 = tpu.memref_slice %arg6[%dma_wait3A_27, %dma_wait3A_28] : memref<10112x128xf32, #tpu.memory_space<vmem_shared>> -> memref<10112x128xf32, #tpu.memory_space<vmem_shared>>
      tpu.wait_indirect_dma semaphore(%arg9 : memref<!tpu.dma_semaphore, #tpu.memory_space<semaphore_mem>>) src(%arg8 : memref<288x128xf32, #tpu.memory_space<vmem>>) dst(%dma_wait3A_29 : memref<10112x128xf32, #tpu.memory_space<vmem_shared>>)
    }
    %scan3A_15 = arith.constant 36 : i32
    %barrier3A_16 = arith.constant 0 : index
    tpu.barrier barrier_id(%barrier3A_16)
    %mul3A_17 = arith.constant 632 : i32
    %mul3A_18 = arith.muli %arg1, %mul3A_17 : i32
    %mul3A_19 = arith.constant 632 : i32
    %mul3A_20 = arith.muli %arg1, %mul3A_19 : i32
    "tpu.region"() ({
      %run_scoped3A = tpu.sem_alloc : memref<!tpu.dma_semaphore, #tpu.memory_space<semaphore_mem>>
      %dma_start3A = arith.constant 0 : i32
      %dma_start3A_21 = tpu.memref_slice %arg5[%arg0, %mul3A_20, %dma_start3A] : memref<2x10112x128xf32, #tpu.memory_space<hbm>> -> memref<1x632x128xf32, #tpu.memory_space<hbm>>
      %dma_start3A_22 = tpu.memref_squeeze %dma_start3A_21 : memref<1x632x128xf32, #tpu.memory_space<hbm>> -> memref<632x128xf32, #tpu.memory_space<hbm>>
      %dma_start3A_23 = arith.constant 0 : i32
      %dma_start3A_24 = tpu.memref_slice %arg6[%mul3A_18, %dma_start3A_23] : memref<10112x128xf32, #tpu.memory_space<vmem_shared>> -> memref<632x128xf32, #tpu.memory_space<vmem_shared>>
      tpu.enqueue_dma source(%dma_start3A_24 : memref<632x128xf32, #tpu.memory_space<vmem_shared>>) target(%dma_start3A_22 : memref<632x128xf32, #tpu.memory_space<hbm>>) target_semaphore(%run_scoped3A : memref<!tpu.dma_semaphore, #tpu.memory_space<semaphore_mem>>)
      %dma_wait3A = arith.constant 0 : i32
      %dma_wait3A_25 = tpu.memref_slice %arg5[%arg0, %mul3A_20, %dma_wait3A] : memref<2x10112x128xf32, #tpu.memory_space<hbm>> -> memref<1x632x128xf32, #tpu.memory_space<hbm>>
      %dma_wait3A_26 = tpu.memref_squeeze %dma_wait3A_25 : memref<1x632x128xf32, #tpu.memory_space<hbm>> -> memref<632x128xf32, #tpu.memory_space<hbm>>
      %dma_wait3A_27 = arith.constant 0 : i32
      %dma_wait3A_28 = tpu.memref_slice %arg6[%mul3A_18, %dma_wait3A_27] : memref<10112x128xf32, #tpu.memory_space<vmem_shared>> -> memref<632x128xf32, #tpu.memory_space<vmem_shared>>
      tpu.wait_dma2 semaphore(%run_scoped3A : memref<!tpu.dma_semaphore, #tpu.memory_space<semaphore_mem>>) src(%dma_wait3A_28 : memref<632x128xf32, #tpu.memory_space<vmem_shared>>) dst(%dma_wait3A_26 : memref<632x128xf32, #tpu.memory_space<hbm>>)
      tpu.yield
    }) : () -> ()
    return
  }
}

#map = affine_map<(d0, d1) -> (0, 0)>
#map1 = affine_map<(d0, d1) -> (0, 0, 0)>
module attributes {stable_mosaic.version = 14 : i64} {
  func.func @layer_kernel(%arg0: i32, %arg1: i32, %arg2: memref<10112x128xf32, #tpu.memory_space<hbm>>, %arg3: memref<32x79x128xi32, #tpu.memory_space<hbm>>, %arg4: memref<32x79x128xi32, #tpu.memory_space<hbm>>, %arg5: memref<10112x128xf32, #tpu.memory_space<hbm>>, %arg6: memref<2x10112x128xf32, #tpu.memory_space<hbm>>, %arg7: memref<10112x128xf32, #tpu.memory_space<vmem_shared>>, %arg8: memref<79x128xi32, #tpu.memory_space<vmem>>, %arg9: memref<79x128xi32, #tpu.memory_space<vmem>>, %arg10: memref<128x128xf32, #tpu.memory_space<vmem>>, %arg11: memref<!tpu.dma_semaphore, #tpu.memory_space<semaphore_mem>>) attributes {dimension_semantics = [#tpu.dimension_semantics<core_parallel>, #tpu.dimension_semantics<subcore_parallel>], iteration_bounds = array<i64: 2, 16>, scalar_prefetch = 0 : i64, scratch_operands = 5 : i64, tpu.core_type = #tpu.core_type<sc_vector_subcore>, window_params = [{transform_indices = #map}, {transform_indices = #map1}, {transform_indices = #map1}, {transform_indices = #map}, {transform_indices = #map1}]} {
    %mul3A = arith.constant 2 : i32
    %mul3A_0 = arith.muli %arg1, %mul3A : i32
    %add3A = arith.addi %mul3A_0, %arg0 : i32
    %mul3A_1 = arith.constant 632 : i32
    %mul3A_2 = arith.muli %arg1, %mul3A_1 : i32
    %mul3A_3 = arith.constant 632 : i32
    %mul3A_4 = arith.muli %arg1, %mul3A_3 : i32
    "tpu.region"() ({
      %run_scoped3A = tpu.sem_alloc : memref<!tpu.dma_semaphore, #tpu.memory_space<semaphore_mem>>
      %dma_start3A = arith.constant 0 : i32
      %dma_start3A_14 = tpu.memref_slice %arg7[%mul3A_4, %dma_start3A] : memref<10112x128xf32, #tpu.memory_space<vmem_shared>> -> memref<632x128xf32, #tpu.memory_space<vmem_shared>>
      %dma_start3A_15 = arith.constant 0 : i32
      %dma_start3A_16 = tpu.memref_slice %arg5[%mul3A_2, %dma_start3A_15] : memref<10112x128xf32, #tpu.memory_space<hbm>> -> memref<632x128xf32, #tpu.memory_space<hbm>>
      tpu.enqueue_dma source(%dma_start3A_16 : memref<632x128xf32, #tpu.memory_space<hbm>>) target(%dma_start3A_14 : memref<632x128xf32, #tpu.memory_space<vmem_shared>>) target_semaphore(%run_scoped3A : memref<!tpu.dma_semaphore, #tpu.memory_space<semaphore_mem>>)
      %dma_wait3A = arith.constant 0 : i32
      %dma_wait3A_17 = tpu.memref_slice %arg7[%mul3A_4, %dma_wait3A] : memref<10112x128xf32, #tpu.memory_space<vmem_shared>> -> memref<632x128xf32, #tpu.memory_space<vmem_shared>>
      %dma_wait3A_18 = arith.constant 0 : i32
      %dma_wait3A_19 = tpu.memref_slice %arg5[%mul3A_2, %dma_wait3A_18] : memref<10112x128xf32, #tpu.memory_space<hbm>> -> memref<632x128xf32, #tpu.memory_space<hbm>>
      tpu.wait_dma2 semaphore(%run_scoped3A : memref<!tpu.dma_semaphore, #tpu.memory_space<semaphore_mem>>) src(%dma_wait3A_19 : memref<632x128xf32, #tpu.memory_space<hbm>>) dst(%dma_wait3A_17 : memref<632x128xf32, #tpu.memory_space<vmem_shared>>)
      tpu.yield
    }) : () -> ()
    "tpu.region"() ({
      %run_scoped3A = tpu.sem_alloc : memref<!tpu.dma_semaphore, #tpu.memory_space<semaphore_mem>>
      %dma_start3A = arith.constant 0 : i32
      %dma_start3A_14 = arith.constant 0 : i32
      %dma_start3A_15 = tpu.memref_slice %arg3[%add3A, %dma_start3A, %dma_start3A_14] : memref<32x79x128xi32, #tpu.memory_space<hbm>> -> memref<1x79x128xi32, #tpu.memory_space<hbm>>
      %dma_start3A_16 = tpu.memref_squeeze %dma_start3A_15 : memref<1x79x128xi32, #tpu.memory_space<hbm>> -> memref<79x128xi32, #tpu.memory_space<hbm>>
      %dma_start3A_17 = arith.constant 0 : i32
      %dma_start3A_18 = arith.constant 0 : i32
      %dma_start3A_19 = tpu.memref_slice %arg3[%add3A, %dma_start3A_17, %dma_start3A_18] : memref<32x79x128xi32, #tpu.memory_space<hbm>> -> memref<1x79x128xi32, #tpu.memory_space<hbm>>
      %dma_start3A_20 = tpu.memref_squeeze %dma_start3A_19 : memref<1x79x128xi32, #tpu.memory_space<hbm>> -> memref<79x128xi32, #tpu.memory_space<hbm>>
      tpu.enqueue_dma source(%dma_start3A_20 : memref<79x128xi32, #tpu.memory_space<hbm>>) target(%arg8 : memref<79x128xi32, #tpu.memory_space<vmem>>) target_semaphore(%run_scoped3A : memref<!tpu.dma_semaphore, #tpu.memory_space<semaphore_mem>>)
      %dma_wait3A = arith.constant 0 : i32
      %dma_wait3A_21 = arith.constant 0 : i32
      %dma_wait3A_22 = tpu.memref_slice %arg3[%add3A, %dma_wait3A, %dma_wait3A_21] : memref<32x79x128xi32, #tpu.memory_space<hbm>> -> memref<1x79x128xi32, #tpu.memory_space<hbm>>
      %dma_wait3A_23 = tpu.memref_squeeze %dma_wait3A_22 : memref<1x79x128xi32, #tpu.memory_space<hbm>> -> memref<79x128xi32, #tpu.memory_space<hbm>>
      %dma_wait3A_24 = arith.constant 0 : i32
      %dma_wait3A_25 = arith.constant 0 : i32
      %dma_wait3A_26 = tpu.memref_slice %arg3[%add3A, %dma_wait3A_24, %dma_wait3A_25] : memref<32x79x128xi32, #tpu.memory_space<hbm>> -> memref<1x79x128xi32, #tpu.memory_space<hbm>>
      %dma_wait3A_27 = tpu.memref_squeeze %dma_wait3A_26 : memref<1x79x128xi32, #tpu.memory_space<hbm>> -> memref<79x128xi32, #tpu.memory_space<hbm>>
      tpu.wait_dma2 semaphore(%run_scoped3A : memref<!tpu.dma_semaphore, #tpu.memory_space<semaphore_mem>>) src(%dma_wait3A_27 : memref<79x128xi32, #tpu.memory_space<hbm>>) dst(%arg8 : memref<79x128xi32, #tpu.memory_space<vmem>>)
      tpu.yield
    }) : () -> ()
    "tpu.region"() ({
      %run_scoped3A = tpu.sem_alloc : memref<!tpu.dma_semaphore, #tpu.memory_space<semaphore_mem>>
      %dma_start3A = arith.constant 0 : i32
      %dma_start3A_14 = arith.constant 0 : i32
      %dma_start3A_15 = tpu.memref_slice %arg4[%add3A, %dma_start3A, %dma_start3A_14] : memref<32x79x128xi32, #tpu.memory_space<hbm>> -> memref<1x79x128xi32, #tpu.memory_space<hbm>>
      %dma_start3A_16 = tpu.memref_squeeze %dma_start3A_15 : memref<1x79x128xi32, #tpu.memory_space<hbm>> -> memref<79x128xi32, #tpu.memory_space<hbm>>
      %dma_start3A_17 = arith.constant 0 : i32
      %dma_start3A_18 = arith.constant 0 : i32
      %dma_start3A_19 = tpu.memref_slice %arg4[%add3A, %dma_start3A_17, %dma_start3A_18] : memref<32x79x128xi32, #tpu.memory_space<hbm>> -> memref<1x79x128xi32, #tpu.memory_space<hbm>>
      %dma_start3A_20 = tpu.memref_squeeze %dma_start3A_19 : memref<1x79x128xi32, #tpu.memory_space<hbm>> -> memref<79x128xi32, #tpu.memory_space<hbm>>
      tpu.enqueue_dma source(%dma_start3A_20 : memref<79x128xi32, #tpu.memory_space<hbm>>) target(%arg9 : memref<79x128xi32, #tpu.memory_space<vmem>>) target_semaphore(%run_scoped3A : memref<!tpu.dma_semaphore, #tpu.memory_space<semaphore_mem>>)
      %dma_wait3A = arith.constant 0 : i32
      %dma_wait3A_21 = arith.constant 0 : i32
      %dma_wait3A_22 = tpu.memref_slice %arg4[%add3A, %dma_wait3A, %dma_wait3A_21] : memref<32x79x128xi32, #tpu.memory_space<hbm>> -> memref<1x79x128xi32, #tpu.memory_space<hbm>>
      %dma_wait3A_23 = tpu.memref_squeeze %dma_wait3A_22 : memref<1x79x128xi32, #tpu.memory_space<hbm>> -> memref<79x128xi32, #tpu.memory_space<hbm>>
      %dma_wait3A_24 = arith.constant 0 : i32
      %dma_wait3A_25 = arith.constant 0 : i32
      %dma_wait3A_26 = tpu.memref_slice %arg4[%add3A, %dma_wait3A_24, %dma_wait3A_25] : memref<32x79x128xi32, #tpu.memory_space<hbm>> -> memref<1x79x128xi32, #tpu.memory_space<hbm>>
      %dma_wait3A_27 = tpu.memref_squeeze %dma_wait3A_26 : memref<1x79x128xi32, #tpu.memory_space<hbm>> -> memref<79x128xi32, #tpu.memory_space<hbm>>
      tpu.wait_dma2 semaphore(%run_scoped3A : memref<!tpu.dma_semaphore, #tpu.memory_space<semaphore_mem>>) src(%dma_wait3A_27 : memref<79x128xi32, #tpu.memory_space<hbm>>) dst(%arg9 : memref<79x128xi32, #tpu.memory_space<vmem>>)
      tpu.yield
    }) : () -> ()
    %barrier3A = arith.constant 0 : index
    tpu.barrier barrier_id(%barrier3A)
    %scan3A = arith.constant 0 : i32
    %scan3A_5 = arith.constant 79 : i32
    %scan3A_6 = arith.addi %scan3A, %scan3A_5 : i32
    %scan3A_7 = arith.constant 1 : i32
    scf.for %scan3A_14 = %scan3A to %scan3A_6 step %scan3A_7  : i32 {
      %mul3A_15 = arith.constant 1 : i32
      %mul3A_16 = arith.muli %scan3A_14, %mul3A_15 : i32
      %add3A_17 = arith.constant 0 : i32
      %add3A_18 = arith.addi %add3A_17, %mul3A_16 : i32
      %dma_start3A = arith.constant 0 : i32
      %dma_start3A_19 = tpu.memref_slice %arg8[%add3A_18, %dma_start3A] : memref<79x128xi32, #tpu.memory_space<vmem>> -> memref<1x128xi32, #tpu.memory_space<vmem>>
      %dma_start3A_20 = tpu.memref_squeeze %dma_start3A_19 : memref<1x128xi32, #tpu.memory_space<vmem>> -> memref<128xi32, #tpu.memory_space<vmem>>
      %dma_start3A_21 = arith.constant 0 : i32
      %dma_start3A_22 = arith.constant 0 : i32
      %dma_start3A_23 = tpu.memref_slice %arg2[%dma_start3A_21, %dma_start3A_22] : memref<10112x128xf32, #tpu.memory_space<hbm>> -> memref<10112x128xf32, #tpu.memory_space<hbm>>
      tpu.enqueue_indirect_dma source(%dma_start3A_23 : memref<10112x128xf32, #tpu.memory_space<hbm>>) target(%arg10 : memref<128x128xf32, #tpu.memory_space<vmem>>) offsets(%dma_start3A_20 : memref<128xi32, #tpu.memory_space<vmem>>) semaphore(%arg11 : memref<!tpu.dma_semaphore, #tpu.memory_space<semaphore_mem>>)
      %dma_wait3A = arith.constant 0 : i32
      %dma_wait3A_24 = tpu.memref_slice %arg8[%add3A_18, %dma_wait3A] : memref<79x128xi32, #tpu.memory_space<vmem>> -> memref<1x128xi32, #tpu.memory_space<vmem>>
      %dma_wait3A_25 = tpu.memref_squeeze %dma_wait3A_24 : memref<1x128xi32, #tpu.memory_space<vmem>> -> memref<128xi32, #tpu.memory_space<vmem>>
      %dma_wait3A_26 = arith.constant 0 : i32
      %dma_wait3A_27 = arith.constant 0 : i32
      %dma_wait3A_28 = tpu.memref_slice %arg2[%dma_wait3A_26, %dma_wait3A_27] : memref<10112x128xf32, #tpu.memory_space<hbm>> -> memref<10112x128xf32, #tpu.memory_space<hbm>>
      tpu.wait_indirect_dma semaphore(%arg11 : memref<!tpu.dma_semaphore, #tpu.memory_space<semaphore_mem>>) src(%dma_wait3A_28 : memref<10112x128xf32, #tpu.memory_space<hbm>>) dst(%arg10 : memref<128x128xf32, #tpu.memory_space<vmem>>)
      "tpu.region"() ({
        %run_scoped3A = tpu.sem_alloc : memref<!tpu.dma_semaphore, #tpu.memory_space<semaphore_mem>>
        %dma_start3A_29 = arith.constant 0 : i32
        %dma_start3A_30 = tpu.memref_slice %arg9[%add3A_18, %dma_start3A_29] : memref<79x128xi32, #tpu.memory_space<vmem>> -> memref<1x128xi32, #tpu.memory_space<vmem>>
        %dma_start3A_31 = tpu.memref_squeeze %dma_start3A_30 : memref<1x128xi32, #tpu.memory_space<vmem>> -> memref<128xi32, #tpu.memory_space<vmem>>
        %dma_start3A_32 = arith.constant 0 : i32
        %dma_start3A_33 = arith.constant 0 : i32
        %dma_start3A_34 = tpu.memref_slice %arg7[%dma_start3A_32, %dma_start3A_33] : memref<10112x128xf32, #tpu.memory_space<vmem_shared>> -> memref<10112x128xf32, #tpu.memory_space<vmem_shared>>
        tpu.enqueue_indirect_dma source(%arg10 : memref<128x128xf32, #tpu.memory_space<vmem>>) target(%dma_start3A_34 : memref<10112x128xf32, #tpu.memory_space<vmem_shared>>) offsets(%dma_start3A_31 : memref<128xi32, #tpu.memory_space<vmem>>) semaphore(%run_scoped3A : memref<!tpu.dma_semaphore, #tpu.memory_space<semaphore_mem>>) {add = true}
        %dma_wait3A_35 = arith.constant 0 : i32
        %dma_wait3A_36 = tpu.memref_slice %arg9[%add3A_18, %dma_wait3A_35] : memref<79x128xi32, #tpu.memory_space<vmem>> -> memref<1x128xi32, #tpu.memory_space<vmem>>
        %dma_wait3A_37 = tpu.memref_squeeze %dma_wait3A_36 : memref<1x128xi32, #tpu.memory_space<vmem>> -> memref<128xi32, #tpu.memory_space<vmem>>
        %dma_wait3A_38 = arith.constant 0 : i32
        %dma_wait3A_39 = arith.constant 0 : i32
        %dma_wait3A_40 = tpu.memref_slice %arg7[%dma_wait3A_38, %dma_wait3A_39] : memref<10112x128xf32, #tpu.memory_space<vmem_shared>> -> memref<10112x128xf32, #tpu.memory_space<vmem_shared>>
        tpu.wait_indirect_dma semaphore(%run_scoped3A : memref<!tpu.dma_semaphore, #tpu.memory_space<semaphore_mem>>) src(%arg10 : memref<128x128xf32, #tpu.memory_space<vmem>>) dst(%dma_wait3A_40 : memref<10112x128xf32, #tpu.memory_space<vmem_shared>>)
        tpu.yield
      }) : () -> ()
    }
    %scan3A_8 = arith.constant 79 : i32
    %barrier3A_9 = arith.constant 0 : index
    tpu.barrier barrier_id(%barrier3A_9)
    %mul3A_10 = arith.constant 632 : i32
    %mul3A_11 = arith.muli %arg1, %mul3A_10 : i32
    %mul3A_12 = arith.constant 632 : i32
    %mul3A_13 = arith.muli %arg1, %mul3A_12 : i32
    "tpu.region"() ({
      %run_scoped3A = tpu.sem_alloc : memref<!tpu.dma_semaphore, #tpu.memory_space<semaphore_mem>>
      %dma_start3A = arith.constant 0 : i32
      %dma_start3A_14 = tpu.memref_slice %arg6[%arg0, %mul3A_13, %dma_start3A] : memref<2x10112x128xf32, #tpu.memory_space<hbm>> -> memref<1x632x128xf32, #tpu.memory_space<hbm>>
      %dma_start3A_15 = tpu.memref_squeeze %dma_start3A_14 : memref<1x632x128xf32, #tpu.memory_space<hbm>> -> memref<632x128xf32, #tpu.memory_space<hbm>>
      %dma_start3A_16 = arith.constant 0 : i32
      %dma_start3A_17 = tpu.memref_slice %arg7[%mul3A_11, %dma_start3A_16] : memref<10112x128xf32, #tpu.memory_space<vmem_shared>> -> memref<632x128xf32, #tpu.memory_space<vmem_shared>>
      tpu.enqueue_dma source(%dma_start3A_17 : memref<632x128xf32, #tpu.memory_space<vmem_shared>>) target(%dma_start3A_15 : memref<632x128xf32, #tpu.memory_space<hbm>>) target_semaphore(%run_scoped3A : memref<!tpu.dma_semaphore, #tpu.memory_space<semaphore_mem>>)
      %dma_wait3A = arith.constant 0 : i32
      %dma_wait3A_18 = tpu.memref_slice %arg6[%arg0, %mul3A_13, %dma_wait3A] : memref<2x10112x128xf32, #tpu.memory_space<hbm>> -> memref<1x632x128xf32, #tpu.memory_space<hbm>>
      %dma_wait3A_19 = tpu.memref_squeeze %dma_wait3A_18 : memref<1x632x128xf32, #tpu.memory_space<hbm>> -> memref<632x128xf32, #tpu.memory_space<hbm>>
      %dma_wait3A_20 = arith.constant 0 : i32
      %dma_wait3A_21 = tpu.memref_slice %arg7[%mul3A_11, %dma_wait3A_20] : memref<10112x128xf32, #tpu.memory_space<vmem_shared>> -> memref<632x128xf32, #tpu.memory_space<vmem_shared>>
      tpu.wait_dma2 semaphore(%run_scoped3A : memref<!tpu.dma_semaphore, #tpu.memory_space<semaphore_mem>>) src(%dma_wait3A_21 : memref<632x128xf32, #tpu.memory_space<vmem_shared>>) dst(%dma_wait3A_19 : memref<632x128xf32, #tpu.memory_space<hbm>>)
      tpu.yield
    }) : () -> ()
    return
  }
}

#map = affine_map<(d0, d1) -> (0, 0)>
#map1 = affine_map<(d0, d1) -> (0, 0, 0)>
module attributes {stable_mosaic.version = 14 : i64} {
  func.func @layer_kernel(%arg0: i32, %arg1: i32, %arg2: memref<10112x128xf32, #tpu.memory_space<hbm>>, %arg3: memref<32x79x128xi32, #tpu.memory_space<hbm>>, %arg4: memref<32x79x128xi32, #tpu.memory_space<hbm>>, %arg5: memref<10112x128xf32, #tpu.memory_space<hbm>>, %arg6: memref<2x10112x128xf32, #tpu.memory_space<hbm>>, %arg7: memref<10112x128xf32, #tpu.memory_space<vmem_shared>>, %arg8: memref<79x128xi32, #tpu.memory_space<vmem>>, %arg9: memref<79x128xi32, #tpu.memory_space<vmem>>, %arg10: memref<128x128xf32, #tpu.memory_space<vmem>>, %arg11: memref<!tpu.dma_semaphore, #tpu.memory_space<semaphore_mem>>) attributes {dimension_semantics = [#tpu.dimension_semantics<core_parallel>, #tpu.dimension_semantics<subcore_parallel>], iteration_bounds = array<i64: 2, 16>, scalar_prefetch = 0 : i64, scratch_operands = 5 : i64, tpu.core_type = #tpu.core_type<sc_vector_subcore>, window_params = [{transform_indices = #map}, {transform_indices = #map1}, {transform_indices = #map1}, {transform_indices = #map}, {transform_indices = #map1}]} {
    %mul3A = arith.constant 2 : i32
    %mul3A_0 = arith.muli %arg1, %mul3A : i32
    %add3A = arith.addi %mul3A_0, %arg0 : i32
    %mul3A_1 = arith.constant 632 : i32
    %mul3A_2 = arith.muli %arg1, %mul3A_1 : i32
    %mul3A_3 = arith.constant 632 : i32
    %mul3A_4 = arith.muli %arg1, %mul3A_3 : i32
    "tpu.region"() ({
      %run_scoped3A = tpu.sem_alloc : memref<!tpu.dma_semaphore, #tpu.memory_space<semaphore_mem>>
      %dma_start3A = arith.constant 0 : i32
      %dma_start3A_14 = tpu.memref_slice %arg7[%mul3A_4, %dma_start3A] : memref<10112x128xf32, #tpu.memory_space<vmem_shared>> -> memref<632x128xf32, #tpu.memory_space<vmem_shared>>
      %dma_start3A_15 = arith.constant 0 : i32
      %dma_start3A_16 = tpu.memref_slice %arg5[%mul3A_2, %dma_start3A_15] : memref<10112x128xf32, #tpu.memory_space<hbm>> -> memref<632x128xf32, #tpu.memory_space<hbm>>
      tpu.enqueue_dma source(%dma_start3A_16 : memref<632x128xf32, #tpu.memory_space<hbm>>) target(%dma_start3A_14 : memref<632x128xf32, #tpu.memory_space<vmem_shared>>) target_semaphore(%run_scoped3A : memref<!tpu.dma_semaphore, #tpu.memory_space<semaphore_mem>>)
      %dma_wait3A = arith.constant 0 : i32
      %dma_wait3A_17 = tpu.memref_slice %arg7[%mul3A_4, %dma_wait3A] : memref<10112x128xf32, #tpu.memory_space<vmem_shared>> -> memref<632x128xf32, #tpu.memory_space<vmem_shared>>
      %dma_wait3A_18 = arith.constant 0 : i32
      %dma_wait3A_19 = tpu.memref_slice %arg5[%mul3A_2, %dma_wait3A_18] : memref<10112x128xf32, #tpu.memory_space<hbm>> -> memref<632x128xf32, #tpu.memory_space<hbm>>
      tpu.wait_dma2 semaphore(%run_scoped3A : memref<!tpu.dma_semaphore, #tpu.memory_space<semaphore_mem>>) src(%dma_wait3A_19 : memref<632x128xf32, #tpu.memory_space<hbm>>) dst(%dma_wait3A_17 : memref<632x128xf32, #tpu.memory_space<vmem_shared>>)
      tpu.yield
    }) : () -> ()
    "tpu.region"() ({
      %run_scoped3A = tpu.sem_alloc : memref<!tpu.dma_semaphore, #tpu.memory_space<semaphore_mem>>
      %dma_start3A = arith.constant 0 : i32
      %dma_start3A_14 = arith.constant 0 : i32
      %dma_start3A_15 = tpu.memref_slice %arg3[%add3A, %dma_start3A, %dma_start3A_14] : memref<32x79x128xi32, #tpu.memory_space<hbm>> -> memref<1x79x128xi32, #tpu.memory_space<hbm>>
      %dma_start3A_16 = tpu.memref_squeeze %dma_start3A_15 : memref<1x79x128xi32, #tpu.memory_space<hbm>> -> memref<79x128xi32, #tpu.memory_space<hbm>>
      %dma_start3A_17 = arith.constant 0 : i32
      %dma_start3A_18 = arith.constant 0 : i32
      %dma_start3A_19 = tpu.memref_slice %arg3[%add3A, %dma_start3A_17, %dma_start3A_18] : memref<32x79x128xi32, #tpu.memory_space<hbm>> -> memref<1x79x128xi32, #tpu.memory_space<hbm>>
      %dma_start3A_20 = tpu.memref_squeeze %dma_start3A_19 : memref<1x79x128xi32, #tpu.memory_space<hbm>> -> memref<79x128xi32, #tpu.memory_space<hbm>>
      tpu.enqueue_dma source(%dma_start3A_20 : memref<79x128xi32, #tpu.memory_space<hbm>>) target(%arg8 : memref<79x128xi32, #tpu.memory_space<vmem>>) target_semaphore(%run_scoped3A : memref<!tpu.dma_semaphore, #tpu.memory_space<semaphore_mem>>)
      %dma_wait3A = arith.constant 0 : i32
      %dma_wait3A_21 = arith.constant 0 : i32
      %dma_wait3A_22 = tpu.memref_slice %arg3[%add3A, %dma_wait3A, %dma_wait3A_21] : memref<32x79x128xi32, #tpu.memory_space<hbm>> -> memref<1x79x128xi32, #tpu.memory_space<hbm>>
      %dma_wait3A_23 = tpu.memref_squeeze %dma_wait3A_22 : memref<1x79x128xi32, #tpu.memory_space<hbm>> -> memref<79x128xi32, #tpu.memory_space<hbm>>
      %dma_wait3A_24 = arith.constant 0 : i32
      %dma_wait3A_25 = arith.constant 0 : i32
      %dma_wait3A_26 = tpu.memref_slice %arg3[%add3A, %dma_wait3A_24, %dma_wait3A_25] : memref<32x79x128xi32, #tpu.memory_space<hbm>> -> memref<1x79x128xi32, #tpu.memory_space<hbm>>
      %dma_wait3A_27 = tpu.memref_squeeze %dma_wait3A_26 : memref<1x79x128xi32, #tpu.memory_space<hbm>> -> memref<79x128xi32, #tpu.memory_space<hbm>>
      tpu.wait_dma2 semaphore(%run_scoped3A : memref<!tpu.dma_semaphore, #tpu.memory_space<semaphore_mem>>) src(%dma_wait3A_27 : memref<79x128xi32, #tpu.memory_space<hbm>>) dst(%arg8 : memref<79x128xi32, #tpu.memory_space<vmem>>)
      tpu.yield
    }) : () -> ()
    "tpu.region"() ({
      %run_scoped3A = tpu.sem_alloc : memref<!tpu.dma_semaphore, #tpu.memory_space<semaphore_mem>>
      %dma_start3A = arith.constant 0 : i32
      %dma_start3A_14 = arith.constant 0 : i32
      %dma_start3A_15 = tpu.memref_slice %arg4[%add3A, %dma_start3A, %dma_start3A_14] : memref<32x79x128xi32, #tpu.memory_space<hbm>> -> memref<1x79x128xi32, #tpu.memory_space<hbm>>
      %dma_start3A_16 = tpu.memref_squeeze %dma_start3A_15 : memref<1x79x128xi32, #tpu.memory_space<hbm>> -> memref<79x128xi32, #tpu.memory_space<hbm>>
      %dma_start3A_17 = arith.constant 0 : i32
      %dma_start3A_18 = arith.constant 0 : i32
      %dma_start3A_19 = tpu.memref_slice %arg4[%add3A, %dma_start3A_17, %dma_start3A_18] : memref<32x79x128xi32, #tpu.memory_space<hbm>> -> memref<1x79x128xi32, #tpu.memory_space<hbm>>
      %dma_start3A_20 = tpu.memref_squeeze %dma_start3A_19 : memref<1x79x128xi32, #tpu.memory_space<hbm>> -> memref<79x128xi32, #tpu.memory_space<hbm>>
      tpu.enqueue_dma source(%dma_start3A_20 : memref<79x128xi32, #tpu.memory_space<hbm>>) target(%arg9 : memref<79x128xi32, #tpu.memory_space<vmem>>) target_semaphore(%run_scoped3A : memref<!tpu.dma_semaphore, #tpu.memory_space<semaphore_mem>>)
      %dma_wait3A = arith.constant 0 : i32
      %dma_wait3A_21 = arith.constant 0 : i32
      %dma_wait3A_22 = tpu.memref_slice %arg4[%add3A, %dma_wait3A, %dma_wait3A_21] : memref<32x79x128xi32, #tpu.memory_space<hbm>> -> memref<1x79x128xi32, #tpu.memory_space<hbm>>
      %dma_wait3A_23 = tpu.memref_squeeze %dma_wait3A_22 : memref<1x79x128xi32, #tpu.memory_space<hbm>> -> memref<79x128xi32, #tpu.memory_space<hbm>>
      %dma_wait3A_24 = arith.constant 0 : i32
      %dma_wait3A_25 = arith.constant 0 : i32
      %dma_wait3A_26 = tpu.memref_slice %arg4[%add3A, %dma_wait3A_24, %dma_wait3A_25] : memref<32x79x128xi32, #tpu.memory_space<hbm>> -> memref<1x79x128xi32, #tpu.memory_space<hbm>>
      %dma_wait3A_27 = tpu.memref_squeeze %dma_wait3A_26 : memref<1x79x128xi32, #tpu.memory_space<hbm>> -> memref<79x128xi32, #tpu.memory_space<hbm>>
      tpu.wait_dma2 semaphore(%run_scoped3A : memref<!tpu.dma_semaphore, #tpu.memory_space<semaphore_mem>>) src(%dma_wait3A_27 : memref<79x128xi32, #tpu.memory_space<hbm>>) dst(%arg9 : memref<79x128xi32, #tpu.memory_space<vmem>>)
      tpu.yield
    }) : () -> ()
    %barrier3A = arith.constant 0 : index
    tpu.barrier barrier_id(%barrier3A)
    %scan3A = arith.constant 0 : i32
    %scan3A_5 = arith.constant 79 : i32
    %scan3A_6 = arith.addi %scan3A, %scan3A_5 : i32
    %scan3A_7 = arith.constant 1 : i32
    scf.for %scan3A_14 = %scan3A to %scan3A_6 step %scan3A_7  : i32 {
      %mul3A_15 = arith.constant 1 : i32
      %mul3A_16 = arith.muli %scan3A_14, %mul3A_15 : i32
      %add3A_17 = arith.constant 0 : i32
      %add3A_18 = arith.addi %add3A_17, %mul3A_16 : i32
      %dma_start3A = arith.constant 0 : i32
      %dma_start3A_19 = tpu.memref_slice %arg8[%add3A_18, %dma_start3A] : memref<79x128xi32, #tpu.memory_space<vmem>> -> memref<1x128xi32, #tpu.memory_space<vmem>>
      %dma_start3A_20 = tpu.memref_squeeze %dma_start3A_19 : memref<1x128xi32, #tpu.memory_space<vmem>> -> memref<128xi32, #tpu.memory_space<vmem>>
      %dma_start3A_21 = arith.constant 0 : i32
      %dma_start3A_22 = arith.constant 0 : i32
      %dma_start3A_23 = tpu.memref_slice %arg2[%dma_start3A_21, %dma_start3A_22] : memref<10112x128xf32, #tpu.memory_space<hbm>> -> memref<10112x128xf32, #tpu.memory_space<hbm>>
      tpu.enqueue_indirect_dma source(%dma_start3A_23 : memref<10112x128xf32, #tpu.memory_space<hbm>>) target(%arg10 : memref<128x128xf32, #tpu.memory_space<vmem>>) offsets(%dma_start3A_20 : memref<128xi32, #tpu.memory_space<vmem>>) semaphore(%arg11 : memref<!tpu.dma_semaphore, #tpu.memory_space<semaphore_mem>>)
      %dma_wait3A = arith.constant 0 : i32
      %dma_wait3A_24 = tpu.memref_slice %arg8[%add3A_18, %dma_wait3A] : memref<79x128xi32, #tpu.memory_space<vmem>> -> memref<1x128xi32, #tpu.memory_space<vmem>>
      %dma_wait3A_25 = tpu.memref_squeeze %dma_wait3A_24 : memref<1x128xi32, #tpu.memory_space<vmem>> -> memref<128xi32, #tpu.memory_space<vmem>>
      %dma_wait3A_26 = arith.constant 0 : i32
      %dma_wait3A_27 = arith.constant 0 : i32
      %dma_wait3A_28 = tpu.memref_slice %arg2[%dma_wait3A_26, %dma_wait3A_27] : memref<10112x128xf32, #tpu.memory_space<hbm>> -> memref<10112x128xf32, #tpu.memory_space<hbm>>
      tpu.wait_indirect_dma semaphore(%arg11 : memref<!tpu.dma_semaphore, #tpu.memory_space<semaphore_mem>>) src(%dma_wait3A_28 : memref<10112x128xf32, #tpu.memory_space<hbm>>) dst(%arg10 : memref<128x128xf32, #tpu.memory_space<vmem>>)
      "tpu.region"() ({
        %run_scoped3A = tpu.sem_alloc : memref<!tpu.dma_semaphore, #tpu.memory_space<semaphore_mem>>
        %dma_start3A_29 = arith.constant 0 : i32
        %dma_start3A_30 = tpu.memref_slice %arg9[%add3A_18, %dma_start3A_29] : memref<79x128xi32, #tpu.memory_space<vmem>> -> memref<1x128xi32, #tpu.memory_space<vmem>>
        %dma_start3A_31 = tpu.memref_squeeze %dma_start3A_30 : memref<1x128xi32, #tpu.memory_space<vmem>> -> memref<128xi32, #tpu.memory_space<vmem>>
        %dma_start3A_32 = arith.constant 0 : i32
        %dma_start3A_33 = arith.constant 0 : i32
        %dma_start3A_34 = tpu.memref_slice %arg7[%dma_start3A_32, %dma_start3A_33] : memref<10112x128xf32, #tpu.memory_space<vmem_shared>> -> memref<10112x128xf32, #tpu.memory_space<vmem_shared>>
        tpu.enqueue_indirect_dma source(%arg10 : memref<128x128xf32, #tpu.memory_space<vmem>>) target(%dma_start3A_34 : memref<10112x128xf32, #tpu.memory_space<vmem_shared>>) offsets(%dma_start3A_31 : memref<128xi32, #tpu.memory_space<vmem>>) semaphore(%run_scoped3A : memref<!tpu.dma_semaphore, #tpu.memory_space<semaphore_mem>>) {add = true}
        %dma_wait3A_35 = arith.constant 0 : i32
        %dma_wait3A_36 = tpu.memref_slice %arg9[%add3A_18, %dma_wait3A_35] : memref<79x128xi32, #tpu.memory_space<vmem>> -> memref<1x128xi32, #tpu.memory_space<vmem>>
        %dma_wait3A_37 = tpu.memref_squeeze %dma_wait3A_36 : memref<1x128xi32, #tpu.memory_space<vmem>> -> memref<128xi32, #tpu.memory_space<vmem>>
        %dma_wait3A_38 = arith.constant 0 : i32
        %dma_wait3A_39 = arith.constant 0 : i32
        %dma_wait3A_40 = tpu.memref_slice %arg7[%dma_wait3A_38, %dma_wait3A_39] : memref<10112x128xf32, #tpu.memory_space<vmem_shared>> -> memref<10112x128xf32, #tpu.memory_space<vmem_shared>>
        tpu.wait_indirect_dma semaphore(%run_scoped3A : memref<!tpu.dma_semaphore, #tpu.memory_space<semaphore_mem>>) src(%arg10 : memref<128x128xf32, #tpu.memory_space<vmem>>) dst(%dma_wait3A_40 : memref<10112x128xf32, #tpu.memory_space<vmem_shared>>)
        tpu.yield
      }) : () -> ()
    }
    %scan3A_8 = arith.constant 79 : i32
    %barrier3A_9 = arith.constant 0 : index
    tpu.barrier barrier_id(%barrier3A_9)
    %mul3A_10 = arith.constant 632 : i32
    %mul3A_11 = arith.muli %arg1, %mul3A_10 : i32
    %mul3A_12 = arith.constant 632 : i32
    %mul3A_13 = arith.muli %arg1, %mul3A_12 : i32
    "tpu.region"() ({
      %run_scoped3A = tpu.sem_alloc : memref<!tpu.dma_semaphore, #tpu.memory_space<semaphore_mem>>
      %dma_start3A = arith.constant 0 : i32
      %dma_start3A_14 = tpu.memref_slice %arg6[%arg0, %mul3A_13, %dma_start3A] : memref<2x10112x128xf32, #tpu.memory_space<hbm>> -> memref<1x632x128xf32, #tpu.memory_space<hbm>>
      %dma_start3A_15 = tpu.memref_squeeze %dma_start3A_14 : memref<1x632x128xf32, #tpu.memory_space<hbm>> -> memref<632x128xf32, #tpu.memory_space<hbm>>
      %dma_start3A_16 = arith.constant 0 : i32
      %dma_start3A_17 = tpu.memref_slice %arg7[%mul3A_11, %dma_start3A_16] : memref<10112x128xf32, #tpu.memory_space<vmem_shared>> -> memref<632x128xf32, #tpu.memory_space<vmem_shared>>
      tpu.enqueue_dma source(%dma_start3A_17 : memref<632x128xf32, #tpu.memory_space<vmem_shared>>) target(%dma_start3A_15 : memref<632x128xf32, #tpu.memory_space<hbm>>) target_semaphore(%run_scoped3A : memref<!tpu.dma_semaphore, #tpu.memory_space<semaphore_mem>>)
      %dma_wait3A = arith.constant 0 : i32
      %dma_wait3A_18 = tpu.memref_slice %arg6[%arg0, %mul3A_13, %dma_wait3A] : memref<2x10112x128xf32, #tpu.memory_space<hbm>> -> memref<1x632x128xf32, #tpu.memory_space<hbm>>
      %dma_wait3A_19 = tpu.memref_squeeze %dma_wait3A_18 : memref<1x632x128xf32, #tpu.memory_space<hbm>> -> memref<632x128xf32, #tpu.memory_space<hbm>>
      %dma_wait3A_20 = arith.constant 0 : i32
      %dma_wait3A_21 = tpu.memref_slice %arg7[%mul3A_11, %dma_wait3A_20] : memref<10112x128xf32, #tpu.memory_space<vmem_shared>> -> memref<632x128xf32, #tpu.memory_space<vmem_shared>>
      tpu.wait_dma2 semaphore(%run_scoped3A : memref<!tpu.dma_semaphore, #tpu.memory_space<semaphore_mem>>) src(%dma_wait3A_21 : memref<632x128xf32, #tpu.memory_space<vmem_shared>>) dst(%dma_wait3A_19 : memref<632x128xf32, #tpu.memory_space<hbm>>)
      tpu.yield
    }) : () -> ()
    return
  }
}

#map = affine_map<(d0, d1) -> (0, 0)>
#map1 = affine_map<(d0, d1) -> (0, 0, 0)>
module attributes {stable_mosaic.version = 14 : i64} {
  func.func @layer_kernel(%arg0: i32, %arg1: i32, %arg2: memref<10112x128xf32, #tpu.memory_space<hbm>>, %arg3: memref<32x79x128xi32, #tpu.memory_space<hbm>>, %arg4: memref<32x79x128xi32, #tpu.memory_space<hbm>>, %arg5: memref<10112x128xf32, #tpu.memory_space<hbm>>, %arg6: memref<2x10112x128xf32, #tpu.memory_space<hbm>>, %arg7: memref<10112x128xf32, #tpu.memory_space<vmem_shared>>, %arg8: memref<79x128xi32, #tpu.memory_space<vmem>>, %arg9: memref<79x128xi32, #tpu.memory_space<vmem>>, %arg10: memref<128x128xf32, #tpu.memory_space<vmem>>, %arg11: memref<!tpu.dma_semaphore, #tpu.memory_space<semaphore_mem>>) attributes {dimension_semantics = [#tpu.dimension_semantics<core_parallel>, #tpu.dimension_semantics<subcore_parallel>], iteration_bounds = array<i64: 2, 16>, scalar_prefetch = 0 : i64, scratch_operands = 5 : i64, tpu.core_type = #tpu.core_type<sc_vector_subcore>, window_params = [{transform_indices = #map}, {transform_indices = #map1}, {transform_indices = #map1}, {transform_indices = #map}, {transform_indices = #map1}]} {
    %mul3A = arith.constant 2 : i32
    %mul3A_0 = arith.muli %arg1, %mul3A : i32
    %add3A = arith.addi %mul3A_0, %arg0 : i32
    %mul3A_1 = arith.constant 632 : i32
    %mul3A_2 = arith.muli %arg1, %mul3A_1 : i32
    %mul3A_3 = arith.constant 632 : i32
    %mul3A_4 = arith.muli %arg1, %mul3A_3 : i32
    "tpu.region"() ({
      %run_scoped3A = tpu.sem_alloc : memref<!tpu.dma_semaphore, #tpu.memory_space<semaphore_mem>>
      %dma_start3A = arith.constant 0 : i32
      %dma_start3A_14 = tpu.memref_slice %arg7[%mul3A_4, %dma_start3A] : memref<10112x128xf32, #tpu.memory_space<vmem_shared>> -> memref<632x128xf32, #tpu.memory_space<vmem_shared>>
      %dma_start3A_15 = arith.constant 0 : i32
      %dma_start3A_16 = tpu.memref_slice %arg5[%mul3A_2, %dma_start3A_15] : memref<10112x128xf32, #tpu.memory_space<hbm>> -> memref<632x128xf32, #tpu.memory_space<hbm>>
      tpu.enqueue_dma source(%dma_start3A_16 : memref<632x128xf32, #tpu.memory_space<hbm>>) target(%dma_start3A_14 : memref<632x128xf32, #tpu.memory_space<vmem_shared>>) target_semaphore(%run_scoped3A : memref<!tpu.dma_semaphore, #tpu.memory_space<semaphore_mem>>)
      %dma_wait3A = arith.constant 0 : i32
      %dma_wait3A_17 = tpu.memref_slice %arg7[%mul3A_4, %dma_wait3A] : memref<10112x128xf32, #tpu.memory_space<vmem_shared>> -> memref<632x128xf32, #tpu.memory_space<vmem_shared>>
      %dma_wait3A_18 = arith.constant 0 : i32
      %dma_wait3A_19 = tpu.memref_slice %arg5[%mul3A_2, %dma_wait3A_18] : memref<10112x128xf32, #tpu.memory_space<hbm>> -> memref<632x128xf32, #tpu.memory_space<hbm>>
      tpu.wait_dma2 semaphore(%run_scoped3A : memref<!tpu.dma_semaphore, #tpu.memory_space<semaphore_mem>>) src(%dma_wait3A_19 : memref<632x128xf32, #tpu.memory_space<hbm>>) dst(%dma_wait3A_17 : memref<632x128xf32, #tpu.memory_space<vmem_shared>>)
      tpu.yield
    }) : () -> ()
    "tpu.region"() ({
      %run_scoped3A = tpu.sem_alloc : memref<!tpu.dma_semaphore, #tpu.memory_space<semaphore_mem>>
      %dma_start3A = arith.constant 0 : i32
      %dma_start3A_14 = arith.constant 0 : i32
      %dma_start3A_15 = tpu.memref_slice %arg3[%add3A, %dma_start3A, %dma_start3A_14] : memref<32x79x128xi32, #tpu.memory_space<hbm>> -> memref<1x79x128xi32, #tpu.memory_space<hbm>>
      %dma_start3A_16 = tpu.memref_squeeze %dma_start3A_15 : memref<1x79x128xi32, #tpu.memory_space<hbm>> -> memref<79x128xi32, #tpu.memory_space<hbm>>
      %dma_start3A_17 = arith.constant 0 : i32
      %dma_start3A_18 = arith.constant 0 : i32
      %dma_start3A_19 = tpu.memref_slice %arg3[%add3A, %dma_start3A_17, %dma_start3A_18] : memref<32x79x128xi32, #tpu.memory_space<hbm>> -> memref<1x79x128xi32, #tpu.memory_space<hbm>>
      %dma_start3A_20 = tpu.memref_squeeze %dma_start3A_19 : memref<1x79x128xi32, #tpu.memory_space<hbm>> -> memref<79x128xi32, #tpu.memory_space<hbm>>
      tpu.enqueue_dma source(%dma_start3A_20 : memref<79x128xi32, #tpu.memory_space<hbm>>) target(%arg8 : memref<79x128xi32, #tpu.memory_space<vmem>>) target_semaphore(%run_scoped3A : memref<!tpu.dma_semaphore, #tpu.memory_space<semaphore_mem>>)
      %dma_wait3A = arith.constant 0 : i32
      %dma_wait3A_21 = arith.constant 0 : i32
      %dma_wait3A_22 = tpu.memref_slice %arg3[%add3A, %dma_wait3A, %dma_wait3A_21] : memref<32x79x128xi32, #tpu.memory_space<hbm>> -> memref<1x79x128xi32, #tpu.memory_space<hbm>>
      %dma_wait3A_23 = tpu.memref_squeeze %dma_wait3A_22 : memref<1x79x128xi32, #tpu.memory_space<hbm>> -> memref<79x128xi32, #tpu.memory_space<hbm>>
      %dma_wait3A_24 = arith.constant 0 : i32
      %dma_wait3A_25 = arith.constant 0 : i32
      %dma_wait3A_26 = tpu.memref_slice %arg3[%add3A, %dma_wait3A_24, %dma_wait3A_25] : memref<32x79x128xi32, #tpu.memory_space<hbm>> -> memref<1x79x128xi32, #tpu.memory_space<hbm>>
      %dma_wait3A_27 = tpu.memref_squeeze %dma_wait3A_26 : memref<1x79x128xi32, #tpu.memory_space<hbm>> -> memref<79x128xi32, #tpu.memory_space<hbm>>
      tpu.wait_dma2 semaphore(%run_scoped3A : memref<!tpu.dma_semaphore, #tpu.memory_space<semaphore_mem>>) src(%dma_wait3A_27 : memref<79x128xi32, #tpu.memory_space<hbm>>) dst(%arg8 : memref<79x128xi32, #tpu.memory_space<vmem>>)
      tpu.yield
    }) : () -> ()
    "tpu.region"() ({
      %run_scoped3A = tpu.sem_alloc : memref<!tpu.dma_semaphore, #tpu.memory_space<semaphore_mem>>
      %dma_start3A = arith.constant 0 : i32
      %dma_start3A_14 = arith.constant 0 : i32
      %dma_start3A_15 = tpu.memref_slice %arg4[%add3A, %dma_start3A, %dma_start3A_14] : memref<32x79x128xi32, #tpu.memory_space<hbm>> -> memref<1x79x128xi32, #tpu.memory_space<hbm>>
      %dma_start3A_16 = tpu.memref_squeeze %dma_start3A_15 : memref<1x79x128xi32, #tpu.memory_space<hbm>> -> memref<79x128xi32, #tpu.memory_space<hbm>>
      %dma_start3A_17 = arith.constant 0 : i32
      %dma_start3A_18 = arith.constant 0 : i32
      %dma_start3A_19 = tpu.memref_slice %arg4[%add3A, %dma_start3A_17, %dma_start3A_18] : memref<32x79x128xi32, #tpu.memory_space<hbm>> -> memref<1x79x128xi32, #tpu.memory_space<hbm>>
      %dma_start3A_20 = tpu.memref_squeeze %dma_start3A_19 : memref<1x79x128xi32, #tpu.memory_space<hbm>> -> memref<79x128xi32, #tpu.memory_space<hbm>>
      tpu.enqueue_dma source(%dma_start3A_20 : memref<79x128xi32, #tpu.memory_space<hbm>>) target(%arg9 : memref<79x128xi32, #tpu.memory_space<vmem>>) target_semaphore(%run_scoped3A : memref<!tpu.dma_semaphore, #tpu.memory_space<semaphore_mem>>)
      %dma_wait3A = arith.constant 0 : i32
      %dma_wait3A_21 = arith.constant 0 : i32
      %dma_wait3A_22 = tpu.memref_slice %arg4[%add3A, %dma_wait3A, %dma_wait3A_21] : memref<32x79x128xi32, #tpu.memory_space<hbm>> -> memref<1x79x128xi32, #tpu.memory_space<hbm>>
      %dma_wait3A_23 = tpu.memref_squeeze %dma_wait3A_22 : memref<1x79x128xi32, #tpu.memory_space<hbm>> -> memref<79x128xi32, #tpu.memory_space<hbm>>
      %dma_wait3A_24 = arith.constant 0 : i32
      %dma_wait3A_25 = arith.constant 0 : i32
      %dma_wait3A_26 = tpu.memref_slice %arg4[%add3A, %dma_wait3A_24, %dma_wait3A_25] : memref<32x79x128xi32, #tpu.memory_space<hbm>> -> memref<1x79x128xi32, #tpu.memory_space<hbm>>
      %dma_wait3A_27 = tpu.memref_squeeze %dma_wait3A_26 : memref<1x79x128xi32, #tpu.memory_space<hbm>> -> memref<79x128xi32, #tpu.memory_space<hbm>>
      tpu.wait_dma2 semaphore(%run_scoped3A : memref<!tpu.dma_semaphore, #tpu.memory_space<semaphore_mem>>) src(%dma_wait3A_27 : memref<79x128xi32, #tpu.memory_space<hbm>>) dst(%arg9 : memref<79x128xi32, #tpu.memory_space<vmem>>)
      tpu.yield
    }) : () -> ()
    %barrier3A = arith.constant 0 : index
    tpu.barrier barrier_id(%barrier3A)
    %scan3A = arith.constant 0 : i32
    %scan3A_5 = arith.constant 79 : i32
    %scan3A_6 = arith.addi %scan3A, %scan3A_5 : i32
    %scan3A_7 = arith.constant 1 : i32
    scf.for %scan3A_14 = %scan3A to %scan3A_6 step %scan3A_7  : i32 {
      %mul3A_15 = arith.constant 1 : i32
      %mul3A_16 = arith.muli %scan3A_14, %mul3A_15 : i32
      %add3A_17 = arith.constant 0 : i32
      %add3A_18 = arith.addi %add3A_17, %mul3A_16 : i32
      %dma_start3A = arith.constant 0 : i32
      %dma_start3A_19 = tpu.memref_slice %arg8[%add3A_18, %dma_start3A] : memref<79x128xi32, #tpu.memory_space<vmem>> -> memref<1x128xi32, #tpu.memory_space<vmem>>
      %dma_start3A_20 = tpu.memref_squeeze %dma_start3A_19 : memref<1x128xi32, #tpu.memory_space<vmem>> -> memref<128xi32, #tpu.memory_space<vmem>>
      %dma_start3A_21 = arith.constant 0 : i32
      %dma_start3A_22 = arith.constant 0 : i32
      %dma_start3A_23 = tpu.memref_slice %arg2[%dma_start3A_21, %dma_start3A_22] : memref<10112x128xf32, #tpu.memory_space<hbm>> -> memref<10112x128xf32, #tpu.memory_space<hbm>>
      tpu.enqueue_indirect_dma source(%dma_start3A_23 : memref<10112x128xf32, #tpu.memory_space<hbm>>) target(%arg10 : memref<128x128xf32, #tpu.memory_space<vmem>>) offsets(%dma_start3A_20 : memref<128xi32, #tpu.memory_space<vmem>>) semaphore(%arg11 : memref<!tpu.dma_semaphore, #tpu.memory_space<semaphore_mem>>)
      %dma_wait3A = arith.constant 0 : i32
      %dma_wait3A_24 = tpu.memref_slice %arg8[%add3A_18, %dma_wait3A] : memref<79x128xi32, #tpu.memory_space<vmem>> -> memref<1x128xi32, #tpu.memory_space<vmem>>
      %dma_wait3A_25 = tpu.memref_squeeze %dma_wait3A_24 : memref<1x128xi32, #tpu.memory_space<vmem>> -> memref<128xi32, #tpu.memory_space<vmem>>
      %dma_wait3A_26 = arith.constant 0 : i32
      %dma_wait3A_27 = arith.constant 0 : i32
      %dma_wait3A_28 = tpu.memref_slice %arg2[%dma_wait3A_26, %dma_wait3A_27] : memref<10112x128xf32, #tpu.memory_space<hbm>> -> memref<10112x128xf32, #tpu.memory_space<hbm>>
      tpu.wait_indirect_dma semaphore(%arg11 : memref<!tpu.dma_semaphore, #tpu.memory_space<semaphore_mem>>) src(%dma_wait3A_28 : memref<10112x128xf32, #tpu.memory_space<hbm>>) dst(%arg10 : memref<128x128xf32, #tpu.memory_space<vmem>>)
      "tpu.region"() ({
        %run_scoped3A = tpu.sem_alloc : memref<!tpu.dma_semaphore, #tpu.memory_space<semaphore_mem>>
        %dma_start3A_29 = arith.constant 0 : i32
        %dma_start3A_30 = tpu.memref_slice %arg9[%add3A_18, %dma_start3A_29] : memref<79x128xi32, #tpu.memory_space<vmem>> -> memref<1x128xi32, #tpu.memory_space<vmem>>
        %dma_start3A_31 = tpu.memref_squeeze %dma_start3A_30 : memref<1x128xi32, #tpu.memory_space<vmem>> -> memref<128xi32, #tpu.memory_space<vmem>>
        %dma_start3A_32 = arith.constant 0 : i32
        %dma_start3A_33 = arith.constant 0 : i32
        %dma_start3A_34 = tpu.memref_slice %arg7[%dma_start3A_32, %dma_start3A_33] : memref<10112x128xf32, #tpu.memory_space<vmem_shared>> -> memref<10112x128xf32, #tpu.memory_space<vmem_shared>>
        tpu.enqueue_indirect_dma source(%arg10 : memref<128x128xf32, #tpu.memory_space<vmem>>) target(%dma_start3A_34 : memref<10112x128xf32, #tpu.memory_space<vmem_shared>>) offsets(%dma_start3A_31 : memref<128xi32, #tpu.memory_space<vmem>>) semaphore(%run_scoped3A : memref<!tpu.dma_semaphore, #tpu.memory_space<semaphore_mem>>) {add = true}
        %dma_wait3A_35 = arith.constant 0 : i32
        %dma_wait3A_36 = tpu.memref_slice %arg9[%add3A_18, %dma_wait3A_35] : memref<79x128xi32, #tpu.memory_space<vmem>> -> memref<1x128xi32, #tpu.memory_space<vmem>>
        %dma_wait3A_37 = tpu.memref_squeeze %dma_wait3A_36 : memref<1x128xi32, #tpu.memory_space<vmem>> -> memref<128xi32, #tpu.memory_space<vmem>>
        %dma_wait3A_38 = arith.constant 0 : i32
        %dma_wait3A_39 = arith.constant 0 : i32
        %dma_wait3A_40 = tpu.memref_slice %arg7[%dma_wait3A_38, %dma_wait3A_39] : memref<10112x128xf32, #tpu.memory_space<vmem_shared>> -> memref<10112x128xf32, #tpu.memory_space<vmem_shared>>
        tpu.wait_indirect_dma semaphore(%run_scoped3A : memref<!tpu.dma_semaphore, #tpu.memory_space<semaphore_mem>>) src(%arg10 : memref<128x128xf32, #tpu.memory_space<vmem>>) dst(%dma_wait3A_40 : memref<10112x128xf32, #tpu.memory_space<vmem_shared>>)
        tpu.yield
      }) : () -> ()
    }
    %scan3A_8 = arith.constant 79 : i32
    %barrier3A_9 = arith.constant 0 : index
    tpu.barrier barrier_id(%barrier3A_9)
    %mul3A_10 = arith.constant 632 : i32
    %mul3A_11 = arith.muli %arg1, %mul3A_10 : i32
    %mul3A_12 = arith.constant 632 : i32
    %mul3A_13 = arith.muli %arg1, %mul3A_12 : i32
    "tpu.region"() ({
      %run_scoped3A = tpu.sem_alloc : memref<!tpu.dma_semaphore, #tpu.memory_space<semaphore_mem>>
      %dma_start3A = arith.constant 0 : i32
      %dma_start3A_14 = tpu.memref_slice %arg6[%arg0, %mul3A_13, %dma_start3A] : memref<2x10112x128xf32, #tpu.memory_space<hbm>> -> memref<1x632x128xf32, #tpu.memory_space<hbm>>
      %dma_start3A_15 = tpu.memref_squeeze %dma_start3A_14 : memref<1x632x128xf32, #tpu.memory_space<hbm>> -> memref<632x128xf32, #tpu.memory_space<hbm>>
      %dma_start3A_16 = arith.constant 0 : i32
      %dma_start3A_17 = tpu.memref_slice %arg7[%mul3A_11, %dma_start3A_16] : memref<10112x128xf32, #tpu.memory_space<vmem_shared>> -> memref<632x128xf32, #tpu.memory_space<vmem_shared>>
      tpu.enqueue_dma source(%dma_start3A_17 : memref<632x128xf32, #tpu.memory_space<vmem_shared>>) target(%dma_start3A_15 : memref<632x128xf32, #tpu.memory_space<hbm>>) target_semaphore(%run_scoped3A : memref<!tpu.dma_semaphore, #tpu.memory_space<semaphore_mem>>)
      %dma_wait3A = arith.constant 0 : i32
      %dma_wait3A_18 = tpu.memref_slice %arg6[%arg0, %mul3A_13, %dma_wait3A] : memref<2x10112x128xf32, #tpu.memory_space<hbm>> -> memref<1x632x128xf32, #tpu.memory_space<hbm>>
      %dma_wait3A_19 = tpu.memref_squeeze %dma_wait3A_18 : memref<1x632x128xf32, #tpu.memory_space<hbm>> -> memref<632x128xf32, #tpu.memory_space<hbm>>
      %dma_wait3A_20 = arith.constant 0 : i32
      %dma_wait3A_21 = tpu.memref_slice %arg7[%mul3A_11, %dma_wait3A_20] : memref<10112x128xf32, #tpu.memory_space<vmem_shared>> -> memref<632x128xf32, #tpu.memory_space<vmem_shared>>
      tpu.wait_dma2 semaphore(%run_scoped3A : memref<!tpu.dma_semaphore, #tpu.memory_space<semaphore_mem>>) src(%dma_wait3A_21 : memref<632x128xf32, #tpu.memory_space<vmem_shared>>) dst(%dma_wait3A_19 : memref<632x128xf32, #tpu.memory_space<hbm>>)
      tpu.yield
    }) : () -> ()
    return
  }
}

#map = affine_map<(d0, d1) -> (0, 0)>
#map1 = affine_map<(d0, d1) -> (0, 0, 0)>
module attributes {stable_mosaic.version = 14 : i64} {
  func.func @layer_kernel(%arg0: i32, %arg1: i32, %arg2: memref<10112x128xf32, #tpu.memory_space<hbm>>, %arg3: memref<32x79x128xi32, #tpu.memory_space<hbm>>, %arg4: memref<32x79x128xi32, #tpu.memory_space<hbm>>, %arg5: memref<10112x128xf32, #tpu.memory_space<hbm>>, %arg6: memref<2x10112x128xf32, #tpu.memory_space<hbm>>, %arg7: memref<10112x128xf32, #tpu.memory_space<vmem_shared>>, %arg8: memref<79x128xi32, #tpu.memory_space<vmem>>, %arg9: memref<79x128xi32, #tpu.memory_space<vmem>>, %arg10: memref<128x128xf32, #tpu.memory_space<vmem>>, %arg11: memref<!tpu.dma_semaphore, #tpu.memory_space<semaphore_mem>>) attributes {dimension_semantics = [#tpu.dimension_semantics<core_parallel>, #tpu.dimension_semantics<subcore_parallel>], iteration_bounds = array<i64: 2, 16>, scalar_prefetch = 0 : i64, scratch_operands = 5 : i64, tpu.core_type = #tpu.core_type<sc_vector_subcore>, window_params = [{transform_indices = #map}, {transform_indices = #map1}, {transform_indices = #map1}, {transform_indices = #map}, {transform_indices = #map1}]} {
    %mul3A = arith.constant 2 : i32
    %mul3A_0 = arith.muli %arg1, %mul3A : i32
    %add3A = arith.addi %mul3A_0, %arg0 : i32
    %mul3A_1 = arith.constant 632 : i32
    %mul3A_2 = arith.muli %arg1, %mul3A_1 : i32
    %mul3A_3 = arith.constant 632 : i32
    %mul3A_4 = arith.muli %arg1, %mul3A_3 : i32
    "tpu.region"() ({
      %run_scoped3A = tpu.sem_alloc : memref<!tpu.dma_semaphore, #tpu.memory_space<semaphore_mem>>
      %dma_start3A = arith.constant 0 : i32
      %dma_start3A_14 = tpu.memref_slice %arg7[%mul3A_4, %dma_start3A] : memref<10112x128xf32, #tpu.memory_space<vmem_shared>> -> memref<632x128xf32, #tpu.memory_space<vmem_shared>>
      %dma_start3A_15 = arith.constant 0 : i32
      %dma_start3A_16 = tpu.memref_slice %arg5[%mul3A_2, %dma_start3A_15] : memref<10112x128xf32, #tpu.memory_space<hbm>> -> memref<632x128xf32, #tpu.memory_space<hbm>>
      tpu.enqueue_dma source(%dma_start3A_16 : memref<632x128xf32, #tpu.memory_space<hbm>>) target(%dma_start3A_14 : memref<632x128xf32, #tpu.memory_space<vmem_shared>>) target_semaphore(%run_scoped3A : memref<!tpu.dma_semaphore, #tpu.memory_space<semaphore_mem>>)
      %dma_wait3A = arith.constant 0 : i32
      %dma_wait3A_17 = tpu.memref_slice %arg7[%mul3A_4, %dma_wait3A] : memref<10112x128xf32, #tpu.memory_space<vmem_shared>> -> memref<632x128xf32, #tpu.memory_space<vmem_shared>>
      %dma_wait3A_18 = arith.constant 0 : i32
      %dma_wait3A_19 = tpu.memref_slice %arg5[%mul3A_2, %dma_wait3A_18] : memref<10112x128xf32, #tpu.memory_space<hbm>> -> memref<632x128xf32, #tpu.memory_space<hbm>>
      tpu.wait_dma2 semaphore(%run_scoped3A : memref<!tpu.dma_semaphore, #tpu.memory_space<semaphore_mem>>) src(%dma_wait3A_19 : memref<632x128xf32, #tpu.memory_space<hbm>>) dst(%dma_wait3A_17 : memref<632x128xf32, #tpu.memory_space<vmem_shared>>)
      tpu.yield
    }) : () -> ()
    "tpu.region"() ({
      %run_scoped3A = tpu.sem_alloc : memref<!tpu.dma_semaphore, #tpu.memory_space<semaphore_mem>>
      %dma_start3A = arith.constant 0 : i32
      %dma_start3A_14 = arith.constant 0 : i32
      %dma_start3A_15 = tpu.memref_slice %arg3[%add3A, %dma_start3A, %dma_start3A_14] : memref<32x79x128xi32, #tpu.memory_space<hbm>> -> memref<1x79x128xi32, #tpu.memory_space<hbm>>
      %dma_start3A_16 = tpu.memref_squeeze %dma_start3A_15 : memref<1x79x128xi32, #tpu.memory_space<hbm>> -> memref<79x128xi32, #tpu.memory_space<hbm>>
      %dma_start3A_17 = arith.constant 0 : i32
      %dma_start3A_18 = arith.constant 0 : i32
      %dma_start3A_19 = tpu.memref_slice %arg3[%add3A, %dma_start3A_17, %dma_start3A_18] : memref<32x79x128xi32, #tpu.memory_space<hbm>> -> memref<1x79x128xi32, #tpu.memory_space<hbm>>
      %dma_start3A_20 = tpu.memref_squeeze %dma_start3A_19 : memref<1x79x128xi32, #tpu.memory_space<hbm>> -> memref<79x128xi32, #tpu.memory_space<hbm>>
      tpu.enqueue_dma source(%dma_start3A_20 : memref<79x128xi32, #tpu.memory_space<hbm>>) target(%arg8 : memref<79x128xi32, #tpu.memory_space<vmem>>) target_semaphore(%run_scoped3A : memref<!tpu.dma_semaphore, #tpu.memory_space<semaphore_mem>>)
      %dma_wait3A = arith.constant 0 : i32
      %dma_wait3A_21 = arith.constant 0 : i32
      %dma_wait3A_22 = tpu.memref_slice %arg3[%add3A, %dma_wait3A, %dma_wait3A_21] : memref<32x79x128xi32, #tpu.memory_space<hbm>> -> memref<1x79x128xi32, #tpu.memory_space<hbm>>
      %dma_wait3A_23 = tpu.memref_squeeze %dma_wait3A_22 : memref<1x79x128xi32, #tpu.memory_space<hbm>> -> memref<79x128xi32, #tpu.memory_space<hbm>>
      %dma_wait3A_24 = arith.constant 0 : i32
      %dma_wait3A_25 = arith.constant 0 : i32
      %dma_wait3A_26 = tpu.memref_slice %arg3[%add3A, %dma_wait3A_24, %dma_wait3A_25] : memref<32x79x128xi32, #tpu.memory_space<hbm>> -> memref<1x79x128xi32, #tpu.memory_space<hbm>>
      %dma_wait3A_27 = tpu.memref_squeeze %dma_wait3A_26 : memref<1x79x128xi32, #tpu.memory_space<hbm>> -> memref<79x128xi32, #tpu.memory_space<hbm>>
      tpu.wait_dma2 semaphore(%run_scoped3A : memref<!tpu.dma_semaphore, #tpu.memory_space<semaphore_mem>>) src(%dma_wait3A_27 : memref<79x128xi32, #tpu.memory_space<hbm>>) dst(%arg8 : memref<79x128xi32, #tpu.memory_space<vmem>>)
      tpu.yield
    }) : () -> ()
    "tpu.region"() ({
      %run_scoped3A = tpu.sem_alloc : memref<!tpu.dma_semaphore, #tpu.memory_space<semaphore_mem>>
      %dma_start3A = arith.constant 0 : i32
      %dma_start3A_14 = arith.constant 0 : i32
      %dma_start3A_15 = tpu.memref_slice %arg4[%add3A, %dma_start3A, %dma_start3A_14] : memref<32x79x128xi32, #tpu.memory_space<hbm>> -> memref<1x79x128xi32, #tpu.memory_space<hbm>>
      %dma_start3A_16 = tpu.memref_squeeze %dma_start3A_15 : memref<1x79x128xi32, #tpu.memory_space<hbm>> -> memref<79x128xi32, #tpu.memory_space<hbm>>
      %dma_start3A_17 = arith.constant 0 : i32
      %dma_start3A_18 = arith.constant 0 : i32
      %dma_start3A_19 = tpu.memref_slice %arg4[%add3A, %dma_start3A_17, %dma_start3A_18] : memref<32x79x128xi32, #tpu.memory_space<hbm>> -> memref<1x79x128xi32, #tpu.memory_space<hbm>>
      %dma_start3A_20 = tpu.memref_squeeze %dma_start3A_19 : memref<1x79x128xi32, #tpu.memory_space<hbm>> -> memref<79x128xi32, #tpu.memory_space<hbm>>
      tpu.enqueue_dma source(%dma_start3A_20 : memref<79x128xi32, #tpu.memory_space<hbm>>) target(%arg9 : memref<79x128xi32, #tpu.memory_space<vmem>>) target_semaphore(%run_scoped3A : memref<!tpu.dma_semaphore, #tpu.memory_space<semaphore_mem>>)
      %dma_wait3A = arith.constant 0 : i32
      %dma_wait3A_21 = arith.constant 0 : i32
      %dma_wait3A_22 = tpu.memref_slice %arg4[%add3A, %dma_wait3A, %dma_wait3A_21] : memref<32x79x128xi32, #tpu.memory_space<hbm>> -> memref<1x79x128xi32, #tpu.memory_space<hbm>>
      %dma_wait3A_23 = tpu.memref_squeeze %dma_wait3A_22 : memref<1x79x128xi32, #tpu.memory_space<hbm>> -> memref<79x128xi32, #tpu.memory_space<hbm>>
      %dma_wait3A_24 = arith.constant 0 : i32
      %dma_wait3A_25 = arith.constant 0 : i32
      %dma_wait3A_26 = tpu.memref_slice %arg4[%add3A, %dma_wait3A_24, %dma_wait3A_25] : memref<32x79x128xi32, #tpu.memory_space<hbm>> -> memref<1x79x128xi32, #tpu.memory_space<hbm>>
      %dma_wait3A_27 = tpu.memref_squeeze %dma_wait3A_26 : memref<1x79x128xi32, #tpu.memory_space<hbm>> -> memref<79x128xi32, #tpu.memory_space<hbm>>
      tpu.wait_dma2 semaphore(%run_scoped3A : memref<!tpu.dma_semaphore, #tpu.memory_space<semaphore_mem>>) src(%dma_wait3A_27 : memref<79x128xi32, #tpu.memory_space<hbm>>) dst(%arg9 : memref<79x128xi32, #tpu.memory_space<vmem>>)
      tpu.yield
    }) : () -> ()
    %barrier3A = arith.constant 0 : index
    tpu.barrier barrier_id(%barrier3A)
    %scan3A = arith.constant 0 : i32
    %scan3A_5 = arith.constant 79 : i32
    %scan3A_6 = arith.addi %scan3A, %scan3A_5 : i32
    %scan3A_7 = arith.constant 1 : i32
    scf.for %scan3A_14 = %scan3A to %scan3A_6 step %scan3A_7  : i32 {
      %mul3A_15 = arith.constant 1 : i32
      %mul3A_16 = arith.muli %scan3A_14, %mul3A_15 : i32
      %add3A_17 = arith.constant 0 : i32
      %add3A_18 = arith.addi %add3A_17, %mul3A_16 : i32
      %dma_start3A = arith.constant 0 : i32
      %dma_start3A_19 = tpu.memref_slice %arg8[%add3A_18, %dma_start3A] : memref<79x128xi32, #tpu.memory_space<vmem>> -> memref<1x128xi32, #tpu.memory_space<vmem>>
      %dma_start3A_20 = tpu.memref_squeeze %dma_start3A_19 : memref<1x128xi32, #tpu.memory_space<vmem>> -> memref<128xi32, #tpu.memory_space<vmem>>
      %dma_start3A_21 = arith.constant 0 : i32
      %dma_start3A_22 = arith.constant 0 : i32
      %dma_start3A_23 = tpu.memref_slice %arg2[%dma_start3A_21, %dma_start3A_22] : memref<10112x128xf32, #tpu.memory_space<hbm>> -> memref<10112x128xf32, #tpu.memory_space<hbm>>
      tpu.enqueue_indirect_dma source(%dma_start3A_23 : memref<10112x128xf32, #tpu.memory_space<hbm>>) target(%arg10 : memref<128x128xf32, #tpu.memory_space<vmem>>) offsets(%dma_start3A_20 : memref<128xi32, #tpu.memory_space<vmem>>) semaphore(%arg11 : memref<!tpu.dma_semaphore, #tpu.memory_space<semaphore_mem>>)
      %dma_wait3A = arith.constant 0 : i32
      %dma_wait3A_24 = tpu.memref_slice %arg8[%add3A_18, %dma_wait3A] : memref<79x128xi32, #tpu.memory_space<vmem>> -> memref<1x128xi32, #tpu.memory_space<vmem>>
      %dma_wait3A_25 = tpu.memref_squeeze %dma_wait3A_24 : memref<1x128xi32, #tpu.memory_space<vmem>> -> memref<128xi32, #tpu.memory_space<vmem>>
      %dma_wait3A_26 = arith.constant 0 : i32
      %dma_wait3A_27 = arith.constant 0 : i32
      %dma_wait3A_28 = tpu.memref_slice %arg2[%dma_wait3A_26, %dma_wait3A_27] : memref<10112x128xf32, #tpu.memory_space<hbm>> -> memref<10112x128xf32, #tpu.memory_space<hbm>>
      tpu.wait_indirect_dma semaphore(%arg11 : memref<!tpu.dma_semaphore, #tpu.memory_space<semaphore_mem>>) src(%dma_wait3A_28 : memref<10112x128xf32, #tpu.memory_space<hbm>>) dst(%arg10 : memref<128x128xf32, #tpu.memory_space<vmem>>)
      "tpu.region"() ({
        %run_scoped3A = tpu.sem_alloc : memref<!tpu.dma_semaphore, #tpu.memory_space<semaphore_mem>>
        %dma_start3A_29 = arith.constant 0 : i32
        %dma_start3A_30 = tpu.memref_slice %arg9[%add3A_18, %dma_start3A_29] : memref<79x128xi32, #tpu.memory_space<vmem>> -> memref<1x128xi32, #tpu.memory_space<vmem>>
        %dma_start3A_31 = tpu.memref_squeeze %dma_start3A_30 : memref<1x128xi32, #tpu.memory_space<vmem>> -> memref<128xi32, #tpu.memory_space<vmem>>
        %dma_start3A_32 = arith.constant 0 : i32
        %dma_start3A_33 = arith.constant 0 : i32
        %dma_start3A_34 = tpu.memref_slice %arg7[%dma_start3A_32, %dma_start3A_33] : memref<10112x128xf32, #tpu.memory_space<vmem_shared>> -> memref<10112x128xf32, #tpu.memory_space<vmem_shared>>
        tpu.enqueue_indirect_dma source(%arg10 : memref<128x128xf32, #tpu.memory_space<vmem>>) target(%dma_start3A_34 : memref<10112x128xf32, #tpu.memory_space<vmem_shared>>) offsets(%dma_start3A_31 : memref<128xi32, #tpu.memory_space<vmem>>) semaphore(%run_scoped3A : memref<!tpu.dma_semaphore, #tpu.memory_space<semaphore_mem>>) {add = true}
        %dma_wait3A_35 = arith.constant 0 : i32
        %dma_wait3A_36 = tpu.memref_slice %arg9[%add3A_18, %dma_wait3A_35] : memref<79x128xi32, #tpu.memory_space<vmem>> -> memref<1x128xi32, #tpu.memory_space<vmem>>
        %dma_wait3A_37 = tpu.memref_squeeze %dma_wait3A_36 : memref<1x128xi32, #tpu.memory_space<vmem>> -> memref<128xi32, #tpu.memory_space<vmem>>
        %dma_wait3A_38 = arith.constant 0 : i32
        %dma_wait3A_39 = arith.constant 0 : i32
        %dma_wait3A_40 = tpu.memref_slice %arg7[%dma_wait3A_38, %dma_wait3A_39] : memref<10112x128xf32, #tpu.memory_space<vmem_shared>> -> memref<10112x128xf32, #tpu.memory_space<vmem_shared>>
        tpu.wait_indirect_dma semaphore(%run_scoped3A : memref<!tpu.dma_semaphore, #tpu.memory_space<semaphore_mem>>) src(%arg10 : memref<128x128xf32, #tpu.memory_space<vmem>>) dst(%dma_wait3A_40 : memref<10112x128xf32, #tpu.memory_space<vmem_shared>>)
        tpu.yield
      }) : () -> ()
    }
    %scan3A_8 = arith.constant 79 : i32
    %barrier3A_9 = arith.constant 0 : index
    tpu.barrier barrier_id(%barrier3A_9)
    %mul3A_10 = arith.constant 632 : i32
    %mul3A_11 = arith.muli %arg1, %mul3A_10 : i32
    %mul3A_12 = arith.constant 632 : i32
    %mul3A_13 = arith.muli %arg1, %mul3A_12 : i32
    "tpu.region"() ({
      %run_scoped3A = tpu.sem_alloc : memref<!tpu.dma_semaphore, #tpu.memory_space<semaphore_mem>>
      %dma_start3A = arith.constant 0 : i32
      %dma_start3A_14 = tpu.memref_slice %arg6[%arg0, %mul3A_13, %dma_start3A] : memref<2x10112x128xf32, #tpu.memory_space<hbm>> -> memref<1x632x128xf32, #tpu.memory_space<hbm>>
      %dma_start3A_15 = tpu.memref_squeeze %dma_start3A_14 : memref<1x632x128xf32, #tpu.memory_space<hbm>> -> memref<632x128xf32, #tpu.memory_space<hbm>>
      %dma_start3A_16 = arith.constant 0 : i32
      %dma_start3A_17 = tpu.memref_slice %arg7[%mul3A_11, %dma_start3A_16] : memref<10112x128xf32, #tpu.memory_space<vmem_shared>> -> memref<632x128xf32, #tpu.memory_space<vmem_shared>>
      tpu.enqueue_dma source(%dma_start3A_17 : memref<632x128xf32, #tpu.memory_space<vmem_shared>>) target(%dma_start3A_15 : memref<632x128xf32, #tpu.memory_space<hbm>>) target_semaphore(%run_scoped3A : memref<!tpu.dma_semaphore, #tpu.memory_space<semaphore_mem>>)
      %dma_wait3A = arith.constant 0 : i32
      %dma_wait3A_18 = tpu.memref_slice %arg6[%arg0, %mul3A_13, %dma_wait3A] : memref<2x10112x128xf32, #tpu.memory_space<hbm>> -> memref<1x632x128xf32, #tpu.memory_space<hbm>>
      %dma_wait3A_19 = tpu.memref_squeeze %dma_wait3A_18 : memref<1x632x128xf32, #tpu.memory_space<hbm>> -> memref<632x128xf32, #tpu.memory_space<hbm>>
      %dma_wait3A_20 = arith.constant 0 : i32
      %dma_wait3A_21 = tpu.memref_slice %arg7[%mul3A_11, %dma_wait3A_20] : memref<10112x128xf32, #tpu.memory_space<vmem_shared>> -> memref<632x128xf32, #tpu.memory_space<vmem_shared>>
      tpu.wait_dma2 semaphore(%run_scoped3A : memref<!tpu.dma_semaphore, #tpu.memory_space<semaphore_mem>>) src(%dma_wait3A_21 : memref<632x128xf32, #tpu.memory_space<vmem_shared>>) dst(%dma_wait3A_19 : memref<632x128xf32, #tpu.memory_space<hbm>>)
      tpu.yield
    }) : () -> ()
    return
  }
}

#map = affine_map<(d0, d1) -> (0, 0)>
#map1 = affine_map<(d0, d1) -> (0, 0, 0)>
module attributes {stable_mosaic.version = 14 : i64} {
  func.func @layer_kernel(%arg0: i32, %arg1: i32, %arg2: memref<10112x128xf32, #tpu.memory_space<hbm>>, %arg3: memref<32x79x128xi32, #tpu.memory_space<hbm>>, %arg4: memref<32x79x128xi32, #tpu.memory_space<hbm>>, %arg5: memref<10112x128xf32, #tpu.memory_space<hbm>>, %arg6: memref<2x10112x128xf32, #tpu.memory_space<hbm>>, %arg7: memref<10112x128xf32, #tpu.memory_space<vmem_shared>>, %arg8: memref<79x128xi32, #tpu.memory_space<vmem>>, %arg9: memref<79x128xi32, #tpu.memory_space<vmem>>, %arg10: memref<128x128xf32, #tpu.memory_space<vmem>>, %arg11: memref<!tpu.dma_semaphore, #tpu.memory_space<semaphore_mem>>) attributes {dimension_semantics = [#tpu.dimension_semantics<core_parallel>, #tpu.dimension_semantics<subcore_parallel>], iteration_bounds = array<i64: 2, 16>, scalar_prefetch = 0 : i64, scratch_operands = 5 : i64, tpu.core_type = #tpu.core_type<sc_vector_subcore>, window_params = [{transform_indices = #map}, {transform_indices = #map1}, {transform_indices = #map1}, {transform_indices = #map}, {transform_indices = #map1}]} {
    %mul3A = arith.constant 2 : i32
    %mul3A_0 = arith.muli %arg1, %mul3A : i32
    %add3A = arith.addi %mul3A_0, %arg0 : i32
    %mul3A_1 = arith.constant 632 : i32
    %mul3A_2 = arith.muli %arg1, %mul3A_1 : i32
    %mul3A_3 = arith.constant 632 : i32
    %mul3A_4 = arith.muli %arg1, %mul3A_3 : i32
    "tpu.region"() ({
      %run_scoped3A = tpu.sem_alloc : memref<!tpu.dma_semaphore, #tpu.memory_space<semaphore_mem>>
      %dma_start3A = arith.constant 0 : i32
      %dma_start3A_14 = tpu.memref_slice %arg7[%mul3A_4, %dma_start3A] : memref<10112x128xf32, #tpu.memory_space<vmem_shared>> -> memref<632x128xf32, #tpu.memory_space<vmem_shared>>
      %dma_start3A_15 = arith.constant 0 : i32
      %dma_start3A_16 = tpu.memref_slice %arg5[%mul3A_2, %dma_start3A_15] : memref<10112x128xf32, #tpu.memory_space<hbm>> -> memref<632x128xf32, #tpu.memory_space<hbm>>
      tpu.enqueue_dma source(%dma_start3A_16 : memref<632x128xf32, #tpu.memory_space<hbm>>) target(%dma_start3A_14 : memref<632x128xf32, #tpu.memory_space<vmem_shared>>) target_semaphore(%run_scoped3A : memref<!tpu.dma_semaphore, #tpu.memory_space<semaphore_mem>>)
      %dma_wait3A = arith.constant 0 : i32
      %dma_wait3A_17 = tpu.memref_slice %arg7[%mul3A_4, %dma_wait3A] : memref<10112x128xf32, #tpu.memory_space<vmem_shared>> -> memref<632x128xf32, #tpu.memory_space<vmem_shared>>
      %dma_wait3A_18 = arith.constant 0 : i32
      %dma_wait3A_19 = tpu.memref_slice %arg5[%mul3A_2, %dma_wait3A_18] : memref<10112x128xf32, #tpu.memory_space<hbm>> -> memref<632x128xf32, #tpu.memory_space<hbm>>
      tpu.wait_dma2 semaphore(%run_scoped3A : memref<!tpu.dma_semaphore, #tpu.memory_space<semaphore_mem>>) src(%dma_wait3A_19 : memref<632x128xf32, #tpu.memory_space<hbm>>) dst(%dma_wait3A_17 : memref<632x128xf32, #tpu.memory_space<vmem_shared>>)
      tpu.yield
    }) : () -> ()
    "tpu.region"() ({
      %run_scoped3A = tpu.sem_alloc : memref<!tpu.dma_semaphore, #tpu.memory_space<semaphore_mem>>
      %dma_start3A = arith.constant 0 : i32
      %dma_start3A_14 = arith.constant 0 : i32
      %dma_start3A_15 = tpu.memref_slice %arg3[%add3A, %dma_start3A, %dma_start3A_14] : memref<32x79x128xi32, #tpu.memory_space<hbm>> -> memref<1x79x128xi32, #tpu.memory_space<hbm>>
      %dma_start3A_16 = tpu.memref_squeeze %dma_start3A_15 : memref<1x79x128xi32, #tpu.memory_space<hbm>> -> memref<79x128xi32, #tpu.memory_space<hbm>>
      %dma_start3A_17 = arith.constant 0 : i32
      %dma_start3A_18 = arith.constant 0 : i32
      %dma_start3A_19 = tpu.memref_slice %arg3[%add3A, %dma_start3A_17, %dma_start3A_18] : memref<32x79x128xi32, #tpu.memory_space<hbm>> -> memref<1x79x128xi32, #tpu.memory_space<hbm>>
      %dma_start3A_20 = tpu.memref_squeeze %dma_start3A_19 : memref<1x79x128xi32, #tpu.memory_space<hbm>> -> memref<79x128xi32, #tpu.memory_space<hbm>>
      tpu.enqueue_dma source(%dma_start3A_20 : memref<79x128xi32, #tpu.memory_space<hbm>>) target(%arg8 : memref<79x128xi32, #tpu.memory_space<vmem>>) target_semaphore(%run_scoped3A : memref<!tpu.dma_semaphore, #tpu.memory_space<semaphore_mem>>)
      %dma_wait3A = arith.constant 0 : i32
      %dma_wait3A_21 = arith.constant 0 : i32
      %dma_wait3A_22 = tpu.memref_slice %arg3[%add3A, %dma_wait3A, %dma_wait3A_21] : memref<32x79x128xi32, #tpu.memory_space<hbm>> -> memref<1x79x128xi32, #tpu.memory_space<hbm>>
      %dma_wait3A_23 = tpu.memref_squeeze %dma_wait3A_22 : memref<1x79x128xi32, #tpu.memory_space<hbm>> -> memref<79x128xi32, #tpu.memory_space<hbm>>
      %dma_wait3A_24 = arith.constant 0 : i32
      %dma_wait3A_25 = arith.constant 0 : i32
      %dma_wait3A_26 = tpu.memref_slice %arg3[%add3A, %dma_wait3A_24, %dma_wait3A_25] : memref<32x79x128xi32, #tpu.memory_space<hbm>> -> memref<1x79x128xi32, #tpu.memory_space<hbm>>
      %dma_wait3A_27 = tpu.memref_squeeze %dma_wait3A_26 : memref<1x79x128xi32, #tpu.memory_space<hbm>> -> memref<79x128xi32, #tpu.memory_space<hbm>>
      tpu.wait_dma2 semaphore(%run_scoped3A : memref<!tpu.dma_semaphore, #tpu.memory_space<semaphore_mem>>) src(%dma_wait3A_27 : memref<79x128xi32, #tpu.memory_space<hbm>>) dst(%arg8 : memref<79x128xi32, #tpu.memory_space<vmem>>)
      tpu.yield
    }) : () -> ()
    "tpu.region"() ({
      %run_scoped3A = tpu.sem_alloc : memref<!tpu.dma_semaphore, #tpu.memory_space<semaphore_mem>>
      %dma_start3A = arith.constant 0 : i32
      %dma_start3A_14 = arith.constant 0 : i32
      %dma_start3A_15 = tpu.memref_slice %arg4[%add3A, %dma_start3A, %dma_start3A_14] : memref<32x79x128xi32, #tpu.memory_space<hbm>> -> memref<1x79x128xi32, #tpu.memory_space<hbm>>
      %dma_start3A_16 = tpu.memref_squeeze %dma_start3A_15 : memref<1x79x128xi32, #tpu.memory_space<hbm>> -> memref<79x128xi32, #tpu.memory_space<hbm>>
      %dma_start3A_17 = arith.constant 0 : i32
      %dma_start3A_18 = arith.constant 0 : i32
      %dma_start3A_19 = tpu.memref_slice %arg4[%add3A, %dma_start3A_17, %dma_start3A_18] : memref<32x79x128xi32, #tpu.memory_space<hbm>> -> memref<1x79x128xi32, #tpu.memory_space<hbm>>
      %dma_start3A_20 = tpu.memref_squeeze %dma_start3A_19 : memref<1x79x128xi32, #tpu.memory_space<hbm>> -> memref<79x128xi32, #tpu.memory_space<hbm>>
      tpu.enqueue_dma source(%dma_start3A_20 : memref<79x128xi32, #tpu.memory_space<hbm>>) target(%arg9 : memref<79x128xi32, #tpu.memory_space<vmem>>) target_semaphore(%run_scoped3A : memref<!tpu.dma_semaphore, #tpu.memory_space<semaphore_mem>>)
      %dma_wait3A = arith.constant 0 : i32
      %dma_wait3A_21 = arith.constant 0 : i32
      %dma_wait3A_22 = tpu.memref_slice %arg4[%add3A, %dma_wait3A, %dma_wait3A_21] : memref<32x79x128xi32, #tpu.memory_space<hbm>> -> memref<1x79x128xi32, #tpu.memory_space<hbm>>
      %dma_wait3A_23 = tpu.memref_squeeze %dma_wait3A_22 : memref<1x79x128xi32, #tpu.memory_space<hbm>> -> memref<79x128xi32, #tpu.memory_space<hbm>>
      %dma_wait3A_24 = arith.constant 0 : i32
      %dma_wait3A_25 = arith.constant 0 : i32
      %dma_wait3A_26 = tpu.memref_slice %arg4[%add3A, %dma_wait3A_24, %dma_wait3A_25] : memref<32x79x128xi32, #tpu.memory_space<hbm>> -> memref<1x79x128xi32, #tpu.memory_space<hbm>>
      %dma_wait3A_27 = tpu.memref_squeeze %dma_wait3A_26 : memref<1x79x128xi32, #tpu.memory_space<hbm>> -> memref<79x128xi32, #tpu.memory_space<hbm>>
      tpu.wait_dma2 semaphore(%run_scoped3A : memref<!tpu.dma_semaphore, #tpu.memory_space<semaphore_mem>>) src(%dma_wait3A_27 : memref<79x128xi32, #tpu.memory_space<hbm>>) dst(%arg9 : memref<79x128xi32, #tpu.memory_space<vmem>>)
      tpu.yield
    }) : () -> ()
    %barrier3A = arith.constant 0 : index
    tpu.barrier barrier_id(%barrier3A)
    %scan3A = arith.constant 0 : i32
    %scan3A_5 = arith.constant 79 : i32
    %scan3A_6 = arith.addi %scan3A, %scan3A_5 : i32
    %scan3A_7 = arith.constant 1 : i32
    scf.for %scan3A_14 = %scan3A to %scan3A_6 step %scan3A_7  : i32 {
      %mul3A_15 = arith.constant 1 : i32
      %mul3A_16 = arith.muli %scan3A_14, %mul3A_15 : i32
      %add3A_17 = arith.constant 0 : i32
      %add3A_18 = arith.addi %add3A_17, %mul3A_16 : i32
      %dma_start3A = arith.constant 0 : i32
      %dma_start3A_19 = tpu.memref_slice %arg8[%add3A_18, %dma_start3A] : memref<79x128xi32, #tpu.memory_space<vmem>> -> memref<1x128xi32, #tpu.memory_space<vmem>>
      %dma_start3A_20 = tpu.memref_squeeze %dma_start3A_19 : memref<1x128xi32, #tpu.memory_space<vmem>> -> memref<128xi32, #tpu.memory_space<vmem>>
      %dma_start3A_21 = arith.constant 0 : i32
      %dma_start3A_22 = arith.constant 0 : i32
      %dma_start3A_23 = tpu.memref_slice %arg2[%dma_start3A_21, %dma_start3A_22] : memref<10112x128xf32, #tpu.memory_space<hbm>> -> memref<10112x128xf32, #tpu.memory_space<hbm>>
      tpu.enqueue_indirect_dma source(%dma_start3A_23 : memref<10112x128xf32, #tpu.memory_space<hbm>>) target(%arg10 : memref<128x128xf32, #tpu.memory_space<vmem>>) offsets(%dma_start3A_20 : memref<128xi32, #tpu.memory_space<vmem>>) semaphore(%arg11 : memref<!tpu.dma_semaphore, #tpu.memory_space<semaphore_mem>>)
      %dma_wait3A = arith.constant 0 : i32
      %dma_wait3A_24 = tpu.memref_slice %arg8[%add3A_18, %dma_wait3A] : memref<79x128xi32, #tpu.memory_space<vmem>> -> memref<1x128xi32, #tpu.memory_space<vmem>>
      %dma_wait3A_25 = tpu.memref_squeeze %dma_wait3A_24 : memref<1x128xi32, #tpu.memory_space<vmem>> -> memref<128xi32, #tpu.memory_space<vmem>>
      %dma_wait3A_26 = arith.constant 0 : i32
      %dma_wait3A_27 = arith.constant 0 : i32
      %dma_wait3A_28 = tpu.memref_slice %arg2[%dma_wait3A_26, %dma_wait3A_27] : memref<10112x128xf32, #tpu.memory_space<hbm>> -> memref<10112x128xf32, #tpu.memory_space<hbm>>
      tpu.wait_indirect_dma semaphore(%arg11 : memref<!tpu.dma_semaphore, #tpu.memory_space<semaphore_mem>>) src(%dma_wait3A_28 : memref<10112x128xf32, #tpu.memory_space<hbm>>) dst(%arg10 : memref<128x128xf32, #tpu.memory_space<vmem>>)
      "tpu.region"() ({
        %run_scoped3A = tpu.sem_alloc : memref<!tpu.dma_semaphore, #tpu.memory_space<semaphore_mem>>
        %dma_start3A_29 = arith.constant 0 : i32
        %dma_start3A_30 = tpu.memref_slice %arg9[%add3A_18, %dma_start3A_29] : memref<79x128xi32, #tpu.memory_space<vmem>> -> memref<1x128xi32, #tpu.memory_space<vmem>>
        %dma_start3A_31 = tpu.memref_squeeze %dma_start3A_30 : memref<1x128xi32, #tpu.memory_space<vmem>> -> memref<128xi32, #tpu.memory_space<vmem>>
        %dma_start3A_32 = arith.constant 0 : i32
        %dma_start3A_33 = arith.constant 0 : i32
        %dma_start3A_34 = tpu.memref_slice %arg7[%dma_start3A_32, %dma_start3A_33] : memref<10112x128xf32, #tpu.memory_space<vmem_shared>> -> memref<10112x128xf32, #tpu.memory_space<vmem_shared>>
        tpu.enqueue_indirect_dma source(%arg10 : memref<128x128xf32, #tpu.memory_space<vmem>>) target(%dma_start3A_34 : memref<10112x128xf32, #tpu.memory_space<vmem_shared>>) offsets(%dma_start3A_31 : memref<128xi32, #tpu.memory_space<vmem>>) semaphore(%run_scoped3A : memref<!tpu.dma_semaphore, #tpu.memory_space<semaphore_mem>>) {add = true}
        %dma_wait3A_35 = arith.constant 0 : i32
        %dma_wait3A_36 = tpu.memref_slice %arg9[%add3A_18, %dma_wait3A_35] : memref<79x128xi32, #tpu.memory_space<vmem>> -> memref<1x128xi32, #tpu.memory_space<vmem>>
        %dma_wait3A_37 = tpu.memref_squeeze %dma_wait3A_36 : memref<1x128xi32, #tpu.memory_space<vmem>> -> memref<128xi32, #tpu.memory_space<vmem>>
        %dma_wait3A_38 = arith.constant 0 : i32
        %dma_wait3A_39 = arith.constant 0 : i32
        %dma_wait3A_40 = tpu.memref_slice %arg7[%dma_wait3A_38, %dma_wait3A_39] : memref<10112x128xf32, #tpu.memory_space<vmem_shared>> -> memref<10112x128xf32, #tpu.memory_space<vmem_shared>>
        tpu.wait_indirect_dma semaphore(%run_scoped3A : memref<!tpu.dma_semaphore, #tpu.memory_space<semaphore_mem>>) src(%arg10 : memref<128x128xf32, #tpu.memory_space<vmem>>) dst(%dma_wait3A_40 : memref<10112x128xf32, #tpu.memory_space<vmem_shared>>)
        tpu.yield
      }) : () -> ()
    }
    %scan3A_8 = arith.constant 79 : i32
    %barrier3A_9 = arith.constant 0 : index
    tpu.barrier barrier_id(%barrier3A_9)
    %mul3A_10 = arith.constant 632 : i32
    %mul3A_11 = arith.muli %arg1, %mul3A_10 : i32
    %mul3A_12 = arith.constant 632 : i32
    %mul3A_13 = arith.muli %arg1, %mul3A_12 : i32
    "tpu.region"() ({
      %run_scoped3A = tpu.sem_alloc : memref<!tpu.dma_semaphore, #tpu.memory_space<semaphore_mem>>
      %dma_start3A = arith.constant 0 : i32
      %dma_start3A_14 = tpu.memref_slice %arg6[%arg0, %mul3A_13, %dma_start3A] : memref<2x10112x128xf32, #tpu.memory_space<hbm>> -> memref<1x632x128xf32, #tpu.memory_space<hbm>>
      %dma_start3A_15 = tpu.memref_squeeze %dma_start3A_14 : memref<1x632x128xf32, #tpu.memory_space<hbm>> -> memref<632x128xf32, #tpu.memory_space<hbm>>
      %dma_start3A_16 = arith.constant 0 : i32
      %dma_start3A_17 = tpu.memref_slice %arg7[%mul3A_11, %dma_start3A_16] : memref<10112x128xf32, #tpu.memory_space<vmem_shared>> -> memref<632x128xf32, #tpu.memory_space<vmem_shared>>
      tpu.enqueue_dma source(%dma_start3A_17 : memref<632x128xf32, #tpu.memory_space<vmem_shared>>) target(%dma_start3A_15 : memref<632x128xf32, #tpu.memory_space<hbm>>) target_semaphore(%run_scoped3A : memref<!tpu.dma_semaphore, #tpu.memory_space<semaphore_mem>>)
      %dma_wait3A = arith.constant 0 : i32
      %dma_wait3A_18 = tpu.memref_slice %arg6[%arg0, %mul3A_13, %dma_wait3A] : memref<2x10112x128xf32, #tpu.memory_space<hbm>> -> memref<1x632x128xf32, #tpu.memory_space<hbm>>
      %dma_wait3A_19 = tpu.memref_squeeze %dma_wait3A_18 : memref<1x632x128xf32, #tpu.memory_space<hbm>> -> memref<632x128xf32, #tpu.memory_space<hbm>>
      %dma_wait3A_20 = arith.constant 0 : i32
      %dma_wait3A_21 = tpu.memref_slice %arg7[%mul3A_11, %dma_wait3A_20] : memref<10112x128xf32, #tpu.memory_space<vmem_shared>> -> memref<632x128xf32, #tpu.memory_space<vmem_shared>>
      tpu.wait_dma2 semaphore(%run_scoped3A : memref<!tpu.dma_semaphore, #tpu.memory_space<semaphore_mem>>) src(%dma_wait3A_21 : memref<632x128xf32, #tpu.memory_space<vmem_shared>>) dst(%dma_wait3A_19 : memref<632x128xf32, #tpu.memory_space<hbm>>)
      tpu.yield
    }) : () -> ()
    return
  }
}

module attributes {stable_mosaic.version = 14 : i64} {
  func.func @body(%arg0: i32, %arg1: memref<2x1000x128xf32, #tpu.memory_space<vmem>>, %arg2: memref<1000x128xf32, #tpu.memory_space<vmem>>, %arg3: memref<1000x128xf32, #tpu.memory_space<vmem>>, %arg4: memref<1000x128xf32, #tpu.memory_space<vmem>>) attributes {dimension_semantics = [#tpu.dimension_semantics<arbitrary>], iteration_bounds = array<i64: 10>, scalar_prefetch = 0 : i64, scratch_operands = 0 : i64, tpu.core_type = #tpu.core_type<tc>, window_params = [{transform_indices = @transform_0, window_bounds = array<i64: 2, 1000, 128>}, {transform_indices = @transform_1, window_bounds = array<i64: 1000, 128>}, {transform_indices = @transform_2, window_bounds = array<i64: 1000, 128>}, {transform_indices = @transform_3, window_bounds = array<i64: 1000, 128>}]} {
    %get3A = arith.constant 0 : index
    %get3A_0 = arith.constant 0 : index
    %get3A_1 = arith.constant 0 : index
    %get3A_2 = vector.load %arg1[%get3A, %get3A_0, %get3A_1] : memref<2x1000x128xf32, #tpu.memory_space<vmem>>, vector<1x1000x1xf32>
    %get3A_3 = vector.shape_cast %get3A_2 : vector<1x1000x1xf32> to vector<1000x1xf32>
    %get3A_4 = arith.constant 1 : index
    %get3A_5 = arith.constant 0 : index
    %get3A_6 = arith.constant 0 : index
    %get3A_7 = vector.load %arg1[%get3A_4, %get3A_5, %get3A_6] : memref<2x1000x128xf32, #tpu.memory_space<vmem>>, vector<1x1000x1xf32>
    %get3A_8 = vector.shape_cast %get3A_7 : vector<1x1000x1xf32> to vector<1000x1xf32>
    %add3A = arith.addf %get3A_3, %get3A_8 : vector<1000x1xf32>
    %max3A = arith.constant 1.000000e+00 : f32
    %max3A_9 = vector.broadcast %max3A : f32 to vector<1000x1xf32>
    %max3A_10 = arith.maximumf %add3A, %max3A_9 : vector<1000x1xf32>
    %rsqrt3A = math.rsqrt %max3A_10 : vector<1000x1xf32>
    %broadcast_in_dim3A = vector.shape_cast %rsqrt3A : vector<1000x1xf32> to vector<1000x1xf32>
    %broadcast_in_dim3A_11 = vector.broadcast %broadcast_in_dim3A : vector<1000x1xf32> to vector<1000x128xf32>
    %swap3A = arith.constant 0 : index
    %swap3A_12 = arith.constant 0 : index
    %swap3A_13 = vector.load %arg3[%swap3A, %swap3A_12] : memref<1000x128xf32, #tpu.memory_space<vmem>>, vector<1000x128xf32>
    tpu.vector_store %arg3[%swap3A, %swap3A_12], %broadcast_in_dim3A_11 {strides = array<i32>} : memref<1000x128xf32, #tpu.memory_space<vmem>>, vector<1000x128xf32>,
    %get3A_14 = arith.constant 0 : index
    %get3A_15 = arith.constant 0 : index
    %get3A_16 = vector.load %arg2[%get3A_14, %get3A_15] : memref<1000x128xf32, #tpu.memory_space<vmem>>, vector<1000x128xf32>
    %mul3A = arith.mulf %get3A_16, %broadcast_in_dim3A_11 : vector<1000x128xf32>
    %swap3A_17 = arith.constant 0 : index
    %swap3A_18 = arith.constant 0 : index
    %swap3A_19 = vector.load %arg4[%swap3A_17, %swap3A_18] : memref<1000x128xf32, #tpu.memory_space<vmem>>, vector<1000x128xf32>
    tpu.vector_store %arg4[%swap3A_17, %swap3A_18], %mul3A {strides = array<i32>} : memref<1000x128xf32, #tpu.memory_space<vmem>>, vector<1000x128xf32>,
    return
  }
  func.func @transform_0(%arg0: i32) -> (i32, i32, i32) {
    %c0_i32 = arith.constant 0 : i32
    %c0_i32_0 = arith.constant 0 : i32
    %c0_i32_1 = arith.constant 0 : i32
    return %c0_i32, %arg0, %c0_i32_0 : i32, i32, i32
  }
  func.func @transform_1(%arg0: i32) -> (i32, i32) {
    %c0_i32 = arith.constant 0 : i32
    %c0_i32_0 = arith.constant 0 : i32
    return %arg0, %c0_i32 : i32, i32
  }
  func.func @transform_2(%arg0: i32) -> (i32, i32) {
    %c0_i32 = arith.constant 0 : i32
    %c0_i32_0 = arith.constant 0 : i32
    return %arg0, %c0_i32 : i32, i32
  }
  func.func @transform_3(%arg0: i32) -> (i32, i32) {
    %c0_i32 = arith.constant 0 : i32
    %c0_i32_0 = arith.constant 0 : i32
    return %arg0, %c0_i32 : i32, i32
  }
}

module attributes {stable_mosaic.version = 14 : i64} {
  func.func @body(%arg0: i32, %arg1: memref<2x1000x128xf32, #tpu.memory_space<vmem>>, %arg2: memref<1000x128xf32, #tpu.memory_space<vmem>>, %arg3: memref<1000x128xf32, #tpu.memory_space<vmem>>, %arg4: memref<128x128xf32, #tpu.memory_space<vmem>>, %arg5: memref<1000x128xf32, #tpu.memory_space<vmem>>) attributes {dimension_semantics = [#tpu.dimension_semantics<arbitrary>], iteration_bounds = array<i64: 10>, scalar_prefetch = 0 : i64, scratch_operands = 0 : i64, tpu.core_type = #tpu.core_type<tc>, window_params = [{transform_indices = @transform_0, window_bounds = array<i64: 2, 1000, 128>}, {transform_indices = @transform_1, window_bounds = array<i64: 1000, 128>}, {transform_indices = @transform_2, window_bounds = array<i64: 1000, 128>}, {pipeline_mode = #tpu.pipeline_mode<synchronous>, transform_indices = @transform_3, window_bounds = array<i64: 128, 128>}, {transform_indices = @transform_4, window_bounds = array<i64: 1000, 128>}]} {
    %get3A = arith.constant 0 : index
    %get3A_0 = arith.constant 0 : index
    %get3A_1 = arith.constant 0 : index
    %get3A_2 = vector.load %arg1[%get3A, %get3A_0, %get3A_1] : memref<2x1000x128xf32, #tpu.memory_space<vmem>>, vector<1x1000x128xf32>
    %get3A_3 = vector.shape_cast %get3A_2 : vector<1x1000x128xf32> to vector<1000x128xf32>
    %get3A_4 = arith.constant 1 : index
    %get3A_5 = arith.constant 0 : index
    %get3A_6 = arith.constant 0 : index
    %get3A_7 = vector.load %arg1[%get3A_4, %get3A_5, %get3A_6] : memref<2x1000x128xf32, #tpu.memory_space<vmem>>, vector<1x1000x128xf32>
    %get3A_8 = vector.shape_cast %get3A_7 : vector<1x1000x128xf32> to vector<1000x128xf32>
    %add3A = arith.addf %get3A_3, %get3A_8 : vector<1000x128xf32>
    %get3A_9 = arith.constant 0 : index
    %get3A_10 = arith.constant 0 : index
    %get3A_11 = vector.load %arg3[%get3A_9, %get3A_10] : memref<1000x128xf32, #tpu.memory_space<vmem>>, vector<1000x128xf32>
    %mul3A = arith.mulf %add3A, %get3A_11 : vector<1000x128xf32>
    %mul3A_12 = arith.constant 1.000000e-01 : f32
    %mul3A_13 = vector.broadcast %mul3A_12 : f32 to vector<1000x128xf32>
    %mul3A_14 = arith.mulf %mul3A, %mul3A_13 : vector<1000x128xf32>
    %get3A_15 = arith.constant 0 : index
    %get3A_16 = arith.constant 0 : index
    %get3A_17 = vector.load %arg2[%get3A_15, %get3A_16] : memref<1000x128xf32, #tpu.memory_space<vmem>>, vector<1000x128xf32>
    %mul3A_18 = arith.constant 0.899999976 : f32
    %mul3A_19 = vector.broadcast %mul3A_18 : f32 to vector<1000x128xf32>
    %mul3A_20 = arith.mulf %mul3A_19, %get3A_17 : vector<1000x128xf32>
    %add3A_21 = arith.addf %mul3A_14, %mul3A_20 : vector<1000x128xf32>
    %get3A_22 = arith.constant 0 : index
    %get3A_23 = arith.constant 0 : index
    %get3A_24 = vector.load %arg4[%get3A_22, %get3A_23] : memref<128x128xf32, #tpu.memory_space<vmem>>, vector<128x128xf32>
    %dot_general3A = arith.constant dense<0.000000e+00> : vector<1000x128xf32>
    %dot_general3A_25 = tpu.matmul %add3A_21, %get3A_24, %dot_general3A {dimension_numbers = #tpu.dot_dimension_numbers<[1], [0], [0], [1], [0, 0, 1, 1], [], []>, transpose_lhs_hint = false} : vector<1000x128xf32>, vector<128x128xf32>, vector<1000x128xf32> -> vector<1000x128xf32>
    %mul3A_26 = arith.constant 0.306852818 : f32
    %mul3A_27 = vector.broadcast %mul3A_26 : f32 to vector<1000x128xf32>
    %mul3A_28 = arith.mulf %mul3A_27, %add3A_21 : vector<1000x128xf32>
    %mul3A_29 = arith.constant 0.693147182 : f32
    %mul3A_30 = vector.broadcast %mul3A_29 : f32 to vector<1000x128xf32>
    %mul3A_31 = arith.mulf %mul3A_30, %dot_general3A_25 : vector<1000x128xf32>
    %add3A_32 = arith.addf %mul3A_28, %mul3A_31 : vector<1000x128xf32>
    %max3A = arith.constant 0.000000e+00 : f32
    %max3A_33 = vector.broadcast %max3A : f32 to vector<1000x128xf32>
    %max3A_34 = arith.maximumf %add3A_32, %max3A_33 : vector<1000x128xf32>
    %mul3A_35 = arith.mulf %max3A_34, %get3A_11 : vector<1000x128xf32>
    %swap3A = arith.constant 0 : index
    %swap3A_36 = arith.constant 0 : index
    %swap3A_37 = vector.load %arg5[%swap3A, %swap3A_36] : memref<1000x128xf32, #tpu.memory_space<vmem>>, vector<1000x128xf32>
    tpu.vector_store %arg5[%swap3A, %swap3A_36], %mul3A_35 {strides = array<i32>} : memref<1000x128xf32, #tpu.memory_space<vmem>>, vector<1000x128xf32>,
    return
  }
  func.func @transform_0(%arg0: i32) -> (i32, i32, i32) {
    %c0_i32 = arith.constant 0 : i32
    %c0_i32_0 = arith.constant 0 : i32
    %c0_i32_1 = arith.constant 0 : i32
    return %c0_i32, %arg0, %c0_i32_0 : i32, i32, i32
  }
  func.func @transform_1(%arg0: i32) -> (i32, i32) {
    %c0_i32 = arith.constant 0 : i32
    %c0_i32_0 = arith.constant 0 : i32
    return %arg0, %c0_i32 : i32, i32
  }
  func.func @transform_2(%arg0: i32) -> (i32, i32) {
    %c0_i32 = arith.constant 0 : i32
    %c0_i32_0 = arith.constant 0 : i32
    return %arg0, %c0_i32 : i32, i32
  }
  func.func @transform_3(%arg0: i32) -> (i32, i32) {
    %c0_i32 = arith.constant 0 : i32
    %c0_i32_0 = arith.constant 0 : i32
    %c0_i32_1 = arith.constant 0 : i32
    return %c0_i32, %c0_i32_0 : i32, i32
  }
  func.func @transform_4(%arg0: i32) -> (i32, i32) {
    %c0_i32 = arith.constant 0 : i32
    %c0_i32_0 = arith.constant 0 : i32
    return %arg0, %c0_i32 : i32, i32
  }
}

module attributes {stable_mosaic.version = 14 : i64} {
  func.func @body(%arg0: i32, %arg1: memref<2x1000x128xf32, #tpu.memory_space<vmem>>, %arg2: memref<1000x128xf32, #tpu.memory_space<vmem>>, %arg3: memref<1000x128xf32, #tpu.memory_space<vmem>>, %arg4: memref<128x128xf32, #tpu.memory_space<vmem>>, %arg5: memref<1000x128xf32, #tpu.memory_space<vmem>>) attributes {dimension_semantics = [#tpu.dimension_semantics<arbitrary>], iteration_bounds = array<i64: 10>, scalar_prefetch = 0 : i64, scratch_operands = 0 : i64, tpu.core_type = #tpu.core_type<tc>, window_params = [{transform_indices = @transform_0, window_bounds = array<i64: 2, 1000, 128>}, {transform_indices = @transform_1, window_bounds = array<i64: 1000, 128>}, {transform_indices = @transform_2, window_bounds = array<i64: 1000, 128>}, {pipeline_mode = #tpu.pipeline_mode<synchronous>, transform_indices = @transform_3, window_bounds = array<i64: 128, 128>}, {transform_indices = @transform_4, window_bounds = array<i64: 1000, 128>}]} {
    %get3A = arith.constant 0 : index
    %get3A_0 = arith.constant 0 : index
    %get3A_1 = arith.constant 0 : index
    %get3A_2 = vector.load %arg1[%get3A, %get3A_0, %get3A_1] : memref<2x1000x128xf32, #tpu.memory_space<vmem>>, vector<1x1000x128xf32>
    %get3A_3 = vector.shape_cast %get3A_2 : vector<1x1000x128xf32> to vector<1000x128xf32>
    %get3A_4 = arith.constant 1 : index
    %get3A_5 = arith.constant 0 : index
    %get3A_6 = arith.constant 0 : index
    %get3A_7 = vector.load %arg1[%get3A_4, %get3A_5, %get3A_6] : memref<2x1000x128xf32, #tpu.memory_space<vmem>>, vector<1x1000x128xf32>
    %get3A_8 = vector.shape_cast %get3A_7 : vector<1x1000x128xf32> to vector<1000x128xf32>
    %add3A = arith.addf %get3A_3, %get3A_8 : vector<1000x128xf32>
    %get3A_9 = arith.constant 0 : index
    %get3A_10 = arith.constant 0 : index
    %get3A_11 = vector.load %arg3[%get3A_9, %get3A_10] : memref<1000x128xf32, #tpu.memory_space<vmem>>, vector<1000x128xf32>
    %mul3A = arith.mulf %add3A, %get3A_11 : vector<1000x128xf32>
    %mul3A_12 = arith.constant 1.000000e-01 : f32
    %mul3A_13 = vector.broadcast %mul3A_12 : f32 to vector<1000x128xf32>
    %mul3A_14 = arith.mulf %mul3A, %mul3A_13 : vector<1000x128xf32>
    %get3A_15 = arith.constant 0 : index
    %get3A_16 = arith.constant 0 : index
    %get3A_17 = vector.load %arg2[%get3A_15, %get3A_16] : memref<1000x128xf32, #tpu.memory_space<vmem>>, vector<1000x128xf32>
    %mul3A_18 = arith.constant 0.899999976 : f32
    %mul3A_19 = vector.broadcast %mul3A_18 : f32 to vector<1000x128xf32>
    %mul3A_20 = arith.mulf %mul3A_19, %get3A_17 : vector<1000x128xf32>
    %add3A_21 = arith.addf %mul3A_14, %mul3A_20 : vector<1000x128xf32>
    %get3A_22 = arith.constant 0 : index
    %get3A_23 = arith.constant 0 : index
    %get3A_24 = vector.load %arg4[%get3A_22, %get3A_23] : memref<128x128xf32, #tpu.memory_space<vmem>>, vector<128x128xf32>
    %dot_general3A = arith.constant dense<0.000000e+00> : vector<1000x128xf32>
    %dot_general3A_25 = tpu.matmul %add3A_21, %get3A_24, %dot_general3A {dimension_numbers = #tpu.dot_dimension_numbers<[1], [0], [0], [1], [0, 0, 1, 1], [], []>, transpose_lhs_hint = false} : vector<1000x128xf32>, vector<128x128xf32>, vector<1000x128xf32> -> vector<1000x128xf32>
    %mul3A_26 = arith.constant 0.594534874 : f32
    %mul3A_27 = vector.broadcast %mul3A_26 : f32 to vector<1000x128xf32>
    %mul3A_28 = arith.mulf %mul3A_27, %add3A_21 : vector<1000x128xf32>
    %mul3A_29 = arith.constant 0.405465096 : f32
    %mul3A_30 = vector.broadcast %mul3A_29 : f32 to vector<1000x128xf32>
    %mul3A_31 = arith.mulf %mul3A_30, %dot_general3A_25 : vector<1000x128xf32>
    %add3A_32 = arith.addf %mul3A_28, %mul3A_31 : vector<1000x128xf32>
    %max3A = arith.constant 0.000000e+00 : f32
    %max3A_33 = vector.broadcast %max3A : f32 to vector<1000x128xf32>
    %max3A_34 = arith.maximumf %add3A_32, %max3A_33 : vector<1000x128xf32>
    %mul3A_35 = arith.mulf %max3A_34, %get3A_11 : vector<1000x128xf32>
    %swap3A = arith.constant 0 : index
    %swap3A_36 = arith.constant 0 : index
    %swap3A_37 = vector.load %arg5[%swap3A, %swap3A_36] : memref<1000x128xf32, #tpu.memory_space<vmem>>, vector<1000x128xf32>
    tpu.vector_store %arg5[%swap3A, %swap3A_36], %mul3A_35 {strides = array<i32>} : memref<1000x128xf32, #tpu.memory_space<vmem>>, vector<1000x128xf32>,
    return
  }
  func.func @transform_0(%arg0: i32) -> (i32, i32, i32) {
    %c0_i32 = arith.constant 0 : i32
    %c0_i32_0 = arith.constant 0 : i32
    %c0_i32_1 = arith.constant 0 : i32
    return %c0_i32, %arg0, %c0_i32_0 : i32, i32, i32
  }
  func.func @transform_1(%arg0: i32) -> (i32, i32) {
    %c0_i32 = arith.constant 0 : i32
    %c0_i32_0 = arith.constant 0 : i32
    return %arg0, %c0_i32 : i32, i32
  }
  func.func @transform_2(%arg0: i32) -> (i32, i32) {
    %c0_i32 = arith.constant 0 : i32
    %c0_i32_0 = arith.constant 0 : i32
    return %arg0, %c0_i32 : i32, i32
  }
  func.func @transform_3(%arg0: i32) -> (i32, i32) {
    %c0_i32 = arith.constant 0 : i32
    %c0_i32_0 = arith.constant 0 : i32
    %c0_i32_1 = arith.constant 0 : i32
    return %c0_i32, %c0_i32_0 : i32, i32
  }
  func.func @transform_4(%arg0: i32) -> (i32, i32) {
    %c0_i32 = arith.constant 0 : i32
    %c0_i32_0 = arith.constant 0 : i32
    return %arg0, %c0_i32 : i32, i32
  }
}

module attributes {stable_mosaic.version = 14 : i64} {
  func.func @body(%arg0: i32, %arg1: memref<2x1000x128xf32, #tpu.memory_space<vmem>>, %arg2: memref<1000x128xf32, #tpu.memory_space<vmem>>, %arg3: memref<1000x128xf32, #tpu.memory_space<vmem>>, %arg4: memref<128x128xf32, #tpu.memory_space<vmem>>, %arg5: memref<1000x128xf32, #tpu.memory_space<vmem>>) attributes {dimension_semantics = [#tpu.dimension_semantics<arbitrary>], iteration_bounds = array<i64: 10>, scalar_prefetch = 0 : i64, scratch_operands = 0 : i64, tpu.core_type = #tpu.core_type<tc>, window_params = [{transform_indices = @transform_0, window_bounds = array<i64: 2, 1000, 128>}, {transform_indices = @transform_1, window_bounds = array<i64: 1000, 128>}, {transform_indices = @transform_2, window_bounds = array<i64: 1000, 128>}, {pipeline_mode = #tpu.pipeline_mode<synchronous>, transform_indices = @transform_3, window_bounds = array<i64: 128, 128>}, {transform_indices = @transform_4, window_bounds = array<i64: 1000, 128>}]} {
    %get3A = arith.constant 0 : index
    %get3A_0 = arith.constant 0 : index
    %get3A_1 = arith.constant 0 : index
    %get3A_2 = vector.load %arg1[%get3A, %get3A_0, %get3A_1] : memref<2x1000x128xf32, #tpu.memory_space<vmem>>, vector<1x1000x128xf32>
    %get3A_3 = vector.shape_cast %get3A_2 : vector<1x1000x128xf32> to vector<1000x128xf32>
    %get3A_4 = arith.constant 1 : index
    %get3A_5 = arith.constant 0 : index
    %get3A_6 = arith.constant 0 : index
    %get3A_7 = vector.load %arg1[%get3A_4, %get3A_5, %get3A_6] : memref<2x1000x128xf32, #tpu.memory_space<vmem>>, vector<1x1000x128xf32>
    %get3A_8 = vector.shape_cast %get3A_7 : vector<1x1000x128xf32> to vector<1000x128xf32>
    %add3A = arith.addf %get3A_3, %get3A_8 : vector<1000x128xf32>
    %get3A_9 = arith.constant 0 : index
    %get3A_10 = arith.constant 0 : index
    %get3A_11 = vector.load %arg3[%get3A_9, %get3A_10] : memref<1000x128xf32, #tpu.memory_space<vmem>>, vector<1000x128xf32>
    %mul3A = arith.mulf %add3A, %get3A_11 : vector<1000x128xf32>
    %mul3A_12 = arith.constant 1.000000e-01 : f32
    %mul3A_13 = vector.broadcast %mul3A_12 : f32 to vector<1000x128xf32>
    %mul3A_14 = arith.mulf %mul3A, %mul3A_13 : vector<1000x128xf32>
    %get3A_15 = arith.constant 0 : index
    %get3A_16 = arith.constant 0 : index
    %get3A_17 = vector.load %arg2[%get3A_15, %get3A_16] : memref<1000x128xf32, #tpu.memory_space<vmem>>, vector<1000x128xf32>
    %mul3A_18 = arith.constant 0.899999976 : f32
    %mul3A_19 = vector.broadcast %mul3A_18 : f32 to vector<1000x128xf32>
    %mul3A_20 = arith.mulf %mul3A_19, %get3A_17 : vector<1000x128xf32>
    %add3A_21 = arith.addf %mul3A_14, %mul3A_20 : vector<1000x128xf32>
    %get3A_22 = arith.constant 0 : index
    %get3A_23 = arith.constant 0 : index
    %get3A_24 = vector.load %arg4[%get3A_22, %get3A_23] : memref<128x128xf32, #tpu.memory_space<vmem>>, vector<128x128xf32>
    %dot_general3A = arith.constant dense<0.000000e+00> : vector<1000x128xf32>
    %dot_general3A_25 = tpu.matmul %add3A_21, %get3A_24, %dot_general3A {dimension_numbers = #tpu.dot_dimension_numbers<[1], [0], [0], [1], [0, 0, 1, 1], [], []>, transpose_lhs_hint = false} : vector<1000x128xf32>, vector<128x128xf32>, vector<1000x128xf32> -> vector<1000x128xf32>
    %mul3A_26 = arith.constant 0.712317943 : f32
    %mul3A_27 = vector.broadcast %mul3A_26 : f32 to vector<1000x128xf32>
    %mul3A_28 = arith.mulf %mul3A_27, %add3A_21 : vector<1000x128xf32>
    %mul3A_29 = arith.constant 0.287682086 : f32
    %mul3A_30 = vector.broadcast %mul3A_29 : f32 to vector<1000x128xf32>
    %mul3A_31 = arith.mulf %mul3A_30, %dot_general3A_25 : vector<1000x128xf32>
    %add3A_32 = arith.addf %mul3A_28, %mul3A_31 : vector<1000x128xf32>
    %max3A = arith.constant 0.000000e+00 : f32
    %max3A_33 = vector.broadcast %max3A : f32 to vector<1000x128xf32>
    %max3A_34 = arith.maximumf %add3A_32, %max3A_33 : vector<1000x128xf32>
    %mul3A_35 = arith.mulf %max3A_34, %get3A_11 : vector<1000x128xf32>
    %swap3A = arith.constant 0 : index
    %swap3A_36 = arith.constant 0 : index
    %swap3A_37 = vector.load %arg5[%swap3A, %swap3A_36] : memref<1000x128xf32, #tpu.memory_space<vmem>>, vector<1000x128xf32>
    tpu.vector_store %arg5[%swap3A, %swap3A_36], %mul3A_35 {strides = array<i32>} : memref<1000x128xf32, #tpu.memory_space<vmem>>, vector<1000x128xf32>,
    return
  }
  func.func @transform_0(%arg0: i32) -> (i32, i32, i32) {
    %c0_i32 = arith.constant 0 : i32
    %c0_i32_0 = arith.constant 0 : i32
    %c0_i32_1 = arith.constant 0 : i32
    return %c0_i32, %arg0, %c0_i32_0 : i32, i32, i32
  }
  func.func @transform_1(%arg0: i32) -> (i32, i32) {
    %c0_i32 = arith.constant 0 : i32
    %c0_i32_0 = arith.constant 0 : i32
    return %arg0, %c0_i32 : i32, i32
  }
  func.func @transform_2(%arg0: i32) -> (i32, i32) {
    %c0_i32 = arith.constant 0 : i32
    %c0_i32_0 = arith.constant 0 : i32
    return %arg0, %c0_i32 : i32, i32
  }
  func.func @transform_3(%arg0: i32) -> (i32, i32) {
    %c0_i32 = arith.constant 0 : i32
    %c0_i32_0 = arith.constant 0 : i32
    %c0_i32_1 = arith.constant 0 : i32
    return %c0_i32, %c0_i32_0 : i32, i32
  }
  func.func @transform_4(%arg0: i32) -> (i32, i32) {
    %c0_i32 = arith.constant 0 : i32
    %c0_i32_0 = arith.constant 0 : i32
    return %arg0, %c0_i32 : i32, i32
  }
}

module attributes {stable_mosaic.version = 14 : i64} {
  func.func @body(%arg0: i32, %arg1: memref<2x1000x128xf32, #tpu.memory_space<vmem>>, %arg2: memref<1000x128xf32, #tpu.memory_space<vmem>>, %arg3: memref<1000x128xf32, #tpu.memory_space<vmem>>, %arg4: memref<128x128xf32, #tpu.memory_space<vmem>>, %arg5: memref<1000x128xf32, #tpu.memory_space<vmem>>) attributes {dimension_semantics = [#tpu.dimension_semantics<arbitrary>], iteration_bounds = array<i64: 10>, scalar_prefetch = 0 : i64, scratch_operands = 0 : i64, tpu.core_type = #tpu.core_type<tc>, window_params = [{transform_indices = @transform_0, window_bounds = array<i64: 2, 1000, 128>}, {transform_indices = @transform_1, window_bounds = array<i64: 1000, 128>}, {transform_indices = @transform_2, window_bounds = array<i64: 1000, 128>}, {pipeline_mode = #tpu.pipeline_mode<synchronous>, transform_indices = @transform_3, window_bounds = array<i64: 128, 128>}, {transform_indices = @transform_4, window_bounds = array<i64: 1000, 128>}]} {
    %get3A = arith.constant 0 : index
    %get3A_0 = arith.constant 0 : index
    %get3A_1 = arith.constant 0 : index
    %get3A_2 = vector.load %arg1[%get3A, %get3A_0, %get3A_1] : memref<2x1000x128xf32, #tpu.memory_space<vmem>>, vector<1x1000x128xf32>
    %get3A_3 = vector.shape_cast %get3A_2 : vector<1x1000x128xf32> to vector<1000x128xf32>
    %get3A_4 = arith.constant 1 : index
    %get3A_5 = arith.constant 0 : index
    %get3A_6 = arith.constant 0 : index
    %get3A_7 = vector.load %arg1[%get3A_4, %get3A_5, %get3A_6] : memref<2x1000x128xf32, #tpu.memory_space<vmem>>, vector<1x1000x128xf32>
    %get3A_8 = vector.shape_cast %get3A_7 : vector<1x1000x128xf32> to vector<1000x128xf32>
    %add3A = arith.addf %get3A_3, %get3A_8 : vector<1000x128xf32>
    %get3A_9 = arith.constant 0 : index
    %get3A_10 = arith.constant 0 : index
    %get3A_11 = vector.load %arg3[%get3A_9, %get3A_10] : memref<1000x128xf32, #tpu.memory_space<vmem>>, vector<1000x128xf32>
    %mul3A = arith.mulf %add3A, %get3A_11 : vector<1000x128xf32>
    %mul3A_12 = arith.constant 1.000000e-01 : f32
    %mul3A_13 = vector.broadcast %mul3A_12 : f32 to vector<1000x128xf32>
    %mul3A_14 = arith.mulf %mul3A, %mul3A_13 : vector<1000x128xf32>
    %get3A_15 = arith.constant 0 : index
    %get3A_16 = arith.constant 0 : index
    %get3A_17 = vector.load %arg2[%get3A_15, %get3A_16] : memref<1000x128xf32, #tpu.memory_space<vmem>>, vector<1000x128xf32>
    %mul3A_18 = arith.constant 0.899999976 : f32
    %mul3A_19 = vector.broadcast %mul3A_18 : f32 to vector<1000x128xf32>
    %mul3A_20 = arith.mulf %mul3A_19, %get3A_17 : vector<1000x128xf32>
    %add3A_21 = arith.addf %mul3A_14, %mul3A_20 : vector<1000x128xf32>
    %get3A_22 = arith.constant 0 : index
    %get3A_23 = arith.constant 0 : index
    %get3A_24 = vector.load %arg4[%get3A_22, %get3A_23] : memref<128x128xf32, #tpu.memory_space<vmem>>, vector<128x128xf32>
    %dot_general3A = arith.constant dense<0.000000e+00> : vector<1000x128xf32>
    %dot_general3A_25 = tpu.matmul %add3A_21, %get3A_24, %dot_general3A {dimension_numbers = #tpu.dot_dimension_numbers<[1], [0], [0], [1], [0, 0, 1, 1], [], []>, transpose_lhs_hint = false} : vector<1000x128xf32>, vector<128x128xf32>, vector<1000x128xf32> -> vector<1000x128xf32>
    %mul3A_26 = arith.constant 0.776856422 : f32
    %mul3A_27 = vector.broadcast %mul3A_26 : f32 to vector<1000x128xf32>
    %mul3A_28 = arith.mulf %mul3A_27, %add3A_21 : vector<1000x128xf32>
    %mul3A_29 = arith.constant 0.223143548 : f32
    %mul3A_30 = vector.broadcast %mul3A_29 : f32 to vector<1000x128xf32>
    %mul3A_31 = arith.mulf %mul3A_30, %dot_general3A_25 : vector<1000x128xf32>
    %add3A_32 = arith.addf %mul3A_28, %mul3A_31 : vector<1000x128xf32>
    %max3A = arith.constant 0.000000e+00 : f32
    %max3A_33 = vector.broadcast %max3A : f32 to vector<1000x128xf32>
    %max3A_34 = arith.maximumf %add3A_32, %max3A_33 : vector<1000x128xf32>
    %mul3A_35 = arith.mulf %max3A_34, %get3A_11 : vector<1000x128xf32>
    %swap3A = arith.constant 0 : index
    %swap3A_36 = arith.constant 0 : index
    %swap3A_37 = vector.load %arg5[%swap3A, %swap3A_36] : memref<1000x128xf32, #tpu.memory_space<vmem>>, vector<1000x128xf32>
    tpu.vector_store %arg5[%swap3A, %swap3A_36], %mul3A_35 {strides = array<i32>} : memref<1000x128xf32, #tpu.memory_space<vmem>>, vector<1000x128xf32>,
    return
  }
  func.func @transform_0(%arg0: i32) -> (i32, i32, i32) {
    %c0_i32 = arith.constant 0 : i32
    %c0_i32_0 = arith.constant 0 : i32
    %c0_i32_1 = arith.constant 0 : i32
    return %c0_i32, %arg0, %c0_i32_0 : i32, i32, i32
  }
  func.func @transform_1(%arg0: i32) -> (i32, i32) {
    %c0_i32 = arith.constant 0 : i32
    %c0_i32_0 = arith.constant 0 : i32
    return %arg0, %c0_i32 : i32, i32
  }
  func.func @transform_2(%arg0: i32) -> (i32, i32) {
    %c0_i32 = arith.constant 0 : i32
    %c0_i32_0 = arith.constant 0 : i32
    return %arg0, %c0_i32 : i32, i32
  }
  func.func @transform_3(%arg0: i32) -> (i32, i32) {
    %c0_i32 = arith.constant 0 : i32
    %c0_i32_0 = arith.constant 0 : i32
    %c0_i32_1 = arith.constant 0 : i32
    return %c0_i32, %c0_i32_0 : i32, i32
  }
  func.func @transform_4(%arg0: i32) -> (i32, i32) {
    %c0_i32 = arith.constant 0 : i32
    %c0_i32_0 = arith.constant 0 : i32
    return %arg0, %c0_i32 : i32, i32
  }
}

module attributes {stable_mosaic.version = 14 : i64} {
  func.func @body(%arg0: i32, %arg1: memref<2x1000x128xf32, #tpu.memory_space<vmem>>, %arg2: memref<1000x128xf32, #tpu.memory_space<vmem>>, %arg3: memref<1000x128xf32, #tpu.memory_space<vmem>>, %arg4: memref<128x128xf32, #tpu.memory_space<vmem>>, %arg5: memref<128x40xf32, #tpu.memory_space<vmem>>, %arg6: memref<1x40xf32, #tpu.memory_space<vmem>>, %arg7: memref<1000x40xf32, #tpu.memory_space<vmem>>) attributes {dimension_semantics = [#tpu.dimension_semantics<arbitrary>], iteration_bounds = array<i64: 10>, scalar_prefetch = 0 : i64, scratch_operands = 0 : i64, tpu.core_type = #tpu.core_type<tc>, window_params = [{transform_indices = @transform_0, window_bounds = array<i64: 2, 1000, 128>}, {transform_indices = @transform_1, window_bounds = array<i64: 1000, 128>}, {transform_indices = @transform_2, window_bounds = array<i64: 1000, 128>}, {pipeline_mode = #tpu.pipeline_mode<synchronous>, transform_indices = @transform_3, window_bounds = array<i64: 128, 128>}, {pipeline_mode = #tpu.pipeline_mode<synchronous>, transform_indices = @transform_4, window_bounds = array<i64: 128, 40>}, {pipeline_mode = #tpu.pipeline_mode<synchronous>, transform_indices = @transform_5, window_bounds = array<i64: 1, 40>}, {transform_indices = @transform_6, window_bounds = array<i64: 1000, 40>}]} {
    %get3A = arith.constant 0 : index
    %get3A_0 = arith.constant 0 : index
    %get3A_1 = arith.constant 0 : index
    %get3A_2 = vector.load %arg1[%get3A, %get3A_0, %get3A_1] : memref<2x1000x128xf32, #tpu.memory_space<vmem>>, vector<1x1000x128xf32>
    %get3A_3 = vector.shape_cast %get3A_2 : vector<1x1000x128xf32> to vector<1000x128xf32>
    %get3A_4 = arith.constant 1 : index
    %get3A_5 = arith.constant 0 : index
    %get3A_6 = arith.constant 0 : index
    %get3A_7 = vector.load %arg1[%get3A_4, %get3A_5, %get3A_6] : memref<2x1000x128xf32, #tpu.memory_space<vmem>>, vector<1x1000x128xf32>
    %get3A_8 = vector.shape_cast %get3A_7 : vector<1x1000x128xf32> to vector<1000x128xf32>
    %add3A = arith.addf %get3A_3, %get3A_8 : vector<1000x128xf32>
    %get3A_9 = arith.constant 0 : index
    %get3A_10 = arith.constant 0 : index
    %get3A_11 = vector.load %arg3[%get3A_9, %get3A_10] : memref<1000x128xf32, #tpu.memory_space<vmem>>, vector<1000x128xf32>
    %mul3A = arith.mulf %add3A, %get3A_11 : vector<1000x128xf32>
    %mul3A_12 = arith.constant 1.000000e-01 : f32
    %mul3A_13 = vector.broadcast %mul3A_12 : f32 to vector<1000x128xf32>
    %mul3A_14 = arith.mulf %mul3A, %mul3A_13 : vector<1000x128xf32>
    %get3A_15 = arith.constant 0 : index
    %get3A_16 = arith.constant 0 : index
    %get3A_17 = vector.load %arg2[%get3A_15, %get3A_16] : memref<1000x128xf32, #tpu.memory_space<vmem>>, vector<1000x128xf32>
    %mul3A_18 = arith.constant 0.899999976 : f32
    %mul3A_19 = vector.broadcast %mul3A_18 : f32 to vector<1000x128xf32>
    %mul3A_20 = arith.mulf %mul3A_19, %get3A_17 : vector<1000x128xf32>
    %add3A_21 = arith.addf %mul3A_14, %mul3A_20 : vector<1000x128xf32>
    %get3A_22 = arith.constant 0 : index
    %get3A_23 = arith.constant 0 : index
    %get3A_24 = vector.load %arg4[%get3A_22, %get3A_23] : memref<128x128xf32, #tpu.memory_space<vmem>>, vector<128x128xf32>
    %dot_general3A = arith.constant dense<0.000000e+00> : vector<1000x128xf32>
    %dot_general3A_25 = tpu.matmul %add3A_21, %get3A_24, %dot_general3A {dimension_numbers = #tpu.dot_dimension_numbers<[1], [0], [0], [1], [0, 0, 1, 1], [], []>, transpose_lhs_hint = false} : vector<1000x128xf32>, vector<128x128xf32>, vector<1000x128xf32> -> vector<1000x128xf32>
    %mul3A_26 = arith.constant 0.817678452 : f32
    %mul3A_27 = vector.broadcast %mul3A_26 : f32 to vector<1000x128xf32>
    %mul3A_28 = arith.mulf %mul3A_27, %add3A_21 : vector<1000x128xf32>
    %mul3A_29 = arith.constant 0.182321563 : f32
    %mul3A_30 = vector.broadcast %mul3A_29 : f32 to vector<1000x128xf32>
    %mul3A_31 = arith.mulf %mul3A_30, %dot_general3A_25 : vector<1000x128xf32>
    %add3A_32 = arith.addf %mul3A_28, %mul3A_31 : vector<1000x128xf32>
    %max3A = arith.constant 0.000000e+00 : f32
    %max3A_33 = vector.broadcast %max3A : f32 to vector<1000x128xf32>
    %max3A_34 = arith.maximumf %add3A_32, %max3A_33 : vector<1000x128xf32>
    %get3A_35 = arith.constant 0 : index
    %get3A_36 = arith.constant 0 : index
    %get3A_37 = vector.load %arg5[%get3A_35, %get3A_36] : memref<128x40xf32, #tpu.memory_space<vmem>>, vector<128x40xf32>
    %dot_general3A_38 = arith.constant dense<0.000000e+00> : vector<1000x40xf32>
    %dot_general3A_39 = tpu.matmul %max3A_34, %get3A_37, %dot_general3A_38 {dimension_numbers = #tpu.dot_dimension_numbers<[1], [0], [0], [1], [0, 0, 1, 1], [], []>, transpose_lhs_hint = false} : vector<1000x128xf32>, vector<128x40xf32>, vector<1000x40xf32> -> vector<1000x40xf32>
    %get3A_40 = arith.constant 0 : index
    %get3A_41 = arith.constant 0 : index
    %get3A_42 = vector.load %arg6[%get3A_40, %get3A_41] : memref<1x40xf32, #tpu.memory_space<vmem>>, vector<1x40xf32>
    %add3A_43 = vector.broadcast %get3A_42 : vector<1x40xf32> to vector<1000x40xf32>
    %add3A_44 = arith.addf %dot_general3A_39, %add3A_43 : vector<1000x40xf32>
    %swap3A = arith.constant 0 : index
    %swap3A_45 = arith.constant 0 : index
    %swap3A_46 = vector.load %arg7[%swap3A, %swap3A_45] : memref<1000x40xf32, #tpu.memory_space<vmem>>, vector<1000x40xf32>
    tpu.vector_store %arg7[%swap3A, %swap3A_45], %add3A_44 {strides = array<i32>} : memref<1000x40xf32, #tpu.memory_space<vmem>>, vector<1000x40xf32>,
    return
  }
  func.func @transform_0(%arg0: i32) -> (i32, i32, i32) {
    %c0_i32 = arith.constant 0 : i32
    %c0_i32_0 = arith.constant 0 : i32
    %c0_i32_1 = arith.constant 0 : i32
    return %c0_i32, %arg0, %c0_i32_0 : i32, i32, i32
  }
  func.func @transform_1(%arg0: i32) -> (i32, i32) {
    %c0_i32 = arith.constant 0 : i32
    %c0_i32_0 = arith.constant 0 : i32
    return %arg0, %c0_i32 : i32, i32
  }
  func.func @transform_2(%arg0: i32) -> (i32, i32) {
    %c0_i32 = arith.constant 0 : i32
    %c0_i32_0 = arith.constant 0 : i32
    return %arg0, %c0_i32 : i32, i32
  }
  func.func @transform_3(%arg0: i32) -> (i32, i32) {
    %c0_i32 = arith.constant 0 : i32
    %c0_i32_0 = arith.constant 0 : i32
    %c0_i32_1 = arith.constant 0 : i32
    return %c0_i32, %c0_i32_0 : i32, i32
  }
  func.func @transform_4(%arg0: i32) -> (i32, i32) {
    %c0_i32 = arith.constant 0 : i32
    %c0_i32_0 = arith.constant 0 : i32
    %c0_i32_1 = arith.constant 0 : i32
    return %c0_i32, %c0_i32_0 : i32, i32
  }
  func.func @transform_5(%arg0: i32) -> (i32, i32) {
    %c0_i32 = arith.constant 0 : i32
    %c0_i32_0 = arith.constant 0 : i32
    %c0_i32_1 = arith.constant 0 : i32
    return %c0_i32, %c0_i32_0 : i32, i32
  }
  func.func @transform_6(%arg0: i32) -> (i32, i32) {
    %c0_i32 = arith.constant 0 : i32
    %c0_i32_0 = arith.constant 0 : i32
    return %arg0, %c0_i32 : i32, i32
  }
}

</mosaic_0001>

<sc_bundles>
// kernel: kernel.14.cloned.1.call-start
scs
__scs_entry_jumppad:
0x0: {  	(pc) =	sbr.rel $0x88, $3  }
0x1: {  	(tag) =	ssettag $0x0;
	lr =	simm.s32 $0x1  }
0x2: {  	[smem:$0x3F98] =	sst lr;
	_ =	strace $0xD0000000  }
0x3: {  	_ = 	snop  }
0x4: {  	_ = 	snop  }
0x5: {  	_ = 	snop  }
0x6: {  	_ = 	snop  }
0x7: {  	_ = 	snop  }
__scs_overlays_trampoline_lowered:
0x8: {  	[smem:$0x3FA7] =	sst s0  }
0x9: {  	[smem:$0x3FA8] =	sst s1  }
0xa: {  	[smem:$0x3FA9] =	sst s2  }
0xb: {  	[smem:$0x3FAA] =	sst s3  }
0xc: {  	[smem:$0x3FAB] =	sst s4  }
0xd: {  	[smem:$0x3FAC] =	sst s5  }
0xe: {  	[smem:$0x3FAD] =	sst s6  }
0xf: {  	[smem:$0x3FAE] =	sst s7  }
0x10: {  	[smem:$0x3FAF] =	sst s8  }
0x11: {  	[smem:$0x3FB0] =	sst s9;
	s0 =	simm.s32 @!p0 $0x0  }
0x12: {  	s1 =	sld [smem:$0x3F96];
	s0 =	simm.s32 @p0 $0x1  }
0x13: {  	[smem:$0x3FB1] =	sst s0;
	s0 =	simm.s32 @!p1 $0x0  }
0x14: {  	s2 =	sld [smem:$0x3F95];
	s0 =	simm.s32 @p1 $0x1  }
0x15: {  	[smem:$0x3FB2] =	sst s0;
	s0 =	simm.s32 @!p2 $0x0  }
0x16: {  	s3 =	sld [smem:$0x3FDB];
	s0 =	simm.s32 @p2 $0x1  }
0x17: {  	s4 =	simm.s32 $0x1BF5;
	[smem:$0x3FB4] =	sst s0  }
0x18: {  	s0 =	sld [smem:$0x3F97];
	_ =	swait.ge [sflag:s4], $0x0  }
0x19: {  	s7 =	sld [smem:$0x3F98]  }
0x1a: {  	s8 =	sadd.s32 $0xFFFFE003, lr  }
0x1b: {  	s9 =	sadd.s32 $0xFFFFFEF7, lr;
	s5 =	simm.s32 $0xFFFFFFFF;
	p2 =	slt.u32 s8, $0xFFFFF086  }
0x1c: {  	p1 =	slt.u32 s9, $0xF7A;
	s5 =	simm.s32 @!p2 $0x0  }
0x1d: {  	s5 =	simm.s32 @p1 $0x1;
	p0 =	seq.s32 s7, s2  }
0x1e: {  	s7 =	smul.u32 @!p0 $0xF7A, s2;
	p2 =	seq.s32 @!p0 s5, $0x0  }
0x1f: {  	s9 =	smul.u32 $0xF7A, s1;
	s8 =	simm.s32 @!p0 $0x1BF5;
	p2 =	por !p2, p0  }
0x20: {  	[sflag:s8] =	ssyncset.s32 @!p0 $0xFFFFF086;
	s6 =	sadd.s32 @!p0 s3, s7;
	s7 =	simm.s32 @!p0 $0x108  }
0x21: {  	s3 =	sadd.s32 s3, s9;
	s6 =	sadd.s32 @!p0 $0x88, s6;
	s7 =	simm.s32 @p2 $0x1082  }
0x22: {  	[simem:s7], [sflag:s8] =	dma.local @!p0 [hbm:s6], $0xF7A  }
0x23: {  	s9 =	sor.u32 $0xD0000000, s2;
	s6 =	simm.s32 $0x108;
	_ =	swait.ge @!p0 [sflag:s8], $0x0  }
0x24: {  	s3 =	sadd.s32 $0x88, s3;
	s6 =	simm.s32 @!p1 $0x1082;
	[sflag:s4] =	ssyncset.s32 $0xFFFFF086  }
0x25: {  	[simem:s6], [sflag:s4] =	dma.local [hbm:s3], $0xF7A  }
0x26: {  	[smem:$0x3F98] =	sst s1;
	(tag) =	ssettag s2;
	_ =	strace s9  }
0x27: {  	s1 =	sld [smem:$0x3FA8]  }
0x28: {  	s2 =	sld [smem:$0x3FA9]  }
0x29: {  	s4 =	sld [smem:$0x3FAB]  }
0x2a: {  	p0 =	seq.s32 s5, $0x0;
	s5 =	sld [smem:$0x3FAC]  }
0x2b: {  	s6 =	sld [smem:$0x3FAD]  }
0x2c: {  	s7 =	sld [smem:$0x3FAE]  }
0x2d: {  	s3 =	simm.s32 $0x108;
	s8 =	sld [smem:$0x3FAF]  }
0x2e: {  	s3 =	simm.s32 @!p0 $0x1082;
	s9 =	sld [smem:$0x3FB0]  }
0x2f: {  	lr =	sadd.s32 s0, s3;
	s0 =	sld [smem:$0x3FA7]  }
0x30: {  	s3 =	sld [smem:$0x3FAA]  }
0x31: {  	[smem:$0x3FB3] =	sst s10  }
0x32: {  	s10 =	sld [smem:$0x3FB1];
	_ =	sdelay $0x3  }
0x33: {  	p0 =	seq.s32 s10, $0x1;
	s10 =	sld [smem:$0x3FB3];
	_ =	sdelay $0x3  }
0x34: {  	[smem:$0x3FB3] =	sst s10  }
0x35: {  	s10 =	sld [smem:$0x3FB2];
	_ =	sdelay $0x3  }
0x36: {  	p1 =	seq.s32 s10, $0x1;
	s10 =	sld [smem:$0x3FB3];
	_ =	sdelay $0x3  }
0x37: {  	[smem:$0x3FB3] =	sst s10  }
0x38: {  	s10 =	sld [smem:$0x3FB4]  }
0x39: {  	_ = 	snop;
	(pc) =	sbr.ind lr, $3  }
0x3a: {  	_ = 	snop  }
0x3b: {  	_ = 	snop  }
0x3c: {  	p2 =	seq.s32 s10, $0x1;
	s10 =	sld [smem:$0x3FB3]  }
0x3d: {  	_ =	shalt  }
0x3e: {  	_ =	shalt  }
0x3f: {  	_ =	shalt  }
0x40: {  	_ =	shalt  }
0x41: {  	_ =	shalt  }
0x42: {  	_ =	shalt  }
0x43: {  	_ =	shalt  }
0x44: {  	_ =	shalt  }
0x45: {  	_ =	shalt  }
0x46: {  	_ =	shalt  }
0x47: {  	_ =	shalt  }
0x48: {  	_ =	shalt  }
0x49: {  	_ =	shalt  }
0x4a: {  	_ =	shalt  }
0x4b: {  	_ =	shalt  }
0x4c: {  	_ =	shalt  }
0x4d: {  	_ =	shalt  }
0x4e: {  	_ =	shalt  }
0x4f: {  	_ =	shalt  }
0x50: {  	_ =	shalt  }
0x51: {  	_ =	shalt  }
0x52: {  	_ =	shalt  }
0x53: {  	_ =	shalt  }
0x54: {  	_ =	shalt  }
0x55: {  	_ =	shalt  }
0x56: {  	_ =	shalt  }
0x57: {  	_ =	shalt  }
0x58: {  	_ =	shalt  }
0x59: {  	_ =	shalt  }
0x5a: {  	_ =	shalt  }
0x5b: {  	_ =	shalt  }
0x5c: {  	_ =	shalt  }
0x5d: {  	_ =	shalt  }
0x5e: {  	_ =	shalt  }
0x5f: {  	_ =	shalt  }
0x60: {  	_ =	shalt  }
0x61: {  	_ =	shalt  }
0x62: {  	_ =	shalt  }
0x63: {  	_ =	shalt  }
0x64: {  	_ =	shalt  }
0x65: {  	_ =	shalt  }
0x66: {  	_ =	shalt  }
0x67: {  	_ =	shalt  }
0x68: {  	_ =	shalt  }
0x69: {  	_ =	shalt  }
0x6a: {  	_ =	shalt  }
0x6b: {  	_ =	shalt  }
0x6c: {  	_ =	shalt  }
0x6d: {  	_ =	shalt  }
0x6e: {  	_ =	shalt  }
0x6f: {  	_ =	shalt  }
0x70: {  	_ =	shalt  }
0x71: {  	_ =	shalt  }
0x72: {  	_ =	shalt  }
0x73: {  	_ =	shalt  }
0x74: {  	_ =	shalt  }
0x75: {  	_ =	shalt  }
0x76: {  	_ =	shalt  }
0x77: {  	_ =	shalt  }
0x78: {  	_ =	shalt  }
0x79: {  	_ =	shalt  }
0x7a: {  	_ =	shalt  }
0x7b: {  	_ =	shalt  }
0x7c: {  	_ =	shalt  }
0x7d: {  	_ =	shalt  }
0x7e: {  	_ =	shalt  }
0x7f: {  	_ =	shalt  }
0x80: {  	_ =	shalt  }
0x81: {  	_ =	shalt  }
0x82: {  	_ =	shalt  }
0x83: {  	_ =	shalt  }
0x84: {  	_ =	shalt  }
0x85: {  	_ =	shalt  }
0x86: {  	_ =	shalt  }
0x87: {  	_ =	shalt  }
.Lfunc_end0:
.L_simem_size_0:
called_computation_lowered:
.L_overlay_start_0:
0x88: {  	s2 =	sld [smem:$0x3FD9]  }
0x89: {  	s3 =	sld [smem:$0x3FFE];
	_ =	sdelay $0x1  }
0x8a: {  	s1 =	srdreg.scid  }
0x8b: {  	s0 =	sand.u32 $0x1, s1  }
0x8c: {  	s17 =	sshll.u32 s0, $0xA;
	s2 =	sadd.s32 s3, s2  }
0x8d: {  	s2 =	sadd.s32 s2, s17  }
0x8e: {  	[smem:$0x3FBF] =	sst s2  }
0x8f: {  	_ = 	snop  }
0x90: {  	s2 =	sld [smem:$0x3FD0];
	(tm) =	ssettm $0x1  }
0x91: {  	s18 =	sld [smem:$0x3FFB];
	_ =	sdelay $0x3  }
0x92: {  	_ =	strace s18  }
0x93: {  	s3 =	sld [smem:$0x3FFC];
	_ =	sdelay $0x3  }
0x94: {  	_ =	strace s3  }
0x95: {  	s3 =	sld [smem:$0x3FFD];
	_ =	sdelay $0x3  }
0x96: {  	_ =	strace s3  }
0x97: {  	_ =	strace $0x8FFFFFFF  }
0x98: {  	s19 =	sld [smem:$0x3FDB];
	_ =	sdelay $0x1  }
0x99: {  	s4 =	simm.s32 $_scs_section_size  }
0x9a: {  	s5 =	simm.s32 $_size__tile_overlayer_lowered;
	s6 =	simm.s32 $_tile_overlayer_lowered  }
0x9b: {  	s22 =	simm.s32 $0x1BFF;
	s21 =	sshll.u32 s6, $0x1;
	s3 =	sadd.s32 s4, s19  }
0x9c: {  	s7 =	simm.s32 $0x0;
	s20 =	sshll.u32 s5, $0x1;
	s5 =	sadd.s32 s21, s3  }
0x9d: {  	[timem:s7], [sflag:s22] =	dma.local [hbm:s5], s20  }
0x9e: {  	_ =	swait.ge [sflag:s22], s20  }
0x9f: {  	s4 =	ssub.s32 $0x0, s20;
	[sflag:s22] =	ssyncset.done $0x0  }
0xa0: {  	[sflag:s22] =	ssyncadd.s32 s4;
	_ =	sdelay $0x1  }
0xa1: {  	s23 =	simm.s32 $0x1B8B  }
0xa2: {  	_ =	swait.ge [sflag:s23], $0x1  }
0xa3: {  	[sflag:s23] =	ssyncset.done $0x0  }
0xa4: {  	s25 =	simm.s32 $0x1B8E;
	s24 =	sld [smem:$0x3FFE];
	[sflag:s23] =	ssyncadd.s32 $0xFFFFFFFF  }
0xa5: {  	s26 =	simm.s32 $execute0_lowered;
	[smem:$0x3FD2] =	sst s25  }
0xa6: {  	s5 =	sshll.u32 s26, $0x1;
	_ =	strace $0x80000046;
	[dreg:$0x1] =	wrdreg $0xFFFFFFFF  }
0xa7: {  	s28 =	simm.s32 $_size_execute0_lowered;
	s3 =	sadd.s32 s3, s5;
	[dreg:$0x0] =	wrdreg $0x0  }
0xa8: {  	s5 =	sshll.u32 s28, $0x1;
	[dreg:$0x2] =	wrdreg s3  }
0xa9: {  	[dreg:$0x3] =	wrdreg s5  }
0xaa: {  	[dreg:$0x4] =	wrdreg $0xC0  }
0xab: {  	_ =	task [dreg:s7], $0x5FFFF  }
0xac: {  	[dreg:$0x1] =	wrdreg $0xFFFFFFFF  }
0xad: {  	[dreg:$0x0] =	wrdreg $0x60  }
0xae: {  	[dreg:$0x2] =	wrdreg s2  }
0xaf: {  	[dreg:$0x3] =	wrdreg s24  }
0xb0: {  	[dreg:$0x4] =	wrdreg $0x0  }
0xb1: {  	[dreg:$0x5] =	wrdreg $0x9  }
0xb2: {  	_ =	task.clear_ibuf [dreg:s7], $0x6FFFF;
	_ =	strace $0x90000046  }
0xb3: {  	s29 =	simm.s32 $0x9;
	_ =	strace $0x80000048  }
0xb4: {  	_ =	swait.ge [sflag:s29], $0x1  }
0xb5: {  	[sflag:s29] =	ssyncadd.s32 $0xFFFFFFFF  }
0xb6: {  	_ =	strace $0x90000048  }
0xb7: {  	_ =	sfence  }
0xb8: {  	s30 =	sld [smem:$0x0];
	_ =	sdelay $0x2  }
0xb9: {  	s31 =	sshll.u32 s1, $0xD;
	s1 =	sshrl.u32 s1, $0x2  }
0xba: {  	s3 =	sand.u32 $0x4000, s31;
	s1 =	sadd.s32 s1, s30  }
0xbb: {  	s0 =	sor.u32 s3, s0;
	s1 =	sshll.u32 s1, $0x11  }
0xbc: {  	s0 =	sor.u32 s1, s0  }
0xbd: {  	s0 =	sadd.s32 $0x8F2B, s0  }
0xbe: {  	[sflag:s0] =	ssyncadd.remote.s32 $0x1  }
0xbf: {  	_ =	sfence.sel $0xFFFF  }
0xc0: {  	[dreg:$0x0] =	wrdreg $0xFFFFFFFF;
	(pc) =	sbr.abs _section_cstart, $3  }
0xc1: {  	[dreg:$0x1] =	wrdreg $0xFFFFFFFF  }
0xc2: {  	_ =	task.clear_ibuf [dreg:s7], $0x2FFFF;
	_ =	strace $0x9FFFFFFF  }
0xc3: {  	(tm) =	ssettm $0x7FFFFFFF  }
tec
execute0_lowered:
.L_overlay_start_1:
0x0: {  	(tag) =	ssettag $0x1  }
0x1: {  	s0 =	rddreg [dreg:$0x0]  }
0x2: {  	s1 =	rddreg [dreg:$0x1]  }
0x3: {  	s6 =	rddreg [dreg:$0x2]  }
0x4: {  	s10 =	rddreg [dreg:$0x3]  }
0x5: {  	s7 =	simm.s32 $0x0;
	s11 =	stileid.u32;
	s2 =	srdreg.scid  }
0x6: {  	s12 =	simm.s32 $0x14080;
	s14 =	simm.s32 $0x141A0;
	s15 =	simm.s32 $0x142C0  }
0x7: {  	s17 =	simm.s32 $0x143E0;
	[smem:$0x7FF] =	sst s7;
	s8 =	sadd.s32 $0x2AA00, s1  }
0x8: {  	s18 =	simm.s32 $0x14500;
	_ =	strace $0x80000047;
	[dreg:$0x4] =	wrdreg s8  }
0x9: {  	s20 =	simm.s32 $0x14620;
	s21 =	simm.s32 $0x14740;
	[dreg:$0xb] =	wrdreg s12  }
0xa: {  	s22 =	simm.s32 $0x14860;
	s23 =	simm.s32 $0x14980;
	[dreg:$0xc] =	wrdreg s14  }
0xb: {  	s24 =	simm.s32 $0x14AA0;
	s31 =	simm.s32 $0x13C00;
	[dreg:$0xd] =	wrdreg s15  }
0xc: {  	p0 =	por $0x0, $0x0;
	s28 =	simm.s32 $0x16000;
	[dreg:$0xe] =	wrdreg s17  }
0xd: {  	s29 =	simm.s32 $0x16120;
	s30 =	simm.s32 $0x16240;
	[dreg:$0xf] =	wrdreg s18  }
0xe: {  	s3 =	smul.u32 $0x13C00, s11;
	s2 =	sand.u32 $0x1, s2;
	[dreg:$0x10] =	wrdreg s20  }
0xf: {  	s5 =	sshll.u32 s11, $0x1;
	s13 =	smul.u32 $0x4F000, s11;
	[dreg:$0x11] =	wrdreg s21  }
0x10: {  	s19 =	sshll.u32 s11, $0x6;
	s11 =	simm.s32 $0x16360;
	[dreg:$0x12] =	wrdreg s22  }
0x11: {  	s4 =	smul.u32 $0x13C000, s2;
	s5 =	sor.u32 s2, s5;
	[dreg:$0x13] =	wrdreg s23  }
0x12: {  	s8 =	ssub.s32 $0x2, s2;
	[dreg:$0x14] =	wrdreg s24;
	s12 =	simm.s32 $0x14F20  }
0x13: {  	s14 =	simm.s32 $0x15160;
	s15 =	simm.s32 $0x15280;
	s17 =	simm.s32 $0x154C0  }
0x14: {  	s18 =	simm.s32 $0x155E0;
	s20 =	simm.s32 $0x15820;
	s21 =	simm.s32 $0x15940  }
0x15: {  	s22 =	simm.s32 $0x15A60;
	s23 =	simm.s32 $0x15B80;
	s24 =	simm.s32 $0x15CA0  }
0x16: {  	s9 =	sshrl.u32 s3, $0x3;
	s25 =	smul.u32 $0x510, s5;
	s5 =	simm.s32 $0x13E40  }
0x17: {  	s2 =	sshrl.u32 s8, $0x1;
	s16 =	sshrl.u32 s13, $0x2;
	s13 =	simm.s32 $0x15040  }
0x18: {  	s9 =	sadd.s32 s9, s1;
	s3 =	sadd.s32 s3, s4;
	s4 =	simm.s32 $0x13D20  }
0x19: {  	[dreg:$0x9] =	wrdreg s5;
	s5 =	simm.s32 $0x1;
	s3 =	sshrl.u32 s3, $0x3  }
0x1a: {  	s26 =	sadd.s32 $0x3200, s9;
	s0 =	sadd.s32 s0, s25;
	[dreg:$0x8] =	wrdreg s4  }
0x1b: {  	s9 =	simm.s32 $0x13F60;
	s1 =	sadd.s32 s3, s1;
	[dreg:$0x5] =	wrdreg s26  }
0x1c: {  	[dreg:$0x6] =	wrdreg s0;
	s3 =	sadd.s32 $0x2BC00, s1;
	s1 =	ssub.s32 s8, s2  }
0x1d: {  	s25 =	simm.s32 $0x14BC0;
	[dreg:$0xa] =	wrdreg s9;
	s1 =	smax.u32 s1, $0x1  }
0x1e: {  	s4 =	simm.s32 $0x2;
	[dreg:$0x15] =	wrdreg s25;
	p1 =	sne.s32 s1, $0x1  }
.Ltmp0:
0x1f: {  	s26 =	simm.s32 $0x14CE0;
	s9 =	simm.s32 $0x120;
	(pc) =	sbr.rel @!p1 .LBB2_1-.Ltmp0, $4  }
0x20: {  	s25 =	simm.s32 $0x15DC0;
	s2 =	sor.u32 $0x1C02, s19;
	s8 =	simm.s32 $0x16480  }
0x21: {  	[dreg:$0x16] =	wrdreg s26;
	s19 =	simm.s32 $0x15700;
	s26 =	simm.s32 $0x15EE0  }
0x22: {  	[dreg:$0x7] =	wrdreg s3;
	s3 =	sadd.s32 s16, s6;
	s16 =	simm.s32 $0x153A0  }
0x23: {  	s3 =	sshrl.u32 s3, $0x3;
	s0 =	sadd.s32 $0xFFFFFFFF, s1;
	s1 =	rddreg [dreg:$0x5]  }
0x24: {  	[spmem:s3], [sflag:s2] =	dma.local [hbm:s1], $0x2780  }
0x25: {  	_ =	swait.ge [sflag:s4], $0x2780  }
0x26: {  	[sflag:s4] =	ssyncset.done $0x0  }
0x27: {  	s10 =	rddreg [dreg:$0x6];
	[sflag:s4] =	ssyncadd.s32 $0xFFFFD880  }
0x28: {  	[tilespmem:s31], [sflag:$0x2] =	stream.linear.gather [hbm4b:s10+s7], $0x2880, $0x38;
	[tilespmem:$0x1F480] =	vst v63  }
0x29: {  	_ =	swait.ge [sflag:s4], $0x2880  }
0x2a: {  	[sflag:s4] =	ssyncset.done $0x0  }
0x2b: {  	s10 =	rddreg [dreg:$0x4];
	[sflag:s4] =	ssyncadd.s32 $0xFFFFD780  }
0x2c: {  	[tilespmem:s8], [sflag:$0x2] =	stream.linear.gather [hbm4b:s10+s7], $0x9000, $0x38;
	[tilespmem:$0x1F480] =	vst v63  }
0x2d: {  	_ =	swait.ge [sflag:s4], $0x9000  }
0x2e: {  	[sflag:s4] =	ssyncset.done $0x0  }
0x2f: {  	[sflag:s4] =	ssyncadd.s32 $0xFFFF7000  }
0x30: {  	[bflag:$0x0] =	sbarrier.arrive $0xFFFF  }
0x31: {  	[spmem:s6] =	stream.indirect.scatter.add.f32 [tilespmem:s8], [sflag:$0x1], $0x80, s31, s9, $0xb8;
	[tilespmem:$0x1F480] =	vst v63  }
0x32: {  	s1 =	rddreg [dreg:$0x8]  }
0x33: {  	[spmem:s6] =	stream.indirect.scatter.add.f32 [tilespmem:s8], [sflag:$0x1], $0x80, s1, s9, $0xb8;
	[tilespmem:$0x1F480] =	vst v63  }
0x34: {  	s10 =	smov.u32 s0;
	s0 =	rddreg [dreg:$0x9]  }
0x35: {  	[spmem:s6] =	stream.indirect.scatter.add.f32 [tilespmem:s8], [sflag:$0x1], $0x80, s0, s9, $0xb8;
	[tilespmem:$0x1F480] =	vst v63  }
0x36: {  	s1 =	rddreg [dreg:$0xa]  }
0x37: {  	[spmem:s6] =	stream.indirect.scatter.add.f32 [tilespmem:s8], [sflag:$0x1], $0x80, s1, s9, $0xb8;
	[tilespmem:$0x1F480] =	vst v63  }
0x38: {  	s0 =	rddreg [dreg:$0xb]  }
0x39: {  	[spmem:s6] =	stream.indirect.scatter.add.f32 [tilespmem:s8], [sflag:$0x1], $0x80, s0, s9, $0xb8;
	[tilespmem:$0x1F480] =	vst v63  }
0x3a: {  	s1 =	rddreg [dreg:$0xc]  }
0x3b: {  	[spmem:s6] =	stream.indirect.scatter.add.f32 [tilespmem:s8], [sflag:$0x1], $0x80, s1, s9, $0xb8;
	[tilespmem:$0x1F480] =	vst v63  }
0x3c: {  	s0 =	rddreg [dreg:$0xd]  }
0x3d: {  	[spmem:s6] =	stream.indirect.scatter.add.f32 [tilespmem:s8], [sflag:$0x1], $0x80, s0, s9, $0xb8;
	[tilespmem:$0x1F480] =	vst v63  }
0x3e: {  	s1 =	rddreg [dreg:$0xe]  }
0x3f: {  	[spmem:s6] =	stream.indirect.scatter.add.f32 [tilespmem:s8], [sflag:$0x1], $0x80, s1, s9, $0xb8;
	[tilespmem:$0x1F480] =	vst v63  }
0x40: {  	s0 =	rddreg [dreg:$0xf]  }
0x41: {  	[spmem:s6] =	stream.indirect.scatter.add.f32 [tilespmem:s8], [sflag:$0x1], $0x80, s0, s9, $0xb8;
	[tilespmem:$0x1F480] =	vst v63  }
0x42: {  	s1 =	rddreg [dreg:$0x10]  }
0x43: {  	[spmem:s6] =	stream.indirect.scatter.add.f32 [tilespmem:s8], [sflag:$0x1], $0x80, s1, s9, $0xb8;
	[tilespmem:$0x1F480] =	vst v63  }
0x44: {  	s0 =	rddreg [dreg:$0x11]  }
0x45: {  	[spmem:s6] =	stream.indirect.scatter.add.f32 [tilespmem:s8], [sflag:$0x1], $0x80, s0, s9, $0xb8;
	[tilespmem:$0x1F480] =	vst v63  }
0x46: {  	s1 =	rddreg [dreg:$0x12]  }
0x47: {  	[spmem:s6] =	stream.indirect.scatter.add.f32 [tilespmem:s8], [sflag:$0x1], $0x80, s1, s9, $0xb8;
	[tilespmem:$0x1F480] =	vst v63  }
0x48: {  	s0 =	rddreg [dreg:$0x13]  }
0x49: {  	[spmem:s6] =	stream.indirect.scatter.add.f32 [tilespmem:s8], [sflag:$0x1], $0x80, s0, s9, $0xb8;
	[tilespmem:$0x1F480] =	vst v63  }
0x4a: {  	s1 =	rddreg [dreg:$0x14]  }
0x4b: {  	[spmem:s6] =	stream.indirect.scatter.add.f32 [tilespmem:s8], [sflag:$0x1], $0x80, s1, s9, $0xb8;
	[tilespmem:$0x1F480] =	vst v63  }
0x4c: {  	s0 =	rddreg [dreg:$0x15]  }
0x4d: {  	[spmem:s6] =	stream.indirect.scatter.add.f32 [tilespmem:s8], [sflag:$0x1], $0x80, s0, s9, $0xb8;
	[tilespmem:$0x1F480] =	vst v63  }
0x4e: {  	s1 =	rddreg [dreg:$0x16]  }
0x4f: {  	[spmem:s6] =	stream.indirect.scatter.add.f32 [tilespmem:s8], [sflag:$0x1], $0x80, s1, s9, $0xb8;
	[tilespmem:$0x1F480] =	vst v63  }
0x50: {  	s1 =	simm.s32 $0x14E00  }
0x51: {  	[spmem:s6] =	stream.indirect.scatter.add.f32 [tilespmem:s8], [sflag:$0x1], $0x80, s1, s9, $0xb8;
	[tilespmem:$0x1F480] =	vst v63  }
0x52: {  	_ = 	snop  }
0x53: {  	[spmem:s6] =	stream.indirect.scatter.add.f32 [tilespmem:s8], [sflag:$0x1], $0x80, s12, s9, $0xb8;
	[tilespmem:$0x1F480] =	vst v63  }
0x54: {  	_ = 	snop  }
0x55: {  	[spmem:s6] =	stream.indirect.scatter.add.f32 [tilespmem:s8], [sflag:$0x1], $0x80, s13, s9, $0xb8;
	[tilespmem:$0x1F480] =	vst v63  }
0x56: {  	_ = 	snop  }
0x57: {  	[spmem:s6] =	stream.indirect.scatter.add.f32 [tilespmem:s8], [sflag:$0x1], $0x80, s14, s9, $0xb8;
	[tilespmem:$0x1F480] =	vst v63  }
0x58: {  	_ = 	snop  }
0x59: {  	[spmem:s6] =	stream.indirect.scatter.add.f32 [tilespmem:s8], [sflag:$0x1], $0x80, s15, s9, $0xb8;
	[tilespmem:$0x1F480] =	vst v63  }
0x5a: {  	_ = 	snop  }
0x5b: {  	[spmem:s6] =	stream.indirect.scatter.add.f32 [tilespmem:s8], [sflag:$0x1], $0x80, s16, s9, $0xb8;
	[tilespmem:$0x1F480] =	vst v63  }
0x5c: {  	_ = 	snop  }
0x5d: {  	[spmem:s6] =	stream.indirect.scatter.add.f32 [tilespmem:s8], [sflag:$0x1], $0x80, s17, s9, $0xb8;
	[tilespmem:$0x1F480] =	vst v63  }
0x5e: {  	_ = 	snop  }
0x5f: {  	[spmem:s6] =	stream.indirect.scatter.add.f32 [tilespmem:s8], [sflag:$0x1], $0x80, s18, s9, $0xb8;
	[tilespmem:$0x1F480] =	vst v63  }
0x60: {  	_ = 	snop  }
0x61: {  	[spmem:s6] =	stream.indirect.scatter.add.f32 [tilespmem:s8], [sflag:$0x1], $0x80, s19, s9, $0xb8;
	[tilespmem:$0x1F480] =	vst v63  }
0x62: {  	_ = 	snop  }
0x63: {  	[spmem:s6] =	stream.indirect.scatter.add.f32 [tilespmem:s8], [sflag:$0x1], $0x80, s20, s9, $0xb8;
	[tilespmem:$0x1F480] =	vst v63  }
0x64: {  	_ = 	snop  }
0x65: {  	[spmem:s6] =	stream.indirect.scatter.add.f32 [tilespmem:s8], [sflag:$0x1], $0x80, s21, s9, $0xb8;
	[tilespmem:$0x1F480] =	vst v63  }
0x66: {  	_ = 	snop  }
0x67: {  	[spmem:s6] =	stream.indirect.scatter.add.f32 [tilespmem:s8], [sflag:$0x1], $0x80, s22, s9, $0xb8;
	[tilespmem:$0x1F480] =	vst v63  }
0x68: {  	_ = 	snop  }
0x69: {  	[spmem:s6] =	stream.indirect.scatter.add.f32 [tilespmem:s8], [sflag:$0x1], $0x80, s23, s9, $0xb8;
	[tilespmem:$0x1F480] =	vst v63  }
0x6a: {  	_ = 	snop  }
0x6b: {  	[spmem:s6] =	stream.indirect.scatter.add.f32 [tilespmem:s8], [sflag:$0x1], $0x80, s24, s9, $0xb8;
	[tilespmem:$0x1F480] =	vst v63  }
0x6c: {  	_ = 	snop  }
0x6d: {  	[spmem:s6] =	stream.indirect.scatter.add.f32 [tilespmem:s8], [sflag:$0x1], $0x80, s25, s9, $0xb8;
	[tilespmem:$0x1F480] =	vst v63  }
0x6e: {  	_ = 	snop  }
0x6f: {  	[spmem:s6] =	stream.indirect.scatter.add.f32 [tilespmem:s8], [sflag:$0x1], $0x80, s26, s9, $0xb8;
	[tilespmem:$0x1F480] =	vst v63  }
0x70: {  	_ = 	snop  }
0x71: {  	[spmem:s6] =	stream.indirect.scatter.add.f32 [tilespmem:s8], [sflag:$0x1], $0x80, s28, s9, $0xb8;
	[tilespmem:$0x1F480] =	vst v63  }
0x72: {  	_ = 	snop  }
0x73: {  	[spmem:s6] =	stream.indirect.scatter.add.f32 [tilespmem:s8], [sflag:$0x1], $0x80, s29, s9, $0xb8;
	[tilespmem:$0x1F480] =	vst v63  }
0x74: {  	_ = 	snop  }
0x75: {  	[spmem:s6] =	stream.indirect.scatter.add.f32 [tilespmem:s8], [sflag:$0x1], $0x80, s30, s9, $0xb8;
	[tilespmem:$0x1F480] =	vst v63  }
0x76: {  	_ = 	snop  }
0x77: {  	[spmem:s6] =	stream.indirect.scatter.add.f32 [tilespmem:s8], [sflag:$0x1], $0x80, s11, s9, $0xb8;
	[tilespmem:$0x1F480] =	vst v63  }
0x78: {  	_ =	swait.ge [sflag:s5], $0x9000  }
0x79: {  	[sflag:s5] =	ssyncset.done $0x0  }
0x7a: {  	[sflag:s5] =	ssyncadd.s32 $0xFFFF7000  }
0x7b: {  	_ =	swait.ge [sflag:s5], $0x9000  }
0x7c: {  	[sflag:s5] =	ssyncset.done $0x0  }
0x7d: {  	[sflag:s5] =	ssyncadd.s32 $0xFFFF7000  }
0x7e: {  	_ =	swait.ge [sflag:s5], $0x9000  }
0x7f: {  	[sflag:s5] =	ssyncset.done $0x0  }
0x80: {  	[sflag:s5] =	ssyncadd.s32 $0xFFFF7000  }
0x81: {  	_ =	swait.ge [sflag:s5], $0x9000  }
0x82: {  	[sflag:s5] =	ssyncset.done $0x0  }
0x83: {  	[sflag:s5] =	ssyncadd.s32 $0xFFFF7000  }
0x84: {  	_ =	swait.ge [sflag:s5], $0x9000  }
0x85: {  	[sflag:s5] =	ssyncset.done $0x0  }
0x86: {  	[sflag:s5] =	ssyncadd.s32 $0xFFFF7000  }
0x87: {  	_ =	swait.ge [sflag:s5], $0x9000  }
0x88: {  	[sflag:s5] =	ssyncset.done $0x0  }
0x89: {  	[sflag:s5] =	ssyncadd.s32 $0xFFFF7000  }
0x8a: {  	_ =	swait.ge [sflag:s5], $0x9000  }
0x8b: {  	[sflag:s5] =	ssyncset.done $0x0  }
0x8c: {  	[sflag:s5] =	ssyncadd.s32 $0xFFFF7000  }
0x8d: {  	_ =	swait.ge [sflag:s5], $0x9000  }
0x8e: {  	[sflag:s5] =	ssyncset.done $0x0  }
0x8f: {  	[sflag:s5] =	ssyncadd.s32 $0xFFFF7000  }
0x90: {  	_ =	swait.ge [sflag:s5], $0x9000  }
0x91: {  	[sflag:s5] =	ssyncset.done $0x0  }
0x92: {  	[sflag:s5] =	ssyncadd.s32 $0xFFFF7000  }
0x93: {  	_ =	swait.ge [sflag:s5], $0x9000  }
0x94: {  	[sflag:s5] =	ssyncset.done $0x0  }
0x95: {  	[sflag:s5] =	ssyncadd.s32 $0xFFFF7000  }
0x96: {  	_ =	swait.ge [sflag:s5], $0x9000  }
0x97: {  	[sflag:s5] =	ssyncset.done $0x0  }
0x98: {  	[sflag:s5] =	ssyncadd.s32 $0xFFFF7000  }
0x99: {  	_ =	swait.ge [sflag:s5], $0x9000  }
0x9a: {  	[sflag:s5] =	ssyncset.done $0x0  }
0x9b: {  	[sflag:s5] =	ssyncadd.s32 $0xFFFF7000  }
0x9c: {  	_ =	swait.ge [sflag:s5], $0x9000  }
0x9d: {  	[sflag:s5] =	ssyncset.done $0x0  }
0x9e: {  	[sflag:s5] =	ssyncadd.s32 $0xFFFF7000  }
0x9f: {  	_ =	swait.ge [sflag:s5], $0x9000  }
0xa0: {  	[sflag:s5] =	ssyncset.done $0x0  }
0xa1: {  	[sflag:s5] =	ssyncadd.s32 $0xFFFF7000  }
0xa2: {  	_ =	swait.ge [sflag:s5], $0x9000  }
0xa3: {  	[sflag:s5] =	ssyncset.done $0x0  }
0xa4: {  	[sflag:s5] =	ssyncadd.s32 $0xFFFF7000  }
0xa5: {  	_ =	swait.ge [sflag:s5], $0x9000  }
0xa6: {  	[sflag:s5] =	ssyncset.done $0x0  }
0xa7: {  	[sflag:s5] =	ssyncadd.s32 $0xFFFF7000  }
0xa8: {  	_ =	swait.ge [sflag:s5], $0x9000  }
0xa9: {  	[sflag:s5] =	ssyncset.done $0x0  }
0xaa: {  	[sflag:s5] =	ssyncadd.s32 $0xFFFF7000  }
0xab: {  	_ =	swait.ge [sflag:s5], $0x9000  }
0xac: {  	[sflag:s5] =	ssyncset.done $0x0  }
0xad: {  	[sflag:s5] =	ssyncadd.s32 $0xFFFF7000  }
0xae: {  	_ =	swait.ge [sflag:s5], $0x9000  }
0xaf: {  	[sflag:s5] =	ssyncset.done $0x0  }
0xb0: {  	[sflag:s5] =	ssyncadd.s32 $0xFFFF7000  }
0xb1: {  	_ =	swait.ge [sflag:s5], $0x9000  }
0xb2: {  	[sflag:s5] =	ssyncset.done $0x0  }
0xb3: {  	[sflag:s5] =	ssyncadd.s32 $0xFFFF7000  }
0xb4: {  	_ =	swait.ge [sflag:s5], $0x9000  }
0xb5: {  	[sflag:s5] =	ssyncset.done $0x0  }
0xb6: {  	[sflag:s5] =	ssyncadd.s32 $0xFFFF7000  }
0xb7: {  	_ =	swait.ge [sflag:s5], $0x9000  }
0xb8: {  	[sflag:s5] =	ssyncset.done $0x0  }
0xb9: {  	[sflag:s5] =	ssyncadd.s32 $0xFFFF7000  }
0xba: {  	_ =	swait.ge [sflag:s5], $0x9000  }
0xbb: {  	[sflag:s5] =	ssyncset.done $0x0  }
0xbc: {  	[sflag:s5] =	ssyncadd.s32 $0xFFFF7000  }
0xbd: {  	_ =	swait.ge [sflag:s5], $0x9000  }
0xbe: {  	[sflag:s5] =	ssyncset.done $0x0  }
0xbf: {  	[sflag:s5] =	ssyncadd.s32 $0xFFFF7000  }
0xc0: {  	_ =	swait.ge [sflag:s5], $0x9000  }
0xc1: {  	[sflag:s5] =	ssyncset.done $0x0  }
0xc2: {  	[sflag:s5] =	ssyncadd.s32 $0xFFFF7000  }
0xc3: {  	_ =	swait.ge [sflag:s5], $0x9000  }
0xc4: {  	[sflag:s5] =	ssyncset.done $0x0  }
0xc5: {  	[sflag:s5] =	ssyncadd.s32 $0xFFFF7000  }
0xc6: {  	_ =	swait.ge [sflag:s5], $0x9000  }
0xc7: {  	[sflag:s5] =	ssyncset.done $0x0  }
0xc8: {  	[sflag:s5] =	ssyncadd.s32 $0xFFFF7000  }
0xc9: {  	_ =	swait.ge [sflag:s5], $0x9000  }
0xca: {  	[sflag:s5] =	ssyncset.done $0x0  }
0xcb: {  	[sflag:s5] =	ssyncadd.s32 $0xFFFF7000  }
0xcc: {  	_ =	swait.ge [sflag:s5], $0x9000  }
0xcd: {  	[sflag:s5] =	ssyncset.done $0x0  }
0xce: {  	[sflag:s5] =	ssyncadd.s32 $0xFFFF7000  }
0xcf: {  	_ =	swait.ge [sflag:s5], $0x9000  }
0xd0: {  	[sflag:s5] =	ssyncset.done $0x0  }
0xd1: {  	[sflag:s5] =	ssyncadd.s32 $0xFFFF7000  }
0xd2: {  	_ =	swait.ge [sflag:s5], $0x9000  }
0xd3: {  	[sflag:s5] =	ssyncset.done $0x0  }
0xd4: {  	[sflag:s5] =	ssyncadd.s32 $0xFFFF7000  }
0xd5: {  	_ =	swait.ge [sflag:s5], $0x9000  }
0xd6: {  	[sflag:s5] =	ssyncset.done $0x0  }
0xd7: {  	[sflag:s5] =	ssyncadd.s32 $0xFFFF7000  }
0xd8: {  	_ =	swait.ge [sflag:s5], $0x9000  }
0xd9: {  	[sflag:s5] =	ssyncset.done $0x0  }
0xda: {  	[sflag:s5] =	ssyncadd.s32 $0xFFFF7000  }
0xdb: {  	_ =	swait.ge [sflag:s5], $0x9000  }
0xdc: {  	[sflag:s5] =	ssyncset.done $0x0  }
0xdd: {  	[sflag:s5] =	ssyncadd.s32 $0xFFFF7000  }
0xde: {  	_ =	swait.ge [sflag:s5], $0x9000  }
0xdf: {  	[sflag:s5] =	ssyncset.done $0x0  }
0xe0: {  	[sflag:s5] =	ssyncadd.s32 $0xFFFF7000  }
0xe1: {  	_ =	swait.ge [sflag:s5], $0x9000  }
0xe2: {  	[sflag:s5] =	ssyncset.done $0x0  }
0xe3: {  	p1 =	sne.s32 s10, $0x1;
	[sflag:s5] =	ssyncadd.s32 $0xFFFF7000  }
.Ltmp1:
0xe4: {  	[bflag:$0x0] =	sbarrier.arrive $0xFFFF;
	(pc) =	sbr.rel @!p1 .LBB2_3-.Ltmp1, $4  }
0xe5: {  	s1 =	rddreg [dreg:$0x7]  }
0xe6: {  	[hbm:s1], [sflag:s2] =	dma.local [spmem:s3], $0x2780  }
0xe7: {  	p0 =	por $0x1, $0x1;
	_ =	swait.ge [sflag:s4], $0x2780  }
0xe8: {  	s0 =	sadd.s32 $0xFFFFFFFF, s10;
	s1 =	rddreg [dreg:$0x5];
	[sflag:s4] =	ssyncset.done $0x0  }
.LBB2_4:
0xe9: {  	[sflag:s4] =	ssyncadd.s32 $0xFFFFD880  }
0xea: {  	[spmem:s3], [sflag:s2] =	dma.local [hbm:s1], $0x2780  }
0xeb: {  	_ =	swait.ge [sflag:s4], $0x2780  }
0xec: {  	[sflag:s4] =	ssyncset.done $0x0  }
0xed: {  	s10 =	rddreg [dreg:$0x6];
	[sflag:s4] =	ssyncadd.s32 $0xFFFFD880  }
0xee: {  	[tilespmem:s31], [sflag:$0x2] =	stream.linear.gather [hbm4b:s10+s7], $0x2880, $0x38;
	[tilespmem:$0x1F480] =	vst v63  }
0xef: {  	_ =	swait.ge [sflag:s4], $0x2880  }
0xf0: {  	[sflag:s4] =	ssyncset.done $0x0  }
0xf1: {  	s10 =	rddreg [dreg:$0x4];
	[sflag:s4] =	ssyncadd.s32 $0xFFFFD780  }
0xf2: {  	[tilespmem:s8], [sflag:$0x2] =	stream.linear.gather [hbm4b:s10+s7], $0x9000, $0x38;
	[tilespmem:$0x1F480] =	vst v63  }
0xf3: {  	_ =	swait.ge [sflag:s4], $0x9000  }
0xf4: {  	[sflag:s4] =	ssyncset.done $0x0  }
0xf5: {  	[sflag:s4] =	ssyncadd.s32 $0xFFFF7000  }
0xf6: {  	[bflag:$0x0] =	sbarrier.arrive $0xFFFF  }
0xf7: {  	[spmem:s6] =	stream.indirect.scatter.add.f32 [tilespmem:s8], [sflag:$0x1], $0x80, s31, s9, $0xb8;
	[tilespmem:$0x1F480] =	vst v63  }
0xf8: {  	s1 =	rddreg [dreg:$0x8]  }
0xf9: {  	[spmem:s6] =	stream.indirect.scatter.add.f32 [tilespmem:s8], [sflag:$0x1], $0x80, s1, s9, $0xb8;
	[tilespmem:$0x1F480] =	vst v63  }
0xfa: {  	s10 =	rddreg [dreg:$0x9]  }
0xfb: {  	[spmem:s6] =	stream.indirect.scatter.add.f32 [tilespmem:s8], [sflag:$0x1], $0x80, s10, s9, $0xb8;
	[tilespmem:$0x1F480] =	vst v63  }
0xfc: {  	s1 =	rddreg [dreg:$0xa]  }
0xfd: {  	[spmem:s6] =	stream.indirect.scatter.add.f32 [tilespmem:s8], [sflag:$0x1], $0x80, s1, s9, $0xb8;
	[tilespmem:$0x1F480] =	vst v63  }
0xfe: {  	s10 =	rddreg [dreg:$0xb]  }
0xff: {  	[spmem:s6] =	stream.indirect.scatter.add.f32 [tilespmem:s8], [sflag:$0x1], $0x80, s10, s9, $0xb8;
	[tilespmem:$0x1F480] =	vst v63  }
0x100: {  	s1 =	rddreg [dreg:$0xc]  }
0x101: {  	[spmem:s6] =	stream.indirect.scatter.add.f32 [tilespmem:s8], [sflag:$0x1], $0x80, s1, s9, $0xb8;
	[tilespmem:$0x1F480] =	vst v63  }
0x102: {  	s10 =	rddreg [dreg:$0xd]  }
0x103: {  	[spmem:s6] =	stream.indirect.scatter.add.f32 [tilespmem:s8], [sflag:$0x1], $0x80, s10, s9, $0xb8;
	[tilespmem:$0x1F480] =	vst v63  }
0x104: {  	s1 =	rddreg [dreg:$0xe]  }
0x105: {  	[spmem:s6] =	stream.indirect.scatter.add.f32 [tilespmem:s8], [sflag:$0x1], $0x80, s1, s9, $0xb8;
	[tilespmem:$0x1F480] =	vst v63  }
0x106: {  	s10 =	rddreg [dreg:$0xf]  }
0x107: {  	[spmem:s6] =	stream.indirect.scatter.add.f32 [tilespmem:s8], [sflag:$0x1], $0x80, s10, s9, $0xb8;
	[tilespmem:$0x1F480] =	vst v63  }
0x108: {  	s1 =	rddreg [dreg:$0x10]  }
0x109: {  	[spmem:s6] =	stream.indirect.scatter.add.f32 [tilespmem:s8], [sflag:$0x1], $0x80, s1, s9, $0xb8;
	[tilespmem:$0x1F480] =	vst v63  }
0x10a: {  	s10 =	rddreg [dreg:$0x11]  }
0x10b: {  	[spmem:s6] =	stream.indirect.scatter.add.f32 [tilespmem:s8], [sflag:$0x1], $0x80, s10, s9, $0xb8;
	[tilespmem:$0x1F480] =	vst v63  }
0x10c: {  	s1 =	rddreg [dreg:$0x12]  }
0x10d: {  	[spmem:s6] =	stream.indirect.scatter.add.f32 [tilespmem:s8], [sflag:$0x1], $0x80, s1, s9, $0xb8;
	[tilespmem:$0x1F480] =	vst v63  }
0x10e: {  	s10 =	rddreg [dreg:$0x13]  }
0x10f: {  	[spmem:s6] =	stream.indirect.scatter.add.f32 [tilespmem:s8], [sflag:$0x1], $0x80, s10, s9, $0xb8;
	[tilespmem:$0x1F480] =	vst v63  }
0x110: {  	s1 =	rddreg [dreg:$0x14]  }
0x111: {  	[spmem:s6] =	stream.indirect.scatter.add.f32 [tilespmem:s8], [sflag:$0x1], $0x80, s1, s9, $0xb8;
	[tilespmem:$0x1F480] =	vst v63  }
0x112: {  	s10 =	rddreg [dreg:$0x15]  }
0x113: {  	[spmem:s6] =	stream.indirect.scatter.add.f32 [tilespmem:s8], [sflag:$0x1], $0x80, s10, s9, $0xb8;
	[tilespmem:$0x1F480] =	vst v63  }
0x114: {  	s1 =	rddreg [dreg:$0x16]  }
0x115: {  	[spmem:s6] =	stream.indirect.scatter.add.f32 [tilespmem:s8], [sflag:$0x1], $0x80, s1, s9, $0xb8;
	[tilespmem:$0x1F480] =	vst v63  }
0x116: {  	s10 =	simm.s32 $0x14E00  }
0x117: {  	[spmem:s6] =	stream.indirect.scatter.add.f32 [tilespmem:s8], [sflag:$0x1], $0x80, s10, s9, $0xb8;
	[tilespmem:$0x1F480] =	vst v63  }
0x118: {  	_ = 	snop  }
0x119: {  	[spmem:s6] =	stream.indirect.scatter.add.f32 [tilespmem:s8], [sflag:$0x1], $0x80, s12, s9, $0xb8;
	[tilespmem:$0x1F480] =	vst v63  }
0x11a: {  	_ = 	snop  }
0x11b: {  	[spmem:s6] =	stream.indirect.scatter.add.f32 [tilespmem:s8], [sflag:$0x1], $0x80, s13, s9, $0xb8;
	[tilespmem:$0x1F480] =	vst v63  }
0x11c: {  	_ = 	snop  }
0x11d: {  	[spmem:s6] =	stream.indirect.scatter.add.f32 [tilespmem:s8], [sflag:$0x1], $0x80, s14, s9, $0xb8;
	[tilespmem:$0x1F480] =	vst v63  }
0x11e: {  	_ = 	snop  }
0x11f: {  	[spmem:s6] =	stream.indirect.scatter.add.f32 [tilespmem:s8], [sflag:$0x1], $0x80, s15, s9, $0xb8;
	[tilespmem:$0x1F480] =	vst v63  }
0x120: {  	_ = 	snop  }
0x121: {  	[spmem:s6] =	stream.indirect.scatter.add.f32 [tilespmem:s8], [sflag:$0x1], $0x80, s16, s9, $0xb8;
	[tilespmem:$0x1F480] =	vst v63  }
0x122: {  	_ = 	snop  }
0x123: {  	[spmem:s6] =	stream.indirect.scatter.add.f32 [tilespmem:s8], [sflag:$0x1], $0x80, s17, s9, $0xb8;
	[tilespmem:$0x1F480] =	vst v63  }
0x124: {  	_ = 	snop  }
0x125: {  	[spmem:s6] =	stream.indirect.scatter.add.f32 [tilespmem:s8], [sflag:$0x1], $0x80, s18, s9, $0xb8;
	[tilespmem:$0x1F480] =	vst v63  }
0x126: {  	_ = 	snop  }
0x127: {  	[spmem:s6] =	stream.indirect.scatter.add.f32 [tilespmem:s8], [sflag:$0x1], $0x80, s19, s9, $0xb8;
	[tilespmem:$0x1F480] =	vst v63  }
0x128: {  	_ = 	snop  }
0x129: {  	[spmem:s6] =	stream.indirect.scatter.add.f32 [tilespmem:s8], [sflag:$0x1], $0x80, s20, s9, $0xb8;
	[tilespmem:$0x1F480] =	vst v63  }
0x12a: {  	_ = 	snop  }
0x12b: {  	[spmem:s6] =	stream.indirect.scatter.add.f32 [tilespmem:s8], [sflag:$0x1], $0x80, s21, s9, $0xb8;
	[tilespmem:$0x1F480] =	vst v63  }
0x12c: {  	_ = 	snop  }
0x12d: {  	[spmem:s6] =	stream.indirect.scatter.add.f32 [tilespmem:s8], [sflag:$0x1], $0x80, s22, s9, $0xb8;
	[tilespmem:$0x1F480] =	vst v63  }
0x12e: {  	_ = 	snop  }
0x12f: {  	[spmem:s6] =	stream.indirect.scatter.add.f32 [tilespmem:s8], [sflag:$0x1], $0x80, s23, s9, $0xb8;
	[tilespmem:$0x1F480] =	vst v63  }
0x130: {  	_ = 	snop  }
0x131: {  	[spmem:s6] =	stream.indirect.scatter.add.f32 [tilespmem:s8], [sflag:$0x1], $0x80, s24, s9, $0xb8;
	[tilespmem:$0x1F480] =	vst v63  }
0x132: {  	_ = 	snop  }
0x133: {  	[spmem:s6] =	stream.indirect.scatter.add.f32 [tilespmem:s8], [sflag:$0x1], $0x80, s25, s9, $0xb8;
	[tilespmem:$0x1F480] =	vst v63  }
0x134: {  	_ = 	snop  }
0x135: {  	[spmem:s6] =	stream.indirect.scatter.add.f32 [tilespmem:s8], [sflag:$0x1], $0x80, s26, s9, $0xb8;
	[tilespmem:$0x1F480] =	vst v63  }
0x136: {  	_ = 	snop  }
0x137: {  	[spmem:s6] =	stream.indirect.scatter.add.f32 [tilespmem:s8], [sflag:$0x1], $0x80, s28, s9, $0xb8;
	[tilespmem:$0x1F480] =	vst v63  }
0x138: {  	_ = 	snop  }
0x139: {  	[spmem:s6] =	stream.indirect.scatter.add.f32 [tilespmem:s8], [sflag:$0x1], $0x80, s29, s9, $0xb8;
	[tilespmem:$0x1F480] =	vst v63  }
0x13a: {  	_ = 	snop  }
0x13b: {  	[spmem:s6] =	stream.indirect.scatter.add.f32 [tilespmem:s8], [sflag:$0x1], $0x80, s30, s9, $0xb8;
	[tilespmem:$0x1F480] =	vst v63  }
0x13c: {  	_ = 	snop  }
0x13d: {  	[spmem:s6] =	stream.indirect.scatter.add.f32 [tilespmem:s8], [sflag:$0x1], $0x80, s11, s9, $0xb8;
	[tilespmem:$0x1F480] =	vst v63  }
0x13e: {  	_ =	swait.ge [sflag:s5], $0x9000  }
0x13f: {  	[sflag:s5] =	ssyncset.done $0x0  }
0x140: {  	[sflag:s5] =	ssyncadd.s32 $0xFFFF7000  }
0x141: {  	_ =	swait.ge [sflag:s5], $0x9000  }
0x142: {  	[sflag:s5] =	ssyncset.done $0x0  }
0x143: {  	[sflag:s5] =	ssyncadd.s32 $0xFFFF7000  }
0x144: {  	_ =	swait.ge [sflag:s5], $0x9000  }
0x145: {  	[sflag:s5] =	ssyncset.done $0x0  }
0x146: {  	[sflag:s5] =	ssyncadd.s32 $0xFFFF7000  }
0x147: {  	_ =	swait.ge [sflag:s5], $0x9000  }
0x148: {  	[sflag:s5] =	ssyncset.done $0x0  }
0x149: {  	[sflag:s5] =	ssyncadd.s32 $0xFFFF7000  }
0x14a: {  	_ =	swait.ge [sflag:s5], $0x9000  }
0x14b: {  	[sflag:s5] =	ssyncset.done $0x0  }
0x14c: {  	[sflag:s5] =	ssyncadd.s32 $0xFFFF7000  }
0x14d: {  	_ =	swait.ge [sflag:s5], $0x9000  }
0x14e: {  	[sflag:s5] =	ssyncset.done $0x0  }
0x14f: {  	[sflag:s5] =	ssyncadd.s32 $0xFFFF7000  }
0x150: {  	_ =	swait.ge [sflag:s5], $0x9000  }
0x151: {  	[sflag:s5] =	ssyncset.done $0x0  }
0x152: {  	[sflag:s5] =	ssyncadd.s32 $0xFFFF7000  }
0x153: {  	_ =	swait.ge [sflag:s5], $0x9000  }
0x154: {  	[sflag:s5] =	ssyncset.done $0x0  }
0x155: {  	[sflag:s5] =	ssyncadd.s32 $0xFFFF7000  }
0x156: {  	_ =	swait.ge [sflag:s5], $0x9000  }
0x157: {  	[sflag:s5] =	ssyncset.done $0x0  }
0x158: {  	[sflag:s5] =	ssyncadd.s32 $0xFFFF7000  }
0x159: {  	_ =	swait.ge [sflag:s5], $0x9000  }
0x15a: {  	[sflag:s5] =	ssyncset.done $0x0  }
0x15b: {  	[sflag:s5] =	ssyncadd.s32 $0xFFFF7000  }
0x15c: {  	_ =	swait.ge [sflag:s5], $0x9000  }
0x15d: {  	[sflag:s5] =	ssyncset.done $0x0  }
0x15e: {  	[sflag:s5] =	ssyncadd.s32 $0xFFFF7000  }
0x15f: {  	_ =	swait.ge [sflag:s5], $0x9000  }
0x160: {  	[sflag:s5] =	ssyncset.done $0x0  }
0x161: {  	[sflag:s5] =	ssyncadd.s32 $0xFFFF7000  }
0x162: {  	_ =	swait.ge [sflag:s5], $0x9000  }
0x163: {  	[sflag:s5] =	ssyncset.done $0x0  }
0x164: {  	[sflag:s5] =	ssyncadd.s32 $0xFFFF7000  }
0x165: {  	_ =	swait.ge [sflag:s5], $0x9000  }
0x166: {  	[sflag:s5] =	ssyncset.done $0x0  }
0x167: {  	[sflag:s5] =	ssyncadd.s32 $0xFFFF7000  }
0x168: {  	_ =	swait.ge [sflag:s5], $0x9000  }
0x169: {  	[sflag:s5] =	ssyncset.done $0x0  }
0x16a: {  	[sflag:s5] =	ssyncadd.s32 $0xFFFF7000  }
0x16b: {  	_ =	swait.ge [sflag:s5], $0x9000  }
0x16c: {  	[sflag:s5] =	ssyncset.done $0x0  }
0x16d: {  	[sflag:s5] =	ssyncadd.s32 $0xFFFF7000  }
0x16e: {  	_ =	swait.ge [sflag:s5], $0x9000  }
0x16f: {  	[sflag:s5] =	ssyncset.done $0x0  }
0x170: {  	[sflag:s5] =	ssyncadd.s32 $0xFFFF7000  }
0x171: {  	_ =	swait.ge [sflag:s5], $0x9000  }
0x172: {  	[sflag:s5] =	ssyncset.done $0x0  }
0x173: {  	[sflag:s5] =	ssyncadd.s32 $0xFFFF7000  }
0x174: {  	_ =	swait.ge [sflag:s5], $0x9000  }
0x175: {  	[sflag:s5] =	ssyncset.done $0x0  }
0x176: {  	[sflag:s5] =	ssyncadd.s32 $0xFFFF7000  }
0x177: {  	_ =	swait.ge [sflag:s5], $0x9000  }
0x178: {  	[sflag:s5] =	ssyncset.done $0x0  }
0x179: {  	[sflag:s5] =	ssyncadd.s32 $0xFFFF7000  }
0x17a: {  	_ =	swait.ge [sflag:s5], $0x9000  }
0x17b: {  	[sflag:s5] =	ssyncset.done $0x0  }
0x17c: {  	[sflag:s5] =	ssyncadd.s32 $0xFFFF7000  }
0x17d: {  	_ =	swait.ge [sflag:s5], $0x9000  }
0x17e: {  	[sflag:s5] =	ssyncset.done $0x0  }
0x17f: {  	[sflag:s5] =	ssyncadd.s32 $0xFFFF7000  }
0x180: {  	_ =	swait.ge [sflag:s5], $0x9000  }
0x181: {  	[sflag:s5] =	ssyncset.done $0x0  }
0x182: {  	[sflag:s5] =	ssyncadd.s32 $0xFFFF7000  }
0x183: {  	_ =	swait.ge [sflag:s5], $0x9000  }
0x184: {  	[sflag:s5] =	ssyncset.done $0x0  }
0x185: {  	[sflag:s5] =	ssyncadd.s32 $0xFFFF7000  }
0x186: {  	_ =	swait.ge [sflag:s5], $0x9000  }
0x187: {  	[sflag:s5] =	ssyncset.done $0x0  }
0x188: {  	[sflag:s5] =	ssyncadd.s32 $0xFFFF7000  }
0x189: {  	_ =	swait.ge [sflag:s5], $0x9000  }
0x18a: {  	[sflag:s5] =	ssyncset.done $0x0  }
0x18b: {  	[sflag:s5] =	ssyncadd.s32 $0xFFFF7000  }
0x18c: {  	_ =	swait.ge [sflag:s5], $0x9000  }
0x18d: {  	[sflag:s5] =	ssyncset.done $0x0  }
0x18e: {  	[sflag:s5] =	ssyncadd.s32 $0xFFFF7000  }
0x18f: {  	_ =	swait.ge [sflag:s5], $0x9000  }
0x190: {  	[sflag:s5] =	ssyncset.done $0x0  }
0x191: {  	[sflag:s5] =	ssyncadd.s32 $0xFFFF7000  }
0x192: {  	_ =	swait.ge [sflag:s5], $0x9000  }
0x193: {  	[sflag:s5] =	ssyncset.done $0x0  }
0x194: {  	[sflag:s5] =	ssyncadd.s32 $0xFFFF7000  }
0x195: {  	_ =	swait.ge [sflag:s5], $0x9000  }
0x196: {  	[sflag:s5] =	ssyncset.done $0x0  }
0x197: {  	[sflag:s5] =	ssyncadd.s32 $0xFFFF7000  }
0x198: {  	_ =	swait.ge [sflag:s5], $0x9000  }
0x199: {  	[sflag:s5] =	ssyncset.done $0x0  }
0x19a: {  	[sflag:s5] =	ssyncadd.s32 $0xFFFF7000  }
0x19b: {  	_ =	swait.ge [sflag:s5], $0x9000  }
0x19c: {  	[sflag:s5] =	ssyncset.done $0x0  }
0x19d: {  	[sflag:s5] =	ssyncadd.s32 $0xFFFF7000  }
0x19e: {  	_ =	swait.ge [sflag:s5], $0x9000  }
0x19f: {  	[sflag:s5] =	ssyncset.done $0x0  }
0x1a0: {  	[sflag:s5] =	ssyncadd.s32 $0xFFFF7000  }
0x1a1: {  	_ =	swait.ge [sflag:s5], $0x9000  }
0x1a2: {  	[sflag:s5] =	ssyncset.done $0x0  }
0x1a3: {  	[sflag:s5] =	ssyncadd.s32 $0xFFFF7000  }
0x1a4: {  	_ =	swait.ge [sflag:s5], $0x9000  }
0x1a5: {  	[sflag:s5] =	ssyncset.done $0x0  }
0x1a6: {  	[sflag:s5] =	ssyncadd.s32 $0xFFFF7000  }
0x1a7: {  	_ =	swait.ge [sflag:s5], $0x9000  }
0x1a8: {  	[sflag:s5] =	ssyncset.done $0x0  }
0x1a9: {  	p1 =	sne.s32 s0, $0x1;
	[sflag:s5] =	ssyncadd.s32 $0xFFFF7000  }
.Ltmp2:
0x1aa: {  	[bflag:$0x0] =	sbarrier.arrive $0xFFFF;
	(pc) =	sbr.rel @p1 .LBB2_4-.Ltmp2, $4  }
0x1ab: {  	s10 =	rddreg [dreg:$0x7]  }
0x1ac: {  	[hbm:s10], [sflag:s2] =	dma.local [spmem:s3], $0x2780  }
0x1ad: {  	_ =	swait.ge [sflag:s4], $0x2780  }
0x1ae: {  	s0 =	sadd.s32 $0xFFFFFFFF, s0;
	s1 =	rddreg [dreg:$0x5];
	[sflag:s4] =	ssyncset.done $0x0  }
0x1af: {  	s30 =	simm.s32 $0x16240;
	s29 =	simm.s32 $0x16120  }
0x1b0: {  	s28 =	simm.s32 $0x16000;
	s26 =	simm.s32 $0x15EE0;
	s25 =	simm.s32 $0x15DC0  }
0x1b1: {  	s24 =	simm.s32 $0x15CA0;
	s23 =	simm.s32 $0x15B80;
	s22 =	simm.s32 $0x15A60  }
0x1b2: {  	s21 =	simm.s32 $0x15940;
	s20 =	simm.s32 $0x15820;
	s19 =	simm.s32 $0x15700  }
0x1b3: {  	s18 =	simm.s32 $0x155E0;
	s17 =	simm.s32 $0x154C0;
	s16 =	simm.s32 $0x153A0  }
0x1b4: {  	s15 =	simm.s32 $0x15280;
	s14 =	simm.s32 $0x15160;
	s13 =	simm.s32 $0x15040  }
0x1b5: {  	s12 =	simm.s32 $0x14F20;
	s11 =	simm.s32 $0x14E00;
	s10 =	rddreg [dreg:$0x3]  }
.LBB2_6:
0x1b6: {  	[sflag:s4] =	ssyncadd.s32 @p0 $0xFFFFD880  }
0x1b7: {  	[spmem:s3], [sflag:s2] =	dma.local [hbm:s1], $0x2780  }
0x1b8: {  	_ =	swait.ge [sflag:s4], $0x2780  }
0x1b9: {  	[sflag:s4] =	ssyncset.done $0x0  }
0x1ba: {  	s0 =	rddreg [dreg:$0x6];
	[sflag:s4] =	ssyncadd.s32 $0xFFFFD880  }
0x1bb: {  	[tilespmem:s31], [sflag:$0x2] =	stream.linear.gather [hbm4b:s0+s7], $0x2880, $0x38;
	[tilespmem:$0x1F480] =	vst v63  }
0x1bc: {  	_ =	swait.ge [sflag:s4], $0x2880  }
0x1bd: {  	[sflag:s4] =	ssyncset.done $0x0  }
0x1be: {  	s1 =	rddreg [dreg:$0x4];
	[sflag:s4] =	ssyncadd.s32 $0xFFFFD780  }
0x1bf: {  	[tilespmem:s8], [sflag:$0x2] =	stream.linear.gather [hbm4b:s1+s7], $0x9000, $0x38;
	[tilespmem:$0x1F480] =	vst v63  }
0x1c0: {  	_ =	swait.ge [sflag:s4], $0x9000  }
0x1c1: {  	[sflag:s4] =	ssyncset.done $0x0  }
0x1c2: {  	[sflag:s4] =	ssyncadd.s32 $0xFFFF7000  }
0x1c3: {  	[bflag:$0x0] =	sbarrier.arrive $0xFFFF  }
0x1c4: {  	[spmem:s6] =	stream.indirect.scatter.add.f32 [tilespmem:s8], [sflag:$0x1], $0x80, s31, s9, $0xb8;
	[tilespmem:$0x1F480] =	vst v63  }
0x1c5: {  	s7 =	rddreg [dreg:$0x8]  }
0x1c6: {  	[spmem:s6] =	stream.indirect.scatter.add.f32 [tilespmem:s8], [sflag:$0x1], $0x80, s7, s9, $0xb8;
	[tilespmem:$0x1F480] =	vst v63  }
0x1c7: {  	s31 =	rddreg [dreg:$0x9]  }
0x1c8: {  	[spmem:s6] =	stream.indirect.scatter.add.f32 [tilespmem:s8], [sflag:$0x1], $0x80, s31, s9, $0xb8;
	[tilespmem:$0x1F480] =	vst v63  }
0x1c9: {  	s7 =	rddreg [dreg:$0xa]  }
0x1ca: {  	[spmem:s6] =	stream.indirect.scatter.add.f32 [tilespmem:s8], [sflag:$0x1], $0x80, s7, s9, $0xb8;
	[tilespmem:$0x1F480] =	vst v63  }
0x1cb: {  	s31 =	rddreg [dreg:$0xb]  }
0x1cc: {  	[spmem:s6] =	stream.indirect.scatter.add.f32 [tilespmem:s8], [sflag:$0x1], $0x80, s31, s9, $0xb8;
	[tilespmem:$0x1F480] =	vst v63  }
0x1cd: {  	s7 =	rddreg [dreg:$0xc]  }
0x1ce: {  	[spmem:s6] =	stream.indirect.scatter.add.f32 [tilespmem:s8], [sflag:$0x1], $0x80, s7, s9, $0xb8;
	[tilespmem:$0x1F480] =	vst v63  }
0x1cf: {  	s31 =	rddreg [dreg:$0xd]  }
0x1d0: {  	[spmem:s6] =	stream.indirect.scatter.add.f32 [tilespmem:s8], [sflag:$0x1], $0x80, s31, s9, $0xb8;
	[tilespmem:$0x1F480] =	vst v63  }
0x1d1: {  	s7 =	rddreg [dreg:$0xe]  }
0x1d2: {  	[spmem:s6] =	stream.indirect.scatter.add.f32 [tilespmem:s8], [sflag:$0x1], $0x80, s7, s9, $0xb8;
	[tilespmem:$0x1F480] =	vst v63  }
0x1d3: {  	s31 =	rddreg [dreg:$0xf]  }
0x1d4: {  	[spmem:s6] =	stream.indirect.scatter.add.f32 [tilespmem:s8], [sflag:$0x1], $0x80, s31, s9, $0xb8;
	[tilespmem:$0x1F480] =	vst v63  }
0x1d5: {  	s7 =	rddreg [dreg:$0x10]  }
0x1d6: {  	[spmem:s6] =	stream.indirect.scatter.add.f32 [tilespmem:s8], [sflag:$0x1], $0x80, s7, s9, $0xb8;
	[tilespmem:$0x1F480] =	vst v63  }
0x1d7: {  	s31 =	rddreg [dreg:$0x11]  }
0x1d8: {  	[spmem:s6] =	stream.indirect.scatter.add.f32 [tilespmem:s8], [sflag:$0x1], $0x80, s31, s9, $0xb8;
	[tilespmem:$0x1F480] =	vst v63  }
0x1d9: {  	s7 =	rddreg [dreg:$0x12]  }
0x1da: {  	[spmem:s6] =	stream.indirect.scatter.add.f32 [tilespmem:s8], [sflag:$0x1], $0x80, s7, s9, $0xb8;
	[tilespmem:$0x1F480] =	vst v63  }
0x1db: {  	s31 =	rddreg [dreg:$0x13]  }
0x1dc: {  	[spmem:s6] =	stream.indirect.scatter.add.f32 [tilespmem:s8], [sflag:$0x1], $0x80, s31, s9, $0xb8;
	[tilespmem:$0x1F480] =	vst v63  }
0x1dd: {  	s7 =	rddreg [dreg:$0x14]  }
0x1de: {  	[spmem:s6] =	stream.indirect.scatter.add.f32 [tilespmem:s8], [sflag:$0x1], $0x80, s7, s9, $0xb8;
	[tilespmem:$0x1F480] =	vst v63  }
0x1df: {  	s31 =	rddreg [dreg:$0x15]  }
0x1e0: {  	[spmem:s6] =	stream.indirect.scatter.add.f32 [tilespmem:s8], [sflag:$0x1], $0x80, s31, s9, $0xb8;
	[tilespmem:$0x1F480] =	vst v63  }
0x1e1: {  	s7 =	rddreg [dreg:$0x16]  }
0x1e2: {  	[spmem:s6] =	stream.indirect.scatter.add.f32 [tilespmem:s8], [sflag:$0x1], $0x80, s7, s9, $0xb8;
	[tilespmem:$0x1F480] =	vst v63  }
0x1e3: {  	_ = 	snop  }
0x1e4: {  	[spmem:s6] =	stream.indirect.scatter.add.f32 [tilespmem:s8], [sflag:$0x1], $0x80, s11, s9, $0xb8;
	[tilespmem:$0x1F480] =	vst v63  }
0x1e5: {  	_ = 	snop  }
0x1e6: {  	[spmem:s6] =	stream.indirect.scatter.add.f32 [tilespmem:s8], [sflag:$0x1], $0x80, s12, s9, $0xb8;
	[tilespmem:$0x1F480] =	vst v63  }
0x1e7: {  	_ = 	snop  }
0x1e8: {  	[spmem:s6] =	stream.indirect.scatter.add.f32 [tilespmem:s8], [sflag:$0x1], $0x80, s13, s9, $0xb8;
	[tilespmem:$0x1F480] =	vst v63  }
0x1e9: {  	_ = 	snop  }
0x1ea: {  	[spmem:s6] =	stream.indirect.scatter.add.f32 [tilespmem:s8], [sflag:$0x1], $0x80, s14, s9, $0xb8;
	[tilespmem:$0x1F480] =	vst v63  }
0x1eb: {  	_ = 	snop  }
0x1ec: {  	[spmem:s6] =	stream.indirect.scatter.add.f32 [tilespmem:s8], [sflag:$0x1], $0x80, s15, s9, $0xb8;
	[tilespmem:$0x1F480] =	vst v63  }
0x1ed: {  	_ = 	snop  }
0x1ee: {  	[spmem:s6] =	stream.indirect.scatter.add.f32 [tilespmem:s8], [sflag:$0x1], $0x80, s16, s9, $0xb8;
	[tilespmem:$0x1F480] =	vst v63  }
0x1ef: {  	_ = 	snop  }
0x1f0: {  	[spmem:s6] =	stream.indirect.scatter.add.f32 [tilespmem:s8], [sflag:$0x1], $0x80, s17, s9, $0xb8;
	[tilespmem:$0x1F480] =	vst v63  }
0x1f1: {  	_ = 	snop  }
0x1f2: {  	[spmem:s6] =	stream.indirect.scatter.add.f32 [tilespmem:s8], [sflag:$0x1], $0x80, s18, s9, $0xb8;
	[tilespmem:$0x1F480] =	vst v63  }
0x1f3: {  	_ = 	snop  }
0x1f4: {  	[spmem:s6] =	stream.indirect.scatter.add.f32 [tilespmem:s8], [sflag:$0x1], $0x80, s19, s9, $0xb8;
	[tilespmem:$0x1F480] =	vst v63  }
0x1f5: {  	_ = 	snop  }
0x1f6: {  	[spmem:s6] =	stream.indirect.scatter.add.f32 [tilespmem:s8], [sflag:$0x1], $0x80, s20, s9, $0xb8;
	[tilespmem:$0x1F480] =	vst v63  }
0x1f7: {  	_ = 	snop  }
0x1f8: {  	[spmem:s6] =	stream.indirect.scatter.add.f32 [tilespmem:s8], [sflag:$0x1], $0x80, s21, s9, $0xb8;
	[tilespmem:$0x1F480] =	vst v63  }
0x1f9: {  	_ = 	snop  }
0x1fa: {  	[spmem:s6] =	stream.indirect.scatter.add.f32 [tilespmem:s8], [sflag:$0x1], $0x80, s22, s9, $0xb8;
	[tilespmem:$0x1F480] =	vst v63  }
0x1fb: {  	_ = 	snop  }
0x1fc: {  	[spmem:s6] =	stream.indirect.scatter.add.f32 [tilespmem:s8], [sflag:$0x1], $0x80, s23, s9, $0xb8;
	[tilespmem:$0x1F480] =	vst v63  }
0x1fd: {  	_ = 	snop  }
0x1fe: {  	[spmem:s6] =	stream.indirect.scatter.add.f32 [tilespmem:s8], [sflag:$0x1], $0x80, s24, s9, $0xb8;
	[tilespmem:$0x1F480] =	vst v63  }
0x1ff: {  	_ = 	snop  }
0x200: {  	[spmem:s6] =	stream.indirect.scatter.add.f32 [tilespmem:s8], [sflag:$0x1], $0x80, s25, s9, $0xb8;
	[tilespmem:$0x1F480] =	vst v63  }
0x201: {  	_ = 	snop  }
0x202: {  	[spmem:s6] =	stream.indirect.scatter.add.f32 [tilespmem:s8], [sflag:$0x1], $0x80, s26, s9, $0xb8;
	[tilespmem:$0x1F480] =	vst v63  }
0x203: {  	_ = 	snop  }
0x204: {  	[spmem:s6] =	stream.indirect.scatter.add.f32 [tilespmem:s8], [sflag:$0x1], $0x80, s28, s9, $0xb8;
	[tilespmem:$0x1F480] =	vst v63  }
0x205: {  	_ = 	snop  }
0x206: {  	[spmem:s6] =	stream.indirect.scatter.add.f32 [tilespmem:s8], [sflag:$0x1], $0x80, s29, s9, $0xb8;
	[tilespmem:$0x1F480] =	vst v63  }
0x207: {  	_ = 	snop  }
0x208: {  	[spmem:s6] =	stream.indirect.scatter.add.f32 [tilespmem:s8], [sflag:$0x1], $0x80, s30, s9, $0xb8;
	[tilespmem:$0x1F480] =	vst v63  }
0x209: {  	s29 =	simm.s32 $0x16360  }
0x20a: {  	[spmem:s6] =	stream.indirect.scatter.add.f32 [tilespmem:s8], [sflag:$0x1], $0x80, s29, s9, $0xb8;
	[tilespmem:$0x1F480] =	vst v63  }
0x20b: {  	_ =	swait.ge [sflag:s5], $0x9000  }
0x20c: {  	[sflag:s5] =	ssyncset.done $0x0  }
0x20d: {  	[sflag:s5] =	ssyncadd.s32 $0xFFFF7000  }
0x20e: {  	_ =	swait.ge [sflag:s5], $0x9000  }
0x20f: {  	[sflag:s5] =	ssyncset.done $0x0  }
0x210: {  	[sflag:s5] =	ssyncadd.s32 $0xFFFF7000  }
0x211: {  	_ =	swait.ge [sflag:s5], $0x9000  }
0x212: {  	[sflag:s5] =	ssyncset.done $0x0  }
0x213: {  	[sflag:s5] =	ssyncadd.s32 $0xFFFF7000  }
0x214: {  	_ =	swait.ge [sflag:s5], $0x9000  }
0x215: {  	[sflag:s5] =	ssyncset.done $0x0  }
0x216: {  	[sflag:s5] =	ssyncadd.s32 $0xFFFF7000  }
0x217: {  	_ =	swait.ge [sflag:s5], $0x9000  }
0x218: {  	[sflag:s5] =	ssyncset.done $0x0  }
0x219: {  	[sflag:s5] =	ssyncadd.s32 $0xFFFF7000  }
0x21a: {  	_ =	swait.ge [sflag:s5], $0x9000  }
0x21b: {  	[sflag:s5] =	ssyncset.done $0x0  }
0x21c: {  	[sflag:s5] =	ssyncadd.s32 $0xFFFF7000  }
0x21d: {  	_ =	swait.ge [sflag:s5], $0x9000  }
0x21e: {  	[sflag:s5] =	ssyncset.done $0x0  }
0x21f: {  	[sflag:s5] =	ssyncadd.s32 $0xFFFF7000  }
0x220: {  	_ =	swait.ge [sflag:s5], $0x9000  }
0x221: {  	[sflag:s5] =	ssyncset.done $0x0  }
0x222: {  	[sflag:s5] =	ssyncadd.s32 $0xFFFF7000  }
0x223: {  	_ =	swait.ge [sflag:s5], $0x9000  }
0x224: {  	[sflag:s5] =	ssyncset.done $0x0  }
0x225: {  	[sflag:s5] =	ssyncadd.s32 $0xFFFF7000  }
0x226: {  	_ =	swait.ge [sflag:s5], $0x9000  }
0x227: {  	[sflag:s5] =	ssyncset.done $0x0  }
0x228: {  	[sflag:s5] =	ssyncadd.s32 $0xFFFF7000  }
0x229: {  	_ =	swait.ge [sflag:s5], $0x9000  }
0x22a: {  	[sflag:s5] =	ssyncset.done $0x0  }
0x22b: {  	[sflag:s5] =	ssyncadd.s32 $0xFFFF7000  }
0x22c: {  	_ =	swait.ge [sflag:s5], $0x9000  }
0x22d: {  	[sflag:s5] =	ssyncset.done $0x0  }
0x22e: {  	[sflag:s5] =	ssyncadd.s32 $0xFFFF7000  }
0x22f: {  	_ =	swait.ge [sflag:s5], $0x9000  }
0x230: {  	[sflag:s5] =	ssyncset.done $0x0  }
0x231: {  	[sflag:s5] =	ssyncadd.s32 $0xFFFF7000  }
0x232: {  	_ =	swait.ge [sflag:s5], $0x9000  }
0x233: {  	[sflag:s5] =	ssyncset.done $0x0  }
0x234: {  	[sflag:s5] =	ssyncadd.s32 $0xFFFF7000  }
0x235: {  	_ =	swait.ge [sflag:s5], $0x9000  }
0x236: {  	[sflag:s5] =	ssyncset.done $0x0  }
0x237: {  	[sflag:s5] =	ssyncadd.s32 $0xFFFF7000  }
0x238: {  	_ =	swait.ge [sflag:s5], $0x9000  }
0x239: {  	[sflag:s5] =	ssyncset.done $0x0  }
0x23a: {  	[sflag:s5] =	ssyncadd.s32 $0xFFFF7000  }
0x23b: {  	_ =	swait.ge [sflag:s5], $0x9000  }
0x23c: {  	[sflag:s5] =	ssyncset.done $0x0  }
0x23d: {  	[sflag:s5] =	ssyncadd.s32 $0xFFFF7000  }
0x23e: {  	_ =	swait.ge [sflag:s5], $0x9000  }
0x23f: {  	[sflag:s5] =	ssyncset.done $0x0  }
0x240: {  	[sflag:s5] =	ssyncadd.s32 $0xFFFF7000  }
0x241: {  	_ =	swait.ge [sflag:s5], $0x9000  }
0x242: {  	[sflag:s5] =	ssyncset.done $0x0  }
0x243: {  	[sflag:s5] =	ssyncadd.s32 $0xFFFF7000  }
0x244: {  	_ =	swait.ge [sflag:s5], $0x9000  }
0x245: {  	[sflag:s5] =	ssyncset.done $0x0  }
0x246: {  	[sflag:s5] =	ssyncadd.s32 $0xFFFF7000  }
0x247: {  	_ =	swait.ge [sflag:s5], $0x9000  }
0x248: {  	[sflag:s5] =	ssyncset.done $0x0  }
0x249: {  	[sflag:s5] =	ssyncadd.s32 $0xFFFF7000  }
0x24a: {  	_ =	swait.ge [sflag:s5], $0x9000  }
0x24b: {  	[sflag:s5] =	ssyncset.done $0x0  }
0x24c: {  	[sflag:s5] =	ssyncadd.s32 $0xFFFF7000  }
0x24d: {  	_ =	swait.ge [sflag:s5], $0x9000  }
0x24e: {  	[sflag:s5] =	ssyncset.done $0x0  }
0x24f: {  	[sflag:s5] =	ssyncadd.s32 $0xFFFF7000  }
0x250: {  	_ =	swait.ge [sflag:s5], $0x9000  }
0x251: {  	[sflag:s5] =	ssyncset.done $0x0  }
0x252: {  	[sflag:s5] =	ssyncadd.s32 $0xFFFF7000  }
0x253: {  	_ =	swait.ge [sflag:s5], $0x9000  }
0x254: {  	[sflag:s5] =	ssyncset.done $0x0  }
0x255: {  	[sflag:s5] =	ssyncadd.s32 $0xFFFF7000  }
0x256: {  	_ =	swait.ge [sflag:s5], $0x9000  }
0x257: {  	[sflag:s5] =	ssyncset.done $0x0  }
0x258: {  	[sflag:s5] =	ssyncadd.s32 $0xFFFF7000  }
0x259: {  	_ =	swait.ge [sflag:s5], $0x9000  }
0x25a: {  	[sflag:s5] =	ssyncset.done $0x0  }
0x25b: {  	[sflag:s5] =	ssyncadd.s32 $0xFFFF7000  }
0x25c: {  	_ =	swait.ge [sflag:s5], $0x9000  }
0x25d: {  	[sflag:s5] =	ssyncset.done $0x0  }
0x25e: {  	[sflag:s5] =	ssyncadd.s32 $0xFFFF7000  }
0x25f: {  	_ =	swait.ge [sflag:s5], $0x9000  }
0x260: {  	[sflag:s5] =	ssyncset.done $0x0  }
0x261: {  	[sflag:s5] =	ssyncadd.s32 $0xFFFF7000  }
0x262: {  	_ =	swait.ge [sflag:s5], $0x9000  }
0x263: {  	[sflag:s5] =	ssyncset.done $0x0  }
0x264: {  	[sflag:s5] =	ssyncadd.s32 $0xFFFF7000  }
0x265: {  	_ =	swait.ge [sflag:s5], $0x9000  }
0x266: {  	[sflag:s5] =	ssyncset.done $0x0  }
0x267: {  	[sflag:s5] =	ssyncadd.s32 $0xFFFF7000  }
0x268: {  	_ =	swait.ge [sflag:s5], $0x9000  }
0x269: {  	[sflag:s5] =	ssyncset.done $0x0  }
0x26a: {  	[sflag:s5] =	ssyncadd.s32 $0xFFFF7000  }
0x26b: {  	_ =	swait.ge [sflag:s5], $0x9000  }
0x26c: {  	[sflag:s5] =	ssyncset.done $0x0  }
0x26d: {  	[sflag:s5] =	ssyncadd.s32 $0xFFFF7000  }
0x26e: {  	_ =	swait.ge [sflag:s5], $0x9000  }
0x26f: {  	[sflag:s5] =	ssyncset.done $0x0  }
0x270: {  	[sflag:s5] =	ssyncadd.s32 $0xFFFF7000  }
0x271: {  	_ =	swait.ge [sflag:s5], $0x9000  }
0x272: {  	[sflag:s5] =	ssyncset.done $0x0  }
0x273: {  	[sflag:s5] =	ssyncadd.s32 $0xFFFF7000  }
0x274: {  	_ =	swait.ge [sflag:s5], $0x9000  }
0x275: {  	[sflag:s5] =	ssyncset.done $0x0  }
0x276: {  	[sflag:s5] =	ssyncadd.s32 $0xFFFF7000  }
0x277: {  	[bflag:$0x0] =	sbarrier.arrive $0xFFFF  }
0x278: {  	s30 =	rddreg [dreg:$0x7]  }
0x279: {  	[hbm:s30], [sflag:s2] =	dma.local [spmem:s3], $0x2780  }
0x27a: {  	_ =	swait.ge [sflag:s4], $0x2780  }
0x27b: {  	[sflag:s4] =	ssyncset.done $0x0  }
0x27c: {  	[sflag:s4] =	ssyncadd.s32 $0xFFFFD880  }
0x27d: {  	_ =	sfence.sel $0x180000  }
0x27e: {  	s31 =	stileid.u32;
	[bflag:$0x0] =	sbarrier.arrive $0xFFFF  }
0x27f: {  	p0 =	sne.s32 s31, $0x0;
	_ =	strace $0x90000047  }
0x280: {  	s0 =	sadd.s32 @!p0 $0x100000, s10;
	[bflag:$0x2] =	sbarrier.arrive $0xFFFF  }
0x281: {  	[sflag:s0] =	ssyncadd.tile.s32 @!p0 $0x1;
	_ =	shalt  }
.LBB2_1:
0x282: {  	s30 =	simm.s32 $0x16240;
	s29 =	simm.s32 $0x16120  }
0x283: {  	s28 =	simm.s32 $0x16000;
	s26 =	simm.s32 $0x15EE0;
	s25 =	simm.s32 $0x15DC0  }
.Ltmp3:
0x284: {  	s24 =	simm.s32 $0x15CA0;
	s23 =	simm.s32 $0x15B80;
	(pc) =	sbr.rel .LBB2_6-.Ltmp3, $4  }
0x285: {  	s22 =	simm.s32 $0x15A60;
	s21 =	simm.s32 $0x15940;
	s20 =	simm.s32 $0x15820  }
0x286: {  	s19 =	simm.s32 $0x15700;
	s18 =	simm.s32 $0x155E0;
	s17 =	simm.s32 $0x154C0  }
0x287: {  	s16 =	simm.s32 $0x153A0;
	s15 =	simm.s32 $0x15280;
	s14 =	simm.s32 $0x15160  }
0x288: {  	s13 =	simm.s32 $0x15040;
	s12 =	simm.s32 $0x14F20;
	s11 =	simm.s32 $0x14E00  }
.LBB2_3:
0x289: {  	s30 =	simm.s32 $0x16240;
	s29 =	simm.s32 $0x16120;
	s28 =	simm.s32 $0x16000  }
0x28a: {  	s26 =	simm.s32 $0x15EE0;
	s25 =	simm.s32 $0x15DC0;
	s24 =	simm.s32 $0x15CA0  }
.Ltmp4:
0x28b: {  	s23 =	simm.s32 $0x15B80;
	s22 =	simm.s32 $0x15A60;
	(pc) =	sbr.rel .LBB2_6-.Ltmp4, $4  }
0x28c: {  	s21 =	simm.s32 $0x15940;
	s20 =	simm.s32 $0x15820;
	s19 =	simm.s32 $0x15700  }
0x28d: {  	s18 =	simm.s32 $0x155E0;
	s17 =	simm.s32 $0x154C0;
	s16 =	simm.s32 $0x153A0  }
0x28e: {  	s15 =	simm.s32 $0x15280;
	s14 =	simm.s32 $0x15160;
	s13 =	simm.s32 $0x15040  }
0x28f: {  	s12 =	simm.s32 $0x14F20;
	s11 =	simm.s32 $0x14E00;
	s10 =	rddreg [dreg:$0x3]  }
.Lfunc_end2:
_tile_overlayer_lowered:
.L_overlay_start_2:
0x290: {  	(tag) =	ssettag $0x2  }
0x291: {  	s0 =	rddreg [dreg:$0x0];
	s2 =	stileid.u32  }
0x292: {  	s1 =	rddreg [dreg:$0x1];
	p0 =	sne.s32 s2, $0x0  }
0x293: {  	s3 =	rddreg [dreg:$0x2];
	[bflag:$0x3] =	sbarrier.arrive $0xFFFF;
	s2 =	simm.s32 @!p0 $0x1C02  }
0x294: {  	[timem:s3], [sflag:s2] =	dma.local @!p0 [hbm:s0], s1  }
0x295: {  	s0 =	simm.s32 @!p0 $0x2  }
0x296: {  	_ =	swait.ge @!p0 [sflag:s0], s1  }
0x297: {  	s1 =	ssub.s32 @!p0 $0x0, s1;
	[sflag:s0] =	ssyncset.done @!p0 $0x0  }
0x298: {  	[sflag:s0] =	ssyncadd.s32 @!p0 s1  }
0x299: {  	[bflag:$0x3] =	sbarrier.arrive $0xFFFF  }
0x29a: {  	_ =	shalt  }

// kernel: kernel.17.cloned.1.call-start
scs
__scs_entry_jumppad:
0x0: {  	(pc) =	sbr.rel $0x88, $3  }
0x1: {  	(tag) =	ssettag $0x0;
	lr =	simm.s32 $0x1  }
0x2: {  	[smem:$0x3F98] =	sst lr;
	_ =	strace $0xD0000000  }
0x3: {  	_ = 	snop  }
0x4: {  	_ = 	snop  }
0x5: {  	_ = 	snop  }
0x6: {  	_ = 	snop  }
0x7: {  	_ = 	snop  }
__scs_overlays_trampoline_lowered:
0x8: {  	[smem:$0x3FA7] =	sst s0  }
0x9: {  	[smem:$0x3FA8] =	sst s1  }
0xa: {  	[smem:$0x3FA9] =	sst s2  }
0xb: {  	[smem:$0x3FAA] =	sst s3  }
0xc: {  	[smem:$0x3FAB] =	sst s4  }
0xd: {  	[smem:$0x3FAC] =	sst s5  }
0xe: {  	[smem:$0x3FAD] =	sst s6  }
0xf: {  	[smem:$0x3FAE] =	sst s7  }
0x10: {  	[smem:$0x3FAF] =	sst s8  }
0x11: {  	[smem:$0x3FB0] =	sst s9;
	s0 =	simm.s32 @!p0 $0x0  }
0x12: {  	s1 =	sld [smem:$0x3F96];
	s0 =	simm.s32 @p0 $0x1  }
0x13: {  	[smem:$0x3FB1] =	sst s0;
	s0 =	simm.s32 @!p1 $0x0  }
0x14: {  	s2 =	sld [smem:$0x3F95];
	s0 =	simm.s32 @p1 $0x1  }
0x15: {  	[smem:$0x3FB2] =	sst s0;
	s0 =	simm.s32 @!p2 $0x0  }
0x16: {  	s3 =	sld [smem:$0x3FDB];
	s0 =	simm.s32 @p2 $0x1  }
0x17: {  	s4 =	simm.s32 $0x1BF5;
	[smem:$0x3FB4] =	sst s0  }
0x18: {  	s0 =	sld [smem:$0x3F97];
	_ =	swait.ge [sflag:s4], $0x0  }
0x19: {  	s7 =	sld [smem:$0x3F98]  }
0x1a: {  	s8 =	sadd.s32 $0xFFFFE003, lr  }
0x1b: {  	s9 =	sadd.s32 $0xFFFFFEF7, lr;
	s5 =	simm.s32 $0xFFFFFFFF;
	p2 =	slt.u32 s8, $0xFFFFF086  }
0x1c: {  	p1 =	slt.u32 s9, $0xF7A;
	s5 =	simm.s32 @!p2 $0x0  }
0x1d: {  	s5 =	simm.s32 @p1 $0x1;
	p0 =	seq.s32 s7, s2  }
0x1e: {  	s7 =	smul.u32 @!p0 $0xF7A, s2;
	p2 =	seq.s32 @!p0 s5, $0x0  }
0x1f: {  	s9 =	smul.u32 $0xF7A, s1;
	s8 =	simm.s32 @!p0 $0x1BF5;
	p2 =	por !p2, p0  }
0x20: {  	[sflag:s8] =	ssyncset.s32 @!p0 $0xFFFFF086;
	s6 =	sadd.s32 @!p0 s3, s7;
	s7 =	simm.s32 @!p0 $0x108  }
0x21: {  	s3 =	sadd.s32 s3, s9;
	s6 =	sadd.s32 @!p0 $0x88, s6;
	s7 =	simm.s32 @p2 $0x1082  }
0x22: {  	[simem:s7], [sflag:s8] =	dma.local @!p0 [hbm:s6], $0xF7A  }
0x23: {  	s9 =	sor.u32 $0xD0000000, s2;
	s6 =	simm.s32 $0x108;
	_ =	swait.ge @!p0 [sflag:s8], $0x0  }
0x24: {  	s3 =	sadd.s32 $0x88, s3;
	s6 =	simm.s32 @!p1 $0x1082;
	[sflag:s4] =	ssyncset.s32 $0xFFFFF086  }
0x25: {  	[simem:s6], [sflag:s4] =	dma.local [hbm:s3], $0xF7A  }
0x26: {  	[smem:$0x3F98] =	sst s1;
	(tag) =	ssettag s2;
	_ =	strace s9  }
0x27: {  	s1 =	sld [smem:$0x3FA8]  }
0x28: {  	s2 =	sld [smem:$0x3FA9]  }
0x29: {  	s4 =	sld [smem:$0x3FAB]  }
0x2a: {  	p0 =	seq.s32 s5, $0x0;
	s5 =	sld [smem:$0x3FAC]  }
0x2b: {  	s6 =	sld [smem:$0x3FAD]  }
0x2c: {  	s7 =	sld [smem:$0x3FAE]  }
0x2d: {  	s3 =	simm.s32 $0x108;
	s8 =	sld [smem:$0x3FAF]  }
0x2e: {  	s3 =	simm.s32 @!p0 $0x1082;
	s9 =	sld [smem:$0x3FB0]  }
0x2f: {  	lr =	sadd.s32 s0, s3;
	s0 =	sld [smem:$0x3FA7]  }
0x30: {  	s3 =	sld [smem:$0x3FAA]  }
0x31: {  	[smem:$0x3FB3] =	sst s10  }
0x32: {  	s10 =	sld [smem:$0x3FB1];
	_ =	sdelay $0x3  }
0x33: {  	p0 =	seq.s32 s10, $0x1;
	s10 =	sld [smem:$0x3FB3];
	_ =	sdelay $0x3  }
0x34: {  	[smem:$0x3FB3] =	sst s10  }
0x35: {  	s10 =	sld [smem:$0x3FB2];
	_ =	sdelay $0x3  }
0x36: {  	p1 =	seq.s32 s10, $0x1;
	s10 =	sld [smem:$0x3FB3];
	_ =	sdelay $0x3  }
0x37: {  	[smem:$0x3FB3] =	sst s10  }
0x38: {  	s10 =	sld [smem:$0x3FB4]  }
0x39: {  	_ = 	snop;
	(pc) =	sbr.ind lr, $3  }
0x3a: {  	_ = 	snop  }
0x3b: {  	_ = 	snop  }
0x3c: {  	p2 =	seq.s32 s10, $0x1;
	s10 =	sld [smem:$0x3FB3]  }
0x3d: {  	_ =	shalt  }
0x3e: {  	_ =	shalt  }
0x3f: {  	_ =	shalt  }
0x40: {  	_ =	shalt  }
0x41: {  	_ =	shalt  }
0x42: {  	_ =	shalt  }
0x43: {  	_ =	shalt  }
0x44: {  	_ =	shalt  }
0x45: {  	_ =	shalt  }
0x46: {  	_ =	shalt  }
0x47: {  	_ =	shalt  }
0x48: {  	_ =	shalt  }
0x49: {  	_ =	shalt  }
0x4a: {  	_ =	shalt  }
0x4b: {  	_ =	shalt  }
0x4c: {  	_ =	shalt  }
0x4d: {  	_ =	shalt  }
0x4e: {  	_ =	shalt  }
0x4f: {  	_ =	shalt  }
0x50: {  	_ =	shalt  }
0x51: {  	_ =	shalt  }
0x52: {  	_ =	shalt  }
0x53: {  	_ =	shalt  }
0x54: {  	_ =	shalt  }
0x55: {  	_ =	shalt  }
0x56: {  	_ =	shalt  }
0x57: {  	_ =	shalt  }
0x58: {  	_ =	shalt  }
0x59: {  	_ =	shalt  }
0x5a: {  	_ =	shalt  }
0x5b: {  	_ =	shalt  }
0x5c: {  	_ =	shalt  }
0x5d: {  	_ =	shalt  }
0x5e: {  	_ =	shalt  }
0x5f: {  	_ =	shalt  }
0x60: {  	_ =	shalt  }
0x61: {  	_ =	shalt  }
0x62: {  	_ =	shalt  }
0x63: {  	_ =	shalt  }
0x64: {  	_ =	shalt  }
0x65: {  	_ =	shalt  }
0x66: {  	_ =	shalt  }
0x67: {  	_ =	shalt  }
0x68: {  	_ =	shalt  }
0x69: {  	_ =	shalt  }
0x6a: {  	_ =	shalt  }
0x6b: {  	_ =	shalt  }
0x6c: {  	_ =	shalt  }
0x6d: {  	_ =	shalt  }
0x6e: {  	_ =	shalt  }
0x6f: {  	_ =	shalt  }
0x70: {  	_ =	shalt  }
0x71: {  	_ =	shalt  }
0x72: {  	_ =	shalt  }
0x73: {  	_ =	shalt  }
0x74: {  	_ =	shalt  }
0x75: {  	_ =	shalt  }
0x76: {  	_ =	shalt  }
0x77: {  	_ =	shalt  }
0x78: {  	_ =	shalt  }
0x79: {  	_ =	shalt  }
0x7a: {  	_ =	shalt  }
0x7b: {  	_ =	shalt  }
0x7c: {  	_ =	shalt  }
0x7d: {  	_ =	shalt  }
0x7e: {  	_ =	shalt  }
0x7f: {  	_ =	shalt  }
0x80: {  	_ =	shalt  }
0x81: {  	_ =	shalt  }
0x82: {  	_ =	shalt  }
0x83: {  	_ =	shalt  }
0x84: {  	_ =	shalt  }
0x85: {  	_ =	shalt  }
0x86: {  	_ =	shalt  }
0x87: {  	_ =	shalt  }
.Lfunc_end0:
.L_simem_size_0:
called_computation.1_lowered:
.L_overlay_start_0:
0x88: {  	s2 =	sld [smem:$0x3FD9]  }
0x89: {  	s3 =	sld [smem:$0x3FFE];
	_ =	sdelay $0x1  }
0x8a: {  	s1 =	srdreg.scid  }
0x8b: {  	s0 =	sand.u32 $0x1, s1  }
0x8c: {  	s16 =	sshll.u32 s0, $0xA;
	s2 =	sadd.s32 s3, s2  }
0x8d: {  	s2 =	sadd.s32 s2, s16  }
0x8e: {  	[smem:$0x3FBF] =	sst s2  }
0x8f: {  	_ = 	snop  }
0x90: {  	(tm) =	ssettm $0x1  }
0x91: {  	s17 =	sld [smem:$0x3FFB];
	_ =	sdelay $0x3  }
0x92: {  	_ =	strace s17  }
0x93: {  	s2 =	sld [smem:$0x3FFC];
	_ =	sdelay $0x3  }
0x94: {  	_ =	strace s2  }
0x95: {  	s2 =	sld [smem:$0x3FFD];
	_ =	sdelay $0x3  }
0x96: {  	_ =	strace s2  }
0x97: {  	_ =	strace $0x8FFFFFFF  }
0x98: {  	s18 =	sld [smem:$0x3FDB];
	_ =	sdelay $0x1  }
0x99: {  	s19 =	simm.s32 $_scs_section_size  }
0x9a: {  	s4 =	simm.s32 $_size__tile_overlayer_lowered;
	s5 =	simm.s32 $_tile_overlayer_lowered  }
0x9b: {  	s22 =	simm.s32 $0x1BFF;
	s21 =	sshll.u32 s5, $0x1;
	s2 =	sadd.s32 s19, s18  }
0x9c: {  	s6 =	simm.s32 $0x0;
	s20 =	sshll.u32 s4, $0x1;
	s4 =	sadd.s32 s21, s2  }
0x9d: {  	[timem:s6], [sflag:s22] =	dma.local [hbm:s4], s20  }
0x9e: {  	_ =	swait.ge [sflag:s22], s20  }
0x9f: {  	s3 =	ssub.s32 $0x0, s20;
	[sflag:s22] =	ssyncset.done $0x0  }
0xa0: {  	[sflag:s22] =	ssyncadd.s32 s3;
	_ =	sdelay $0x1  }
0xa1: {  	s23 =	simm.s32 $0x1B8B  }
0xa2: {  	_ =	swait.ge [sflag:s23], $0x1  }
0xa3: {  	[sflag:s23] =	ssyncset.done $0x0  }
0xa4: {  	s25 =	simm.s32 $0x1B8E;
	s24 =	sld [smem:$0x3FFE];
	[sflag:s23] =	ssyncadd.s32 $0xFFFFFFFF  }
0xa5: {  	s26 =	simm.s32 $execute0_lowered;
	[smem:$0x3FD2] =	sst s25  }
0xa6: {  	s4 =	sshll.u32 s26, $0x1;
	_ =	strace $0x80000049;
	[dreg:$0x1] =	wrdreg $0xFFFFFFFF  }
0xa7: {  	s28 =	simm.s32 $_size_execute0_lowered;
	s2 =	sadd.s32 s2, s4;
	[dreg:$0x0] =	wrdreg $0x0  }
0xa8: {  	s4 =	sshll.u32 s28, $0x1;
	[dreg:$0x2] =	wrdreg s2  }
0xa9: {  	[dreg:$0x3] =	wrdreg s4  }
0xaa: {  	[dreg:$0x4] =	wrdreg $0xC0  }
0xab: {  	_ =	task [dreg:s6], $0x5FFFF  }
0xac: {  	[dreg:$0x1] =	wrdreg $0xFFFFFFFF  }
0xad: {  	[dreg:$0x0] =	wrdreg $0x60  }
0xae: {  	[dreg:$0x2] =	wrdreg s24  }
0xaf: {  	[dreg:$0x3] =	wrdreg $0x0  }
0xb0: {  	[dreg:$0x4] =	wrdreg $0x9  }
0xb1: {  	_ =	task.clear_ibuf [dreg:s6], $0x5FFFF;
	_ =	strace $0x90000049  }
0xb2: {  	s29 =	simm.s32 $0x9;
	_ =	strace $0x8000004B  }
0xb3: {  	_ =	swait.ge [sflag:s29], $0x1  }
0xb4: {  	[sflag:s29] =	ssyncadd.s32 $0xFFFFFFFF  }
0xb5: {  	_ =	strace $0x9000004B  }
0xb6: {  	_ =	sfence  }
0xb7: {  	s30 =	sld [smem:$0x0];
	_ =	sdelay $0x2  }
0xb8: {  	s31 =	sshll.u32 s1, $0xD;
	s1 =	sshrl.u32 s1, $0x2  }
0xb9: {  	s3 =	sand.u32 $0x4000, s31;
	s1 =	sadd.s32 s1, s30  }
0xba: {  	s0 =	sor.u32 s3, s0;
	s1 =	sshll.u32 s1, $0x11  }
0xbb: {  	s0 =	sor.u32 s1, s0  }
0xbc: {  	s0 =	sadd.s32 $0x8F2B, s0  }
0xbd: {  	[sflag:s0] =	ssyncadd.remote.s32 $0x1  }
0xbe: {  	_ =	sfence.sel $0xFFFF  }
0xbf: {  	[dreg:$0x0] =	wrdreg $0xFFFFFFFF;
	(pc) =	sbr.abs _section_cstart, $3  }
0xc0: {  	[dreg:$0x1] =	wrdreg $0xFFFFFFFF  }
0xc1: {  	_ =	task.clear_ibuf [dreg:s6], $0x2FFFF;
	_ =	strace $0x9FFFFFFF  }
0xc2: {  	(tm) =	ssettm $0x7FFFFFFF  }
0xc3: {  	_ =	shalt  }
tec
execute0_lowered:
.L_overlay_start_1:
0x0: {  	(tag) =	ssettag $0x1  }
0x1: {  	s1 =	srdreg.scid  }
0x2: {  	s0 =	stileid.u32;
	s6 =	rddreg [dreg:$0x0]  }
0x3: {  	s2 =	rddreg [dreg:$0x1];
	s3 =	simm.s32 $0x0;
	s14 =	simm.s32 $0x16400  }
0x4: {  	s15 =	simm.s32 $0x80;
	s16 =	simm.s32 $0x18C00;
	s17 =	simm.s32 $0x1  }
0x5: {  	s18 =	simm.s32 $0x0;
	s5 =	sand.u32 $0x1, s1;
	s8 =	smul.u32 $0x13C00, s0  }
0x6: {  	s25 =	sshll.u32 s0, $0x1;
	[smem:$0x7FF] =	sst s3;
	s28 =	smul.u32 $0x4F000, s0  }
0x7: {  	s4 =	sadd.s32 $0x2AA00, s6;
	s1 =	sor.u32 s5, s25;
	s9 =	smul.u32 $0x13C000, s5  }
0x8: {  	s31 =	sshll.u32 s0, $0x6;
	s5 =	ssub.s32 $0x2, s5;
	s7 =	smul.u32 $0x500, s1  }
0x9: {  	s1 =	rddreg [dreg:$0x2];
	_ =	strace $0x8000004A;
	s26 =	sshrl.u32 s8, $0x3  }
0xa: {  	s29 =	sshrl.u32 s5, $0x1;
	s30 =	sshrl.u32 s28, $0x2;
	s8 =	sadd.s32 s8, s9  }
0xb: {  	s12 =	ssub.s32 s5, s29;
	s13 =	sadd.s32 s30, s2;
	s8 =	sshrl.u32 s8, $0x3  }
0xc: {  	s10 =	sadd.s32 s7, s6;
	s7 =	sadd.s32 s26, s6;
	s11 =	sadd.s32 s8, s6  }
0xd: {  	s5 =	sadd.s32 $0x3200, s7;
	s6 =	sor.u32 $0x1C02, s31;
	s7 =	sadd.s32 $0x84C00, s10  }
0xe: {  	s8 =	sadd.s32 $0x7AC00, s10;
	s10 =	smax.u32 s12, $0x1;
	s12 =	simm.s32 $0x2  }
0xf: {  	s9 =	sadd.s32 $0x8EC00, s11;
	s11 =	sshrl.u32 s13, $0x3;
	s13 =	simm.s32 $0x13C00  }
.LBB2_1:
0x10: {  	[spmem:s11], [sflag:s6] =	dma.local [hbm:s5], $0x2780  }
0x11: {  	_ =	swait.ge [sflag:s12], $0x2780  }
0x12: {  	[sflag:s12] =	ssyncset.done $0x0  }
0x13: {  	[sflag:s12] =	ssyncadd.s32 $0xFFFFD880  }
0x14: {  	[tilespmem:s13], [sflag:$0x2] =	stream.linear.gather [hbm4b:s7+s3], $0x2780, $0x38;
	[tilespmem:$0x1CC00] =	vst v63  }
0x15: {  	_ =	swait.ge [sflag:s12], $0x2780  }
0x16: {  	[sflag:s12] =	ssyncset.done $0x0  }
0x17: {  	[sflag:s12] =	ssyncadd.s32 $0xFFFFD880  }
0x18: {  	[tilespmem:s14], [sflag:$0x2] =	stream.linear.gather [hbm4b:s8+s3], $0x2780, $0x38;
	[tilespmem:$0x1CC00] =	vst v63  }
0x19: {  	_ =	swait.ge [sflag:s12], $0x2780  }
0x1a: {  	[sflag:s12] =	ssyncset.done $0x0  }
0x1b: {  	[sflag:s12] =	ssyncadd.s32 $0xFFFFD880  }
0x1c: {  	s19 =	simm.s32 $0x13C00;
	[bflag:$0x0] =	sbarrier.arrive $0xFFFF  }
0x1d: {  	[tilespmem:s16], [sflag:$0x1] =	stream.indirect.gather [hbm4b:s4+s15], $0x80, s19, s15, $0xb8;
	[tilespmem:$0x1CC00] =	vst v63  }
0x1e: {  	_ =	swait.ge [sflag:s17], $0x4000  }
0x1f: {  	[sflag:s17] =	ssyncset.done $0x0  }
0x20: {  	s31 =	simm.s32 $0x16400;
	[sflag:s17] =	ssyncadd.s32 $0xFFFFC000  }
0x21: {  	[spmem:s2] =	stream.indirect.scatter.add.f32 [tilespmem:s16], [sflag:$0x2], $0x80, s31, s15, $0xb8;
	[tilespmem:$0x1CC00] =	vst v63  }
0x22: {  	_ =	swait.ge [sflag:s12], $0x4000  }
0x23: {  	s20 =	simm.s32 $0x400;
	s19 =	simm.s32 $0x80;
	[sflag:s12] =	ssyncset.done $0x0  }
.LBB2_2:
0x24: {  	s21 =	sadd.s32 $0x13C00, s19  }
0x25: {  	[sflag:s12] =	ssyncadd.s32 $0xFFFFC000;
	s22 =	smov.u32 s20;
	s23 =	sadd.s32 $0x200, s20  }
0x26: {  	[tilespmem:s16], [sflag:$0x1] =	stream.indirect.gather [hbm4b:s4+s15], $0x80, s21, s15, $0xb8;
	[tilespmem:$0x1CC00] =	vst v63  }
0x27: {  	p0 =	sne.s32 s20, $0x9C00;
	_ =	swait.ge [sflag:s17], $0x4000  }
.Ltmp0:
0x28: {  	[sflag:s17] =	ssyncset.done $0x0;
	(pc) =	sbr.rel @p0 .LBB2_2-.Ltmp0, $4  }
0x29: {  	s19 =	sadd.s32 $0x16400, s19;
	[sflag:s17] =	ssyncadd.s32 $0xFFFFC000  }
0x2a: {  	[spmem:s2] =	stream.indirect.scatter.add.f32 [tilespmem:s16], [sflag:$0x2], $0x80, s19, s15, $0xb8;
	[tilespmem:$0x1CC00] =	vst v63  }
0x2b: {  	_ =	swait.ge [sflag:s12], $0x4000  }
0x2c: {  	s20 =	smov.u32 s23;
	s19 =	sshra.s32 s22, $0x2;
	[sflag:s12] =	ssyncset.done $0x0  }
0x2d: {  	s20 =	sadd.s32 $0x13C00, s19;
	[sflag:s12] =	ssyncadd.s32 $0xFFFFC000  }
0x2e: {  	[tilespmem:s16], [sflag:$0x1] =	stream.indirect.gather [hbm4b:s4+s15], $0x80, s20, s15, $0xb8;
	[tilespmem:$0x1CC00] =	vst v63  }
0x2f: {  	_ =	swait.ge [sflag:s17], $0x4000  }
0x30: {  	[sflag:s17] =	ssyncset.done $0x0  }
0x31: {  	s31 =	sadd.s32 $0x16400, s19;
	[sflag:s17] =	ssyncadd.s32 $0xFFFFC000  }
0x32: {  	[spmem:s2] =	stream.indirect.scatter.add.f32 [tilespmem:s16], [sflag:$0x2], $0x80, s31, s15, $0xb8;
	[tilespmem:$0x1CC00] =	vst v63  }
0x33: {  	_ =	swait.ge [sflag:s12], $0x4000  }
0x34: {  	s18 =	sadd.s32 $0x1, s18;
	[sflag:s12] =	ssyncset.done $0x0  }
0x35: {  	p0 =	sne.s32 s18, s10;
	[sflag:s12] =	ssyncadd.s32 $0xFFFFC000  }
.Ltmp1:
0x36: {  	[bflag:$0x0] =	sbarrier.arrive $0xFFFF;
	(pc) =	sbr.rel @p0 .LBB2_1-.Ltmp1, $4  }
0x37: {  	[hbm:s9], [sflag:s6] =	dma.local [spmem:s11], $0x2780  }
0x38: {  	_ =	swait.ge [sflag:s12], $0x2780  }
0x39: {  	[sflag:s12] =	ssyncset.done $0x0  }
0x3a: {  	[sflag:s12] =	ssyncadd.s32 $0xFFFFD880  }
0x3b: {  	_ =	sfence.sel $0x180000  }
0x3c: {  	[bflag:$0x0] =	sbarrier.arrive $0xFFFF  }
0x3d: {  	p0 =	sne.s32 s0, $0x0;
	_ =	strace $0x9000004A  }
0x3e: {  	s0 =	sadd.s32 @!p0 $0x100000, s1;
	[bflag:$0x2] =	sbarrier.arrive $0xFFFF  }
0x3f: {  	[sflag:s0] =	ssyncadd.tile.s32 @!p0 $0x1;
	_ =	shalt  }
.Lfunc_end2:
_tile_overlayer_lowered:
.L_overlay_start_2:
0x40: {  	(tag) =	ssettag $0x2  }
0x41: {  	s0 =	rddreg [dreg:$0x0];
	s2 =	stileid.u32  }
0x42: {  	s1 =	rddreg [dreg:$0x1];
	p0 =	sne.s32 s2, $0x0  }
0x43: {  	s3 =	rddreg [dreg:$0x2];
	[bflag:$0x3] =	sbarrier.arrive $0xFFFF;
	s2 =	simm.s32 @!p0 $0x1C02  }
0x44: {  	[timem:s3], [sflag:s2] =	dma.local @!p0 [hbm:s0], s1  }
0x45: {  	s0 =	simm.s32 @!p0 $0x2  }
0x46: {  	_ =	swait.ge @!p0 [sflag:s0], s1  }
0x47: {  	s1 =	ssub.s32 @!p0 $0x0, s1;
	[sflag:s0] =	ssyncset.done @!p0 $0x0  }
0x48: {  	[sflag:s0] =	ssyncadd.s32 @!p0 s1  }
0x49: {  	[bflag:$0x3] =	sbarrier.arrive $0xFFFF  }
0x4a: {  	_ =	shalt  }

// kernel: kernel.20.cloned.1.call-start
scs
__scs_entry_jumppad:
0x0: {  	(pc) =	sbr.rel $0x88, $3  }
0x1: {  	(tag) =	ssettag $0x0;
	lr =	simm.s32 $0x1  }
0x2: {  	[smem:$0x3F98] =	sst lr;
	_ =	strace $0xD0000000  }
0x3: {  	_ = 	snop  }
0x4: {  	_ = 	snop  }
0x5: {  	_ = 	snop  }
0x6: {  	_ = 	snop  }
0x7: {  	_ = 	snop  }
__scs_overlays_trampoline_lowered:
0x8: {  	[smem:$0x3FA7] =	sst s0  }
0x9: {  	[smem:$0x3FA8] =	sst s1  }
0xa: {  	[smem:$0x3FA9] =	sst s2  }
0xb: {  	[smem:$0x3FAA] =	sst s3  }
0xc: {  	[smem:$0x3FAB] =	sst s4  }
0xd: {  	[smem:$0x3FAC] =	sst s5  }
0xe: {  	[smem:$0x3FAD] =	sst s6  }
0xf: {  	[smem:$0x3FAE] =	sst s7  }
0x10: {  	[smem:$0x3FAF] =	sst s8  }
0x11: {  	[smem:$0x3FB0] =	sst s9;
	s0 =	simm.s32 @!p0 $0x0  }
0x12: {  	s1 =	sld [smem:$0x3F96];
	s0 =	simm.s32 @p0 $0x1  }
0x13: {  	[smem:$0x3FB1] =	sst s0;
	s0 =	simm.s32 @!p1 $0x0  }
0x14: {  	s2 =	sld [smem:$0x3F95];
	s0 =	simm.s32 @p1 $0x1  }
0x15: {  	[smem:$0x3FB2] =	sst s0;
	s0 =	simm.s32 @!p2 $0x0  }
0x16: {  	s3 =	sld [smem:$0x3FDB];
	s0 =	simm.s32 @p2 $0x1  }
0x17: {  	s4 =	simm.s32 $0x1BF5;
	[smem:$0x3FB4] =	sst s0  }
0x18: {  	s0 =	sld [smem:$0x3F97];
	_ =	swait.ge [sflag:s4], $0x0  }
0x19: {  	s7 =	sld [smem:$0x3F98]  }
0x1a: {  	s8 =	sadd.s32 $0xFFFFE003, lr  }
0x1b: {  	s9 =	sadd.s32 $0xFFFFFEF7, lr;
	s5 =	simm.s32 $0xFFFFFFFF;
	p2 =	slt.u32 s8, $0xFFFFF086  }
0x1c: {  	p1 =	slt.u32 s9, $0xF7A;
	s5 =	simm.s32 @!p2 $0x0  }
0x1d: {  	s5 =	simm.s32 @p1 $0x1;
	p0 =	seq.s32 s7, s2  }
0x1e: {  	s7 =	smul.u32 @!p0 $0xF7A, s2;
	p2 =	seq.s32 @!p0 s5, $0x0  }
0x1f: {  	s9 =	smul.u32 $0xF7A, s1;
	s8 =	simm.s32 @!p0 $0x1BF5;
	p2 =	por !p2, p0  }
0x20: {  	[sflag:s8] =	ssyncset.s32 @!p0 $0xFFFFF086;
	s6 =	sadd.s32 @!p0 s3, s7;
	s7 =	simm.s32 @!p0 $0x108  }
0x21: {  	s3 =	sadd.s32 s3, s9;
	s6 =	sadd.s32 @!p0 $0x88, s6;
	s7 =	simm.s32 @p2 $0x1082  }
0x22: {  	[simem:s7], [sflag:s8] =	dma.local @!p0 [hbm:s6], $0xF7A  }
0x23: {  	s9 =	sor.u32 $0xD0000000, s2;
	s6 =	simm.s32 $0x108;
	_ =	swait.ge @!p0 [sflag:s8], $0x0  }
0x24: {  	s3 =	sadd.s32 $0x88, s3;
	s6 =	simm.s32 @!p1 $0x1082;
	[sflag:s4] =	ssyncset.s32 $0xFFFFF086  }
0x25: {  	[simem:s6], [sflag:s4] =	dma.local [hbm:s3], $0xF7A  }
0x26: {  	[smem:$0x3F98] =	sst s1;
	(tag) =	ssettag s2;
	_ =	strace s9  }
0x27: {  	s1 =	sld [smem:$0x3FA8]  }
0x28: {  	s2 =	sld [smem:$0x3FA9]  }
0x29: {  	s4 =	sld [smem:$0x3FAB]  }
0x2a: {  	p0 =	seq.s32 s5, $0x0;
	s5 =	sld [smem:$0x3FAC]  }
0x2b: {  	s6 =	sld [smem:$0x3FAD]  }
0x2c: {  	s7 =	sld [smem:$0x3FAE]  }
0x2d: {  	s3 =	simm.s32 $0x108;
	s8 =	sld [smem:$0x3FAF]  }
0x2e: {  	s3 =	simm.s32 @!p0 $0x1082;
	s9 =	sld [smem:$0x3FB0]  }
0x2f: {  	lr =	sadd.s32 s0, s3;
	s0 =	sld [smem:$0x3FA7]  }
0x30: {  	s3 =	sld [smem:$0x3FAA]  }
0x31: {  	[smem:$0x3FB3] =	sst s10  }
0x32: {  	s10 =	sld [smem:$0x3FB1];
	_ =	sdelay $0x3  }
0x33: {  	p0 =	seq.s32 s10, $0x1;
	s10 =	sld [smem:$0x3FB3];
	_ =	sdelay $0x3  }
0x34: {  	[smem:$0x3FB3] =	sst s10  }
0x35: {  	s10 =	sld [smem:$0x3FB2];
	_ =	sdelay $0x3  }
0x36: {  	p1 =	seq.s32 s10, $0x1;
	s10 =	sld [smem:$0x3FB3];
	_ =	sdelay $0x3  }
0x37: {  	[smem:$0x3FB3] =	sst s10  }
0x38: {  	s10 =	sld [smem:$0x3FB4]  }
0x39: {  	_ = 	snop;
	(pc) =	sbr.ind lr, $3  }
0x3a: {  	_ = 	snop  }
0x3b: {  	_ = 	snop  }
0x3c: {  	p2 =	seq.s32 s10, $0x1;
	s10 =	sld [smem:$0x3FB3]  }
0x3d: {  	_ =	shalt  }
0x3e: {  	_ =	shalt  }
0x3f: {  	_ =	shalt  }
0x40: {  	_ =	shalt  }
0x41: {  	_ =	shalt  }
0x42: {  	_ =	shalt  }
0x43: {  	_ =	shalt  }
0x44: {  	_ =	shalt  }
0x45: {  	_ =	shalt  }
0x46: {  	_ =	shalt  }
0x47: {  	_ =	shalt  }
0x48: {  	_ =	shalt  }
0x49: {  	_ =	shalt  }
0x4a: {  	_ =	shalt  }
0x4b: {  	_ =	shalt  }
0x4c: {  	_ =	shalt  }
0x4d: {  	_ =	shalt  }
0x4e: {  	_ =	shalt  }
0x4f: {  	_ =	shalt  }
0x50: {  	_ =	shalt  }
0x51: {  	_ =	shalt  }
0x52: {  	_ =	shalt  }
0x53: {  	_ =	shalt  }
0x54: {  	_ =	shalt  }
0x55: {  	_ =	shalt  }
0x56: {  	_ =	shalt  }
0x57: {  	_ =	shalt  }
0x58: {  	_ =	shalt  }
0x59: {  	_ =	shalt  }
0x5a: {  	_ =	shalt  }
0x5b: {  	_ =	shalt  }
0x5c: {  	_ =	shalt  }
0x5d: {  	_ =	shalt  }
0x5e: {  	_ =	shalt  }
0x5f: {  	_ =	shalt  }
0x60: {  	_ =	shalt  }
0x61: {  	_ =	shalt  }
0x62: {  	_ =	shalt  }
0x63: {  	_ =	shalt  }
0x64: {  	_ =	shalt  }
0x65: {  	_ =	shalt  }
0x66: {  	_ =	shalt  }
0x67: {  	_ =	shalt  }
0x68: {  	_ =	shalt  }
0x69: {  	_ =	shalt  }
0x6a: {  	_ =	shalt  }
0x6b: {  	_ =	shalt  }
0x6c: {  	_ =	shalt  }
0x6d: {  	_ =	shalt  }
0x6e: {  	_ =	shalt  }
0x6f: {  	_ =	shalt  }
0x70: {  	_ =	shalt  }
0x71: {  	_ =	shalt  }
0x72: {  	_ =	shalt  }
0x73: {  	_ =	shalt  }
0x74: {  	_ =	shalt  }
0x75: {  	_ =	shalt  }
0x76: {  	_ =	shalt  }
0x77: {  	_ =	shalt  }
0x78: {  	_ =	shalt  }
0x79: {  	_ =	shalt  }
0x7a: {  	_ =	shalt  }
0x7b: {  	_ =	shalt  }
0x7c: {  	_ =	shalt  }
0x7d: {  	_ =	shalt  }
0x7e: {  	_ =	shalt  }
0x7f: {  	_ =	shalt  }
0x80: {  	_ =	shalt  }
0x81: {  	_ =	shalt  }
0x82: {  	_ =	shalt  }
0x83: {  	_ =	shalt  }
0x84: {  	_ =	shalt  }
0x85: {  	_ =	shalt  }
0x86: {  	_ =	shalt  }
0x87: {  	_ =	shalt  }
.Lfunc_end0:
.L_simem_size_0:
called_computation.2_lowered:
.L_overlay_start_0:
0x88: {  	s2 =	sld [smem:$0x3FD9]  }
0x89: {  	s3 =	sld [smem:$0x3FFE];
	_ =	sdelay $0x1  }
0x8a: {  	s1 =	srdreg.scid  }
0x8b: {  	s0 =	sand.u32 $0x1, s1  }
0x8c: {  	s16 =	sshll.u32 s0, $0xA;
	s2 =	sadd.s32 s3, s2  }
0x8d: {  	s2 =	sadd.s32 s2, s16  }
0x8e: {  	[smem:$0x3FBF] =	sst s2  }
0x8f: {  	_ = 	snop  }
0x90: {  	(tm) =	ssettm $0x1  }
0x91: {  	s17 =	sld [smem:$0x3FFB];
	_ =	sdelay $0x3  }
0x92: {  	_ =	strace s17  }
0x93: {  	s2 =	sld [smem:$0x3FFC];
	_ =	sdelay $0x3  }
0x94: {  	_ =	strace s2  }
0x95: {  	s2 =	sld [smem:$0x3FFD];
	_ =	sdelay $0x3  }
0x96: {  	_ =	strace s2  }
0x97: {  	_ =	strace $0x8FFFFFFF  }
0x98: {  	s18 =	sld [smem:$0x3FDB];
	_ =	sdelay $0x1  }
0x99: {  	s19 =	simm.s32 $_scs_section_size  }
0x9a: {  	s4 =	simm.s32 $_size__tile_overlayer_lowered;
	s5 =	simm.s32 $_tile_overlayer_lowered  }
0x9b: {  	s22 =	simm.s32 $0x1BFF;
	s21 =	sshll.u32 s5, $0x1;
	s2 =	sadd.s32 s19, s18  }
0x9c: {  	s6 =	simm.s32 $0x0;
	s20 =	sshll.u32 s4, $0x1;
	s4 =	sadd.s32 s21, s2  }
0x9d: {  	[timem:s6], [sflag:s22] =	dma.local [hbm:s4], s20  }
0x9e: {  	_ =	swait.ge [sflag:s22], s20  }
0x9f: {  	s3 =	ssub.s32 $0x0, s20;
	[sflag:s22] =	ssyncset.done $0x0  }
0xa0: {  	[sflag:s22] =	ssyncadd.s32 s3;
	_ =	sdelay $0x1  }
0xa1: {  	s23 =	simm.s32 $0x1B8B  }
0xa2: {  	_ =	swait.ge [sflag:s23], $0x1  }
0xa3: {  	[sflag:s23] =	ssyncset.done $0x0  }
0xa4: {  	s25 =	simm.s32 $0x1B8E;
	s24 =	sld [smem:$0x3FFE];
	[sflag:s23] =	ssyncadd.s32 $0xFFFFFFFF  }
0xa5: {  	s26 =	simm.s32 $execute0_lowered;
	[smem:$0x3FD2] =	sst s25  }
0xa6: {  	s4 =	sshll.u32 s26, $0x1;
	_ =	strace $0x8000004C;
	[dreg:$0x1] =	wrdreg $0xFFFFFFFF  }
0xa7: {  	s28 =	simm.s32 $_size_execute0_lowered;
	s2 =	sadd.s32 s2, s4;
	[dreg:$0x0] =	wrdreg $0x0  }
0xa8: {  	s4 =	sshll.u32 s28, $0x1;
	[dreg:$0x2] =	wrdreg s2  }
0xa9: {  	[dreg:$0x3] =	wrdreg s4  }
0xaa: {  	[dreg:$0x4] =	wrdreg $0xC0  }
0xab: {  	_ =	task [dreg:s6], $0x5FFFF  }
0xac: {  	[dreg:$0x1] =	wrdreg $0xFFFFFFFF  }
0xad: {  	[dreg:$0x0] =	wrdreg $0x60  }
0xae: {  	[dreg:$0x2] =	wrdreg s24  }
0xaf: {  	[dreg:$0x3] =	wrdreg $0x0  }
0xb0: {  	[dreg:$0x4] =	wrdreg $0x9  }
0xb1: {  	_ =	task.clear_ibuf [dreg:s6], $0x5FFFF;
	_ =	strace $0x9000004C  }
0xb2: {  	s29 =	simm.s32 $0x9;
	_ =	strace $0x8000004E  }
0xb3: {  	_ =	swait.ge [sflag:s29], $0x1  }
0xb4: {  	[sflag:s29] =	ssyncadd.s32 $0xFFFFFFFF  }
0xb5: {  	_ =	strace $0x9000004E  }
0xb6: {  	_ =	sfence  }
0xb7: {  	s30 =	sld [smem:$0x0];
	_ =	sdelay $0x2  }
0xb8: {  	s31 =	sshll.u32 s1, $0xD;
	s1 =	sshrl.u32 s1, $0x2  }
0xb9: {  	s3 =	sand.u32 $0x4000, s31;
	s1 =	sadd.s32 s1, s30  }
0xba: {  	s0 =	sor.u32 s3, s0;
	s1 =	sshll.u32 s1, $0x11  }
0xbb: {  	s0 =	sor.u32 s1, s0  }
0xbc: {  	s0 =	sadd.s32 $0x8F2B, s0  }
0xbd: {  	[sflag:s0] =	ssyncadd.remote.s32 $0x1  }
0xbe: {  	_ =	sfence.sel $0xFFFF  }
0xbf: {  	[dreg:$0x0] =	wrdreg $0xFFFFFFFF;
	(pc) =	sbr.abs _section_cstart, $3  }
0xc0: {  	[dreg:$0x1] =	wrdreg $0xFFFFFFFF  }
0xc1: {  	_ =	task.clear_ibuf [dreg:s6], $0x2FFFF;
	_ =	strace $0x9FFFFFFF  }
0xc2: {  	(tm) =	ssettm $0x7FFFFFFF  }
0xc3: {  	_ =	shalt  }
tec
execute0_lowered:
.L_overlay_start_1:
0x0: {  	(tag) =	ssettag $0x1  }
0x1: {  	s1 =	srdreg.scid  }
0x2: {  	s0 =	stileid.u32;
	s6 =	rddreg [dreg:$0x0]  }
0x3: {  	s2 =	rddreg [dreg:$0x1];
	s3 =	simm.s32 $0x0;
	s14 =	simm.s32 $0x16400  }
0x4: {  	s15 =	simm.s32 $0x80;
	s16 =	simm.s32 $0x18C00;
	s17 =	simm.s32 $0x1  }
0x5: {  	s18 =	simm.s32 $0x0;
	s5 =	sand.u32 $0x1, s1;
	s8 =	smul.u32 $0x13C00, s0  }
0x6: {  	s25 =	sshll.u32 s0, $0x1;
	[smem:$0x7FF] =	sst s3;
	s28 =	smul.u32 $0x4F000, s0  }
0x7: {  	s4 =	sadd.s32 $0x2AA00, s6;
	s1 =	sor.u32 s5, s25;
	s9 =	smul.u32 $0x13C000, s5  }
0x8: {  	s31 =	sshll.u32 s0, $0x6;
	s5 =	ssub.s32 $0x2, s5;
	s7 =	smul.u32 $0x500, s1  }
0x9: {  	s1 =	rddreg [dreg:$0x2];
	_ =	strace $0x8000004D;
	s26 =	sshrl.u32 s8, $0x3  }
0xa: {  	s29 =	sshrl.u32 s5, $0x1;
	s30 =	sshrl.u32 s28, $0x2;
	s8 =	sadd.s32 s8, s9  }
0xb: {  	s12 =	ssub.s32 s5, s29;
	s13 =	sadd.s32 s30, s2;
	s8 =	sshrl.u32 s8, $0x3  }
0xc: {  	s10 =	sadd.s32 s7, s6;
	s7 =	sadd.s32 s26, s6;
	s11 =	sadd.s32 s8, s6  }
0xd: {  	s5 =	sadd.s32 $0x3200, s7;
	s6 =	sor.u32 $0x1C02, s31;
	s7 =	sadd.s32 $0x84C00, s10  }
0xe: {  	s8 =	sadd.s32 $0x7AC00, s10;
	s10 =	smax.u32 s12, $0x1;
	s12 =	simm.s32 $0x2  }
0xf: {  	s9 =	sadd.s32 $0x8EC00, s11;
	s11 =	sshrl.u32 s13, $0x3;
	s13 =	simm.s32 $0x13C00  }
.LBB2_1:
0x10: {  	[spmem:s11], [sflag:s6] =	dma.local [hbm:s5], $0x2780  }
0x11: {  	_ =	swait.ge [sflag:s12], $0x2780  }
0x12: {  	[sflag:s12] =	ssyncset.done $0x0  }
0x13: {  	[sflag:s12] =	ssyncadd.s32 $0xFFFFD880  }
0x14: {  	[tilespmem:s13], [sflag:$0x2] =	stream.linear.gather [hbm4b:s7+s3], $0x2780, $0x38;
	[tilespmem:$0x1CC00] =	vst v63  }
0x15: {  	_ =	swait.ge [sflag:s12], $0x2780  }
0x16: {  	[sflag:s12] =	ssyncset.done $0x0  }
0x17: {  	[sflag:s12] =	ssyncadd.s32 $0xFFFFD880  }
0x18: {  	[tilespmem:s14], [sflag:$0x2] =	stream.linear.gather [hbm4b:s8+s3], $0x2780, $0x38;
	[tilespmem:$0x1CC00] =	vst v63  }
0x19: {  	_ =	swait.ge [sflag:s12], $0x2780  }
0x1a: {  	[sflag:s12] =	ssyncset.done $0x0  }
0x1b: {  	[sflag:s12] =	ssyncadd.s32 $0xFFFFD880  }
0x1c: {  	s19 =	simm.s32 $0x13C00;
	[bflag:$0x0] =	sbarrier.arrive $0xFFFF  }
0x1d: {  	[tilespmem:s16], [sflag:$0x1] =	stream.indirect.gather [hbm4b:s4+s15], $0x80, s19, s15, $0xb8;
	[tilespmem:$0x1CC00] =	vst v63  }
0x1e: {  	_ =	swait.ge [sflag:s17], $0x4000  }
0x1f: {  	[sflag:s17] =	ssyncset.done $0x0  }
0x20: {  	s31 =	simm.s32 $0x16400;
	[sflag:s17] =	ssyncadd.s32 $0xFFFFC000  }
0x21: {  	[spmem:s2] =	stream.indirect.scatter.add.f32 [tilespmem:s16], [sflag:$0x2], $0x80, s31, s15, $0xb8;
	[tilespmem:$0x1CC00] =	vst v63  }
0x22: {  	_ =	swait.ge [sflag:s12], $0x4000  }
0x23: {  	s20 =	simm.s32 $0x400;
	s19 =	simm.s32 $0x80;
	[sflag:s12] =	ssyncset.done $0x0  }
.LBB2_2:
0x24: {  	s21 =	sadd.s32 $0x13C00, s19  }
0x25: {  	[sflag:s12] =	ssyncadd.s32 $0xFFFFC000;
	s22 =	smov.u32 s20;
	s23 =	sadd.s32 $0x200, s20  }
0x26: {  	[tilespmem:s16], [sflag:$0x1] =	stream.indirect.gather [hbm4b:s4+s15], $0x80, s21, s15, $0xb8;
	[tilespmem:$0x1CC00] =	vst v63  }
0x27: {  	p0 =	sne.s32 s20, $0x9C00;
	_ =	swait.ge [sflag:s17], $0x4000  }
.Ltmp0:
0x28: {  	[sflag:s17] =	ssyncset.done $0x0;
	(pc) =	sbr.rel @p0 .LBB2_2-.Ltmp0, $4  }
0x29: {  	s19 =	sadd.s32 $0x16400, s19;
	[sflag:s17] =	ssyncadd.s32 $0xFFFFC000  }
0x2a: {  	[spmem:s2] =	stream.indirect.scatter.add.f32 [tilespmem:s16], [sflag:$0x2], $0x80, s19, s15, $0xb8;
	[tilespmem:$0x1CC00] =	vst v63  }
0x2b: {  	_ =	swait.ge [sflag:s12], $0x4000  }
0x2c: {  	s20 =	smov.u32 s23;
	s19 =	sshra.s32 s22, $0x2;
	[sflag:s12] =	ssyncset.done $0x0  }
0x2d: {  	s20 =	sadd.s32 $0x13C00, s19;
	[sflag:s12] =	ssyncadd.s32 $0xFFFFC000  }
0x2e: {  	[tilespmem:s16], [sflag:$0x1] =	stream.indirect.gather [hbm4b:s4+s15], $0x80, s20, s15, $0xb8;
	[tilespmem:$0x1CC00] =	vst v63  }
0x2f: {  	_ =	swait.ge [sflag:s17], $0x4000  }
0x30: {  	[sflag:s17] =	ssyncset.done $0x0  }
0x31: {  	s31 =	sadd.s32 $0x16400, s19;
	[sflag:s17] =	ssyncadd.s32 $0xFFFFC000  }
0x32: {  	[spmem:s2] =	stream.indirect.scatter.add.f32 [tilespmem:s16], [sflag:$0x2], $0x80, s31, s15, $0xb8;
	[tilespmem:$0x1CC00] =	vst v63  }
0x33: {  	_ =	swait.ge [sflag:s12], $0x4000  }
0x34: {  	s18 =	sadd.s32 $0x1, s18;
	[sflag:s12] =	ssyncset.done $0x0  }
0x35: {  	p0 =	sne.s32 s18, s10;
	[sflag:s12] =	ssyncadd.s32 $0xFFFFC000  }
.Ltmp1:
0x36: {  	[bflag:$0x0] =	sbarrier.arrive $0xFFFF;
	(pc) =	sbr.rel @p0 .LBB2_1-.Ltmp1, $4  }
0x37: {  	[hbm:s9], [sflag:s6] =	dma.local [spmem:s11], $0x2780  }
0x38: {  	_ =	swait.ge [sflag:s12], $0x2780  }
0x39: {  	[sflag:s12] =	ssyncset.done $0x0  }
0x3a: {  	[sflag:s12] =	ssyncadd.s32 $0xFFFFD880  }
0x3b: {  	_ =	sfence.sel $0x180000  }
0x3c: {  	[bflag:$0x0] =	sbarrier.arrive $0xFFFF  }
0x3d: {  	p0 =	sne.s32 s0, $0x0;
	_ =	strace $0x9000004D  }
0x3e: {  	s0 =	sadd.s32 @!p0 $0x100000, s1;
	[bflag:$0x2] =	sbarrier.arrive $0xFFFF  }
0x3f: {  	[sflag:s0] =	ssyncadd.tile.s32 @!p0 $0x1;
	_ =	shalt  }
.Lfunc_end2:
_tile_overlayer_lowered:
.L_overlay_start_2:
0x40: {  	(tag) =	ssettag $0x2  }
0x41: {  	s0 =	rddreg [dreg:$0x0];
	s2 =	stileid.u32  }
0x42: {  	s1 =	rddreg [dreg:$0x1];
	p0 =	sne.s32 s2, $0x0  }
0x43: {  	s3 =	rddreg [dreg:$0x2];
	[bflag:$0x3] =	sbarrier.arrive $0xFFFF;
	s2 =	simm.s32 @!p0 $0x1C02  }
0x44: {  	[timem:s3], [sflag:s2] =	dma.local @!p0 [hbm:s0], s1  }
0x45: {  	s0 =	simm.s32 @!p0 $0x2  }
0x46: {  	_ =	swait.ge @!p0 [sflag:s0], s1  }
0x47: {  	s1 =	ssub.s32 @!p0 $0x0, s1;
	[sflag:s0] =	ssyncset.done @!p0 $0x0  }
0x48: {  	[sflag:s0] =	ssyncadd.s32 @!p0 s1  }
0x49: {  	[bflag:$0x3] =	sbarrier.arrive $0xFFFF  }
0x4a: {  	_ =	shalt  }

// kernel: kernel.23.cloned.1.call-start
scs
__scs_entry_jumppad:
0x0: {  	(pc) =	sbr.rel $0x88, $3  }
0x1: {  	(tag) =	ssettag $0x0;
	lr =	simm.s32 $0x1  }
0x2: {  	[smem:$0x3F98] =	sst lr;
	_ =	strace $0xD0000000  }
0x3: {  	_ = 	snop  }
0x4: {  	_ = 	snop  }
0x5: {  	_ = 	snop  }
0x6: {  	_ = 	snop  }
0x7: {  	_ = 	snop  }
__scs_overlays_trampoline_lowered:
0x8: {  	[smem:$0x3FA7] =	sst s0  }
0x9: {  	[smem:$0x3FA8] =	sst s1  }
0xa: {  	[smem:$0x3FA9] =	sst s2  }
0xb: {  	[smem:$0x3FAA] =	sst s3  }
0xc: {  	[smem:$0x3FAB] =	sst s4  }
0xd: {  	[smem:$0x3FAC] =	sst s5  }
0xe: {  	[smem:$0x3FAD] =	sst s6  }
0xf: {  	[smem:$0x3FAE] =	sst s7  }
0x10: {  	[smem:$0x3FAF] =	sst s8  }
0x11: {  	[smem:$0x3FB0] =	sst s9;
	s0 =	simm.s32 @!p0 $0x0  }
0x12: {  	s1 =	sld [smem:$0x3F96];
	s0 =	simm.s32 @p0 $0x1  }
0x13: {  	[smem:$0x3FB1] =	sst s0;
	s0 =	simm.s32 @!p1 $0x0  }
0x14: {  	s2 =	sld [smem:$0x3F95];
	s0 =	simm.s32 @p1 $0x1  }
0x15: {  	[smem:$0x3FB2] =	sst s0;
	s0 =	simm.s32 @!p2 $0x0  }
0x16: {  	s3 =	sld [smem:$0x3FDB];
	s0 =	simm.s32 @p2 $0x1  }
0x17: {  	s4 =	simm.s32 $0x1BF5;
	[smem:$0x3FB4] =	sst s0  }
0x18: {  	s0 =	sld [smem:$0x3F97];
	_ =	swait.ge [sflag:s4], $0x0  }
0x19: {  	s7 =	sld [smem:$0x3F98]  }
0x1a: {  	s8 =	sadd.s32 $0xFFFFE003, lr  }
0x1b: {  	s9 =	sadd.s32 $0xFFFFFEF7, lr;
	s5 =	simm.s32 $0xFFFFFFFF;
	p2 =	slt.u32 s8, $0xFFFFF086  }
0x1c: {  	p1 =	slt.u32 s9, $0xF7A;
	s5 =	simm.s32 @!p2 $0x0  }
0x1d: {  	s5 =	simm.s32 @p1 $0x1;
	p0 =	seq.s32 s7, s2  }
0x1e: {  	s7 =	smul.u32 @!p0 $0xF7A, s2;
	p2 =	seq.s32 @!p0 s5, $0x0  }
0x1f: {  	s9 =	smul.u32 $0xF7A, s1;
	s8 =	simm.s32 @!p0 $0x1BF5;
	p2 =	por !p2, p0  }
0x20: {  	[sflag:s8] =	ssyncset.s32 @!p0 $0xFFFFF086;
	s6 =	sadd.s32 @!p0 s3, s7;
	s7 =	simm.s32 @!p0 $0x108  }
0x21: {  	s3 =	sadd.s32 s3, s9;
	s6 =	sadd.s32 @!p0 $0x88, s6;
	s7 =	simm.s32 @p2 $0x1082  }
0x22: {  	[simem:s7], [sflag:s8] =	dma.local @!p0 [hbm:s6], $0xF7A  }
0x23: {  	s9 =	sor.u32 $0xD0000000, s2;
	s6 =	simm.s32 $0x108;
	_ =	swait.ge @!p0 [sflag:s8], $0x0  }
0x24: {  	s3 =	sadd.s32 $0x88, s3;
	s6 =	simm.s32 @!p1 $0x1082;
	[sflag:s4] =	ssyncset.s32 $0xFFFFF086  }
0x25: {  	[simem:s6], [sflag:s4] =	dma.local [hbm:s3], $0xF7A  }
0x26: {  	[smem:$0x3F98] =	sst s1;
	(tag) =	ssettag s2;
	_ =	strace s9  }
0x27: {  	s1 =	sld [smem:$0x3FA8]  }
0x28: {  	s2 =	sld [smem:$0x3FA9]  }
0x29: {  	s4 =	sld [smem:$0x3FAB]  }
0x2a: {  	p0 =	seq.s32 s5, $0x0;
	s5 =	sld [smem:$0x3FAC]  }
0x2b: {  	s6 =	sld [smem:$0x3FAD]  }
0x2c: {  	s7 =	sld [smem:$0x3FAE]  }
0x2d: {  	s3 =	simm.s32 $0x108;
	s8 =	sld [smem:$0x3FAF]  }
0x2e: {  	s3 =	simm.s32 @!p0 $0x1082;
	s9 =	sld [smem:$0x3FB0]  }
0x2f: {  	lr =	sadd.s32 s0, s3;
	s0 =	sld [smem:$0x3FA7]  }
0x30: {  	s3 =	sld [smem:$0x3FAA]  }
0x31: {  	[smem:$0x3FB3] =	sst s10  }
0x32: {  	s10 =	sld [smem:$0x3FB1];
	_ =	sdelay $0x3  }
0x33: {  	p0 =	seq.s32 s10, $0x1;
	s10 =	sld [smem:$0x3FB3];
	_ =	sdelay $0x3  }
0x34: {  	[smem:$0x3FB3] =	sst s10  }
0x35: {  	s10 =	sld [smem:$0x3FB2];
	_ =	sdelay $0x3  }
0x36: {  	p1 =	seq.s32 s10, $0x1;
	s10 =	sld [smem:$0x3FB3];
	_ =	sdelay $0x3  }
0x37: {  	[smem:$0x3FB3] =	sst s10  }
0x38: {  	s10 =	sld [smem:$0x3FB4]  }
0x39: {  	_ = 	snop;
	(pc) =	sbr.ind lr, $3  }
0x3a: {  	_ = 	snop  }
0x3b: {  	_ = 	snop  }
0x3c: {  	p2 =	seq.s32 s10, $0x1;
	s10 =	sld [smem:$0x3FB3]  }
0x3d: {  	_ =	shalt  }
0x3e: {  	_ =	shalt  }
0x3f: {  	_ =	shalt  }
0x40: {  	_ =	shalt  }
0x41: {  	_ =	shalt  }
0x42: {  	_ =	shalt  }
0x43: {  	_ =	shalt  }
0x44: {  	_ =	shalt  }
0x45: {  	_ =	shalt  }
0x46: {  	_ =	shalt  }
0x47: {  	_ =	shalt  }
0x48: {  	_ =	shalt  }
0x49: {  	_ =	shalt  }
0x4a: {  	_ =	shalt  }
0x4b: {  	_ =	shalt  }
0x4c: {  	_ =	shalt  }
0x4d: {  	_ =	shalt  }
0x4e: {  	_ =	shalt  }
0x4f: {  	_ =	shalt  }
0x50: {  	_ =	shalt  }
0x51: {  	_ =	shalt  }
0x52: {  	_ =	shalt  }
0x53: {  	_ =	shalt  }
0x54: {  	_ =	shalt  }
0x55: {  	_ =	shalt  }
0x56: {  	_ =	shalt  }
0x57: {  	_ =	shalt  }
0x58: {  	_ =	shalt  }
0x59: {  	_ =	shalt  }
0x5a: {  	_ =	shalt  }
0x5b: {  	_ =	shalt  }
0x5c: {  	_ =	shalt  }
0x5d: {  	_ =	shalt  }
0x5e: {  	_ =	shalt  }
0x5f: {  	_ =	shalt  }
0x60: {  	_ =	shalt  }
0x61: {  	_ =	shalt  }
0x62: {  	_ =	shalt  }
0x63: {  	_ =	shalt  }
0x64: {  	_ =	shalt  }
0x65: {  	_ =	shalt  }
0x66: {  	_ =	shalt  }
0x67: {  	_ =	shalt  }
0x68: {  	_ =	shalt  }
0x69: {  	_ =	shalt  }
0x6a: {  	_ =	shalt  }
0x6b: {  	_ =	shalt  }
0x6c: {  	_ =	shalt  }
0x6d: {  	_ =	shalt  }
0x6e: {  	_ =	shalt  }
0x6f: {  	_ =	shalt  }
0x70: {  	_ =	shalt  }
0x71: {  	_ =	shalt  }
0x72: {  	_ =	shalt  }
0x73: {  	_ =	shalt  }
0x74: {  	_ =	shalt  }
0x75: {  	_ =	shalt  }
0x76: {  	_ =	shalt  }
0x77: {  	_ =	shalt  }
0x78: {  	_ =	shalt  }
0x79: {  	_ =	shalt  }
0x7a: {  	_ =	shalt  }
0x7b: {  	_ =	shalt  }
0x7c: {  	_ =	shalt  }
0x7d: {  	_ =	shalt  }
0x7e: {  	_ =	shalt  }
0x7f: {  	_ =	shalt  }
0x80: {  	_ =	shalt  }
0x81: {  	_ =	shalt  }
0x82: {  	_ =	shalt  }
0x83: {  	_ =	shalt  }
0x84: {  	_ =	shalt  }
0x85: {  	_ =	shalt  }
0x86: {  	_ =	shalt  }
0x87: {  	_ =	shalt  }
.Lfunc_end0:
.L_simem_size_0:
called_computation.3_lowered:
.L_overlay_start_0:
0x88: {  	s2 =	sld [smem:$0x3FD9]  }
0x89: {  	s3 =	sld [smem:$0x3FFE];
	_ =	sdelay $0x1  }
0x8a: {  	s1 =	srdreg.scid  }
0x8b: {  	s0 =	sand.u32 $0x1, s1  }
0x8c: {  	s16 =	sshll.u32 s0, $0xA;
	s2 =	sadd.s32 s3, s2  }
0x8d: {  	s2 =	sadd.s32 s2, s16  }
0x8e: {  	[smem:$0x3FBF] =	sst s2  }
0x8f: {  	_ = 	snop  }
0x90: {  	(tm) =	ssettm $0x1  }
0x91: {  	s17 =	sld [smem:$0x3FFB];
	_ =	sdelay $0x3  }
0x92: {  	_ =	strace s17  }
0x93: {  	s2 =	sld [smem:$0x3FFC];
	_ =	sdelay $0x3  }
0x94: {  	_ =	strace s2  }
0x95: {  	s2 =	sld [smem:$0x3FFD];
	_ =	sdelay $0x3  }
0x96: {  	_ =	strace s2  }
0x97: {  	_ =	strace $0x8FFFFFFF  }
0x98: {  	s18 =	sld [smem:$0x3FDB];
	_ =	sdelay $0x1  }
0x99: {  	s19 =	simm.s32 $_scs_section_size  }
0x9a: {  	s4 =	simm.s32 $_size__tile_overlayer_lowered;
	s5 =	simm.s32 $_tile_overlayer_lowered  }
0x9b: {  	s22 =	simm.s32 $0x1BFF;
	s21 =	sshll.u32 s5, $0x1;
	s2 =	sadd.s32 s19, s18  }
0x9c: {  	s6 =	simm.s32 $0x0;
	s20 =	sshll.u32 s4, $0x1;
	s4 =	sadd.s32 s21, s2  }
0x9d: {  	[timem:s6], [sflag:s22] =	dma.local [hbm:s4], s20  }
0x9e: {  	_ =	swait.ge [sflag:s22], s20  }
0x9f: {  	s3 =	ssub.s32 $0x0, s20;
	[sflag:s22] =	ssyncset.done $0x0  }
0xa0: {  	[sflag:s22] =	ssyncadd.s32 s3;
	_ =	sdelay $0x1  }
0xa1: {  	s23 =	simm.s32 $0x1B8B  }
0xa2: {  	_ =	swait.ge [sflag:s23], $0x1  }
0xa3: {  	[sflag:s23] =	ssyncset.done $0x0  }
0xa4: {  	s25 =	simm.s32 $0x1B8E;
	s24 =	sld [smem:$0x3FFE];
	[sflag:s23] =	ssyncadd.s32 $0xFFFFFFFF  }
0xa5: {  	s26 =	simm.s32 $execute0_lowered;
	[smem:$0x3FD2] =	sst s25  }
0xa6: {  	s4 =	sshll.u32 s26, $0x1;
	_ =	strace $0x8000004F;
	[dreg:$0x1] =	wrdreg $0xFFFFFFFF  }
0xa7: {  	s28 =	simm.s32 $_size_execute0_lowered;
	s2 =	sadd.s32 s2, s4;
	[dreg:$0x0] =	wrdreg $0x0  }
0xa8: {  	s4 =	sshll.u32 s28, $0x1;
	[dreg:$0x2] =	wrdreg s2  }
0xa9: {  	[dreg:$0x3] =	wrdreg s4  }
0xaa: {  	[dreg:$0x4] =	wrdreg $0xC0  }
0xab: {  	_ =	task [dreg:s6], $0x5FFFF  }
0xac: {  	[dreg:$0x1] =	wrdreg $0xFFFFFFFF  }
0xad: {  	[dreg:$0x0] =	wrdreg $0x60  }
0xae: {  	[dreg:$0x2] =	wrdreg s24  }
0xaf: {  	[dreg:$0x3] =	wrdreg $0x0  }
0xb0: {  	[dreg:$0x4] =	wrdreg $0x9  }
0xb1: {  	_ =	task.clear_ibuf [dreg:s6], $0x5FFFF;
	_ =	strace $0x9000004F  }
0xb2: {  	s29 =	simm.s32 $0x9;
	_ =	strace $0x80000051  }
0xb3: {  	_ =	swait.ge [sflag:s29], $0x1  }
0xb4: {  	[sflag:s29] =	ssyncadd.s32 $0xFFFFFFFF  }
0xb5: {  	_ =	strace $0x90000051  }
0xb6: {  	_ =	sfence  }
0xb7: {  	s30 =	sld [smem:$0x0];
	_ =	sdelay $0x2  }
0xb8: {  	s31 =	sshll.u32 s1, $0xD;
	s1 =	sshrl.u32 s1, $0x2  }
0xb9: {  	s3 =	sand.u32 $0x4000, s31;
	s1 =	sadd.s32 s1, s30  }
0xba: {  	s0 =	sor.u32 s3, s0;
	s1 =	sshll.u32 s1, $0x11  }
0xbb: {  	s0 =	sor.u32 s1, s0  }
0xbc: {  	s0 =	sadd.s32 $0x8F2B, s0  }
0xbd: {  	[sflag:s0] =	ssyncadd.remote.s32 $0x1  }
0xbe: {  	_ =	sfence.sel $0xFFFF  }
0xbf: {  	[dreg:$0x0] =	wrdreg $0xFFFFFFFF;
	(pc) =	sbr.abs _section_cstart, $3  }
0xc0: {  	[dreg:$0x1] =	wrdreg $0xFFFFFFFF  }
0xc1: {  	_ =	task.clear_ibuf [dreg:s6], $0x2FFFF;
	_ =	strace $0x9FFFFFFF  }
0xc2: {  	(tm) =	ssettm $0x7FFFFFFF  }
0xc3: {  	_ =	shalt  }
tec
execute0_lowered:
.L_overlay_start_1:
0x0: {  	(tag) =	ssettag $0x1  }
0x1: {  	s1 =	srdreg.scid  }
0x2: {  	s0 =	stileid.u32;
	s6 =	rddreg [dreg:$0x0]  }
0x3: {  	s2 =	rddreg [dreg:$0x1];
	s3 =	simm.s32 $0x0;
	s14 =	simm.s32 $0x16400  }
0x4: {  	s15 =	simm.s32 $0x80;
	s16 =	simm.s32 $0x18C00;
	s17 =	simm.s32 $0x1  }
0x5: {  	s18 =	simm.s32 $0x0;
	s5 =	sand.u32 $0x1, s1;
	s8 =	smul.u32 $0x13C00, s0  }
0x6: {  	s25 =	sshll.u32 s0, $0x1;
	[smem:$0x7FF] =	sst s3;
	s28 =	smul.u32 $0x4F000, s0  }
0x7: {  	s4 =	sadd.s32 $0x2AA00, s6;
	s1 =	sor.u32 s5, s25;
	s9 =	smul.u32 $0x13C000, s5  }
0x8: {  	s31 =	sshll.u32 s0, $0x6;
	s5 =	ssub.s32 $0x2, s5;
	s7 =	smul.u32 $0x500, s1  }
0x9: {  	s1 =	rddreg [dreg:$0x2];
	_ =	strace $0x80000050;
	s26 =	sshrl.u32 s8, $0x3  }
0xa: {  	s29 =	sshrl.u32 s5, $0x1;
	s30 =	sshrl.u32 s28, $0x2;
	s8 =	sadd.s32 s8, s9  }
0xb: {  	s12 =	ssub.s32 s5, s29;
	s13 =	sadd.s32 s30, s2;
	s8 =	sshrl.u32 s8, $0x3  }
0xc: {  	s10 =	sadd.s32 s7, s6;
	s7 =	sadd.s32 s26, s6;
	s11 =	sadd.s32 s8, s6  }
0xd: {  	s5 =	sadd.s32 $0x3200, s7;
	s6 =	sor.u32 $0x1C02, s31;
	s7 =	sadd.s32 $0x84C00, s10  }
0xe: {  	s8 =	sadd.s32 $0x7AC00, s10;
	s10 =	smax.u32 s12, $0x1;
	s12 =	simm.s32 $0x2  }
0xf: {  	s9 =	sadd.s32 $0x8EC00, s11;
	s11 =	sshrl.u32 s13, $0x3;
	s13 =	simm.s32 $0x13C00  }
.LBB2_1:
0x10: {  	[spmem:s11], [sflag:s6] =	dma.local [hbm:s5], $0x2780  }
0x11: {  	_ =	swait.ge [sflag:s12], $0x2780  }
0x12: {  	[sflag:s12] =	ssyncset.done $0x0  }
0x13: {  	[sflag:s12] =	ssyncadd.s32 $0xFFFFD880  }
0x14: {  	[tilespmem:s13], [sflag:$0x2] =	stream.linear.gather [hbm4b:s7+s3], $0x2780, $0x38;
	[tilespmem:$0x1CC00] =	vst v63  }
0x15: {  	_ =	swait.ge [sflag:s12], $0x2780  }
0x16: {  	[sflag:s12] =	ssyncset.done $0x0  }
0x17: {  	[sflag:s12] =	ssyncadd.s32 $0xFFFFD880  }
0x18: {  	[tilespmem:s14], [sflag:$0x2] =	stream.linear.gather [hbm4b:s8+s3], $0x2780, $0x38;
	[tilespmem:$0x1CC00] =	vst v63  }
0x19: {  	_ =	swait.ge [sflag:s12], $0x2780  }
0x1a: {  	[sflag:s12] =	ssyncset.done $0x0  }
0x1b: {  	[sflag:s12] =	ssyncadd.s32 $0xFFFFD880  }
0x1c: {  	s19 =	simm.s32 $0x13C00;
	[bflag:$0x0] =	sbarrier.arrive $0xFFFF  }
0x1d: {  	[tilespmem:s16], [sflag:$0x1] =	stream.indirect.gather [hbm4b:s4+s15], $0x80, s19, s15, $0xb8;
	[tilespmem:$0x1CC00] =	vst v63  }
0x1e: {  	_ =	swait.ge [sflag:s17], $0x4000  }
0x1f: {  	[sflag:s17] =	ssyncset.done $0x0  }
0x20: {  	s31 =	simm.s32 $0x16400;
	[sflag:s17] =	ssyncadd.s32 $0xFFFFC000  }
0x21: {  	[spmem:s2] =	stream.indirect.scatter.add.f32 [tilespmem:s16], [sflag:$0x2], $0x80, s31, s15, $0xb8;
	[tilespmem:$0x1CC00] =	vst v63  }
0x22: {  	_ =	swait.ge [sflag:s12], $0x4000  }
0x23: {  	s20 =	simm.s32 $0x400;
	s19 =	simm.s32 $0x80;
	[sflag:s12] =	ssyncset.done $0x0  }
.LBB2_2:
0x24: {  	s21 =	sadd.s32 $0x13C00, s19  }
0x25: {  	[sflag:s12] =	ssyncadd.s32 $0xFFFFC000;
	s22 =	smov.u32 s20;
	s23 =	sadd.s32 $0x200, s20  }
0x26: {  	[tilespmem:s16], [sflag:$0x1] =	stream.indirect.gather [hbm4b:s4+s15], $0x80, s21, s15, $0xb8;
	[tilespmem:$0x1CC00] =	vst v63  }
0x27: {  	p0 =	sne.s32 s20, $0x9C00;
	_ =	swait.ge [sflag:s17], $0x4000  }
.Ltmp0:
0x28: {  	[sflag:s17] =	ssyncset.done $0x0;
	(pc) =	sbr.rel @p0 .LBB2_2-.Ltmp0, $4  }
0x29: {  	s19 =	sadd.s32 $0x16400, s19;
	[sflag:s17] =	ssyncadd.s32 $0xFFFFC000  }
0x2a: {  	[spmem:s2] =	stream.indirect.scatter.add.f32 [tilespmem:s16], [sflag:$0x2], $0x80, s19, s15, $0xb8;
	[tilespmem:$0x1CC00] =	vst v63  }
0x2b: {  	_ =	swait.ge [sflag:s12], $0x4000  }
0x2c: {  	s20 =	smov.u32 s23;
	s19 =	sshra.s32 s22, $0x2;
	[sflag:s12] =	ssyncset.done $0x0  }
0x2d: {  	s20 =	sadd.s32 $0x13C00, s19;
	[sflag:s12] =	ssyncadd.s32 $0xFFFFC000  }
0x2e: {  	[tilespmem:s16], [sflag:$0x1] =	stream.indirect.gather [hbm4b:s4+s15], $0x80, s20, s15, $0xb8;
	[tilespmem:$0x1CC00] =	vst v63  }
0x2f: {  	_ =	swait.ge [sflag:s17], $0x4000  }
0x30: {  	[sflag:s17] =	ssyncset.done $0x0  }
0x31: {  	s31 =	sadd.s32 $0x16400, s19;
	[sflag:s17] =	ssyncadd.s32 $0xFFFFC000  }
0x32: {  	[spmem:s2] =	stream.indirect.scatter.add.f32 [tilespmem:s16], [sflag:$0x2], $0x80, s31, s15, $0xb8;
	[tilespmem:$0x1CC00] =	vst v63  }
0x33: {  	_ =	swait.ge [sflag:s12], $0x4000  }
0x34: {  	s18 =	sadd.s32 $0x1, s18;
	[sflag:s12] =	ssyncset.done $0x0  }
0x35: {  	p0 =	sne.s32 s18, s10;
	[sflag:s12] =	ssyncadd.s32 $0xFFFFC000  }
.Ltmp1:
0x36: {  	[bflag:$0x0] =	sbarrier.arrive $0xFFFF;
	(pc) =	sbr.rel @p0 .LBB2_1-.Ltmp1, $4  }
0x37: {  	[hbm:s9], [sflag:s6] =	dma.local [spmem:s11], $0x2780  }
0x38: {  	_ =	swait.ge [sflag:s12], $0x2780  }
0x39: {  	[sflag:s12] =	ssyncset.done $0x0  }
0x3a: {  	[sflag:s12] =	ssyncadd.s32 $0xFFFFD880  }
0x3b: {  	_ =	sfence.sel $0x180000  }
0x3c: {  	[bflag:$0x0] =	sbarrier.arrive $0xFFFF  }
0x3d: {  	p0 =	sne.s32 s0, $0x0;
	_ =	strace $0x90000050  }
0x3e: {  	s0 =	sadd.s32 @!p0 $0x100000, s1;
	[bflag:$0x2] =	sbarrier.arrive $0xFFFF  }
0x3f: {  	[sflag:s0] =	ssyncadd.tile.s32 @!p0 $0x1;
	_ =	shalt  }
.Lfunc_end2:
_tile_overlayer_lowered:
.L_overlay_start_2:
0x40: {  	(tag) =	ssettag $0x2  }
0x41: {  	s0 =	rddreg [dreg:$0x0];
	s2 =	stileid.u32  }
0x42: {  	s1 =	rddreg [dreg:$0x1];
	p0 =	sne.s32 s2, $0x0  }
0x43: {  	s3 =	rddreg [dreg:$0x2];
	[bflag:$0x3] =	sbarrier.arrive $0xFFFF;
	s2 =	simm.s32 @!p0 $0x1C02  }
0x44: {  	[timem:s3], [sflag:s2] =	dma.local @!p0 [hbm:s0], s1  }
0x45: {  	s0 =	simm.s32 @!p0 $0x2  }
0x46: {  	_ =	swait.ge @!p0 [sflag:s0], s1  }
0x47: {  	s1 =	ssub.s32 @!p0 $0x0, s1;
	[sflag:s0] =	ssyncset.done @!p0 $0x0  }
0x48: {  	[sflag:s0] =	ssyncadd.s32 @!p0 s1  }
0x49: {  	[bflag:$0x3] =	sbarrier.arrive $0xFFFF  }
0x4a: {  	_ =	shalt  }

// kernel: kernel.26.cloned.1.call-start
scs
__scs_entry_jumppad:
0x0: {  	(pc) =	sbr.rel $0x88, $3  }
0x1: {  	(tag) =	ssettag $0x0;
	lr =	simm.s32 $0x1  }
0x2: {  	[smem:$0x3F98] =	sst lr;
	_ =	strace $0xD0000000  }
0x3: {  	_ = 	snop  }
0x4: {  	_ = 	snop  }
0x5: {  	_ = 	snop  }
0x6: {  	_ = 	snop  }
0x7: {  	_ = 	snop  }
__scs_overlays_trampoline_lowered:
0x8: {  	[smem:$0x3FA7] =	sst s0  }
0x9: {  	[smem:$0x3FA8] =	sst s1  }
0xa: {  	[smem:$0x3FA9] =	sst s2  }
0xb: {  	[smem:$0x3FAA] =	sst s3  }
0xc: {  	[smem:$0x3FAB] =	sst s4  }
0xd: {  	[smem:$0x3FAC] =	sst s5  }
0xe: {  	[smem:$0x3FAD] =	sst s6  }
0xf: {  	[smem:$0x3FAE] =	sst s7  }
0x10: {  	[smem:$0x3FAF] =	sst s8  }
0x11: {  	[smem:$0x3FB0] =	sst s9;
	s0 =	simm.s32 @!p0 $0x0  }
0x12: {  	s1 =	sld [smem:$0x3F96];
	s0 =	simm.s32 @p0 $0x1  }
0x13: {  	[smem:$0x3FB1] =	sst s0;
	s0 =	simm.s32 @!p1 $0x0  }
0x14: {  	s2 =	sld [smem:$0x3F95];
	s0 =	simm.s32 @p1 $0x1  }
0x15: {  	[smem:$0x3FB2] =	sst s0;
	s0 =	simm.s32 @!p2 $0x0  }
0x16: {  	s3 =	sld [smem:$0x3FDB];
	s0 =	simm.s32 @p2 $0x1  }
0x17: {  	s4 =	simm.s32 $0x1BF5;
	[smem:$0x3FB4] =	sst s0  }
0x18: {  	s0 =	sld [smem:$0x3F97];
	_ =	swait.ge [sflag:s4], $0x0  }
0x19: {  	s7 =	sld [smem:$0x3F98]  }
0x1a: {  	s8 =	sadd.s32 $0xFFFFE003, lr  }
0x1b: {  	s9 =	sadd.s32 $0xFFFFFEF7, lr;
	s5 =	simm.s32 $0xFFFFFFFF;
	p2 =	slt.u32 s8, $0xFFFFF086  }
0x1c: {  	p1 =	slt.u32 s9, $0xF7A;
	s5 =	simm.s32 @!p2 $0x0  }
0x1d: {  	s5 =	simm.s32 @p1 $0x1;
	p0 =	seq.s32 s7, s2  }
0x1e: {  	s7 =	smul.u32 @!p0 $0xF7A, s2;
	p2 =	seq.s32 @!p0 s5, $0x0  }
0x1f: {  	s9 =	smul.u32 $0xF7A, s1;
	s8 =	simm.s32 @!p0 $0x1BF5;
	p2 =	por !p2, p0  }
0x20: {  	[sflag:s8] =	ssyncset.s32 @!p0 $0xFFFFF086;
	s6 =	sadd.s32 @!p0 s3, s7;
	s7 =	simm.s32 @!p0 $0x108  }
0x21: {  	s3 =	sadd.s32 s3, s9;
	s6 =	sadd.s32 @!p0 $0x88, s6;
	s7 =	simm.s32 @p2 $0x1082  }
0x22: {  	[simem:s7], [sflag:s8] =	dma.local @!p0 [hbm:s6], $0xF7A  }
0x23: {  	s9 =	sor.u32 $0xD0000000, s2;
	s6 =	simm.s32 $0x108;
	_ =	swait.ge @!p0 [sflag:s8], $0x0  }
0x24: {  	s3 =	sadd.s32 $0x88, s3;
	s6 =	simm.s32 @!p1 $0x1082;
	[sflag:s4] =	ssyncset.s32 $0xFFFFF086  }
0x25: {  	[simem:s6], [sflag:s4] =	dma.local [hbm:s3], $0xF7A  }
0x26: {  	[smem:$0x3F98] =	sst s1;
	(tag) =	ssettag s2;
	_ =	strace s9  }
0x27: {  	s1 =	sld [smem:$0x3FA8]  }
0x28: {  	s2 =	sld [smem:$0x3FA9]  }
0x29: {  	s4 =	sld [smem:$0x3FAB]  }
0x2a: {  	p0 =	seq.s32 s5, $0x0;
	s5 =	sld [smem:$0x3FAC]  }
0x2b: {  	s6 =	sld [smem:$0x3FAD]  }
0x2c: {  	s7 =	sld [smem:$0x3FAE]  }
0x2d: {  	s3 =	simm.s32 $0x108;
	s8 =	sld [smem:$0x3FAF]  }
0x2e: {  	s3 =	simm.s32 @!p0 $0x1082;
	s9 =	sld [smem:$0x3FB0]  }
0x2f: {  	lr =	sadd.s32 s0, s3;
	s0 =	sld [smem:$0x3FA7]  }
0x30: {  	s3 =	sld [smem:$0x3FAA]  }
0x31: {  	[smem:$0x3FB3] =	sst s10  }
0x32: {  	s10 =	sld [smem:$0x3FB1];
	_ =	sdelay $0x3  }
0x33: {  	p0 =	seq.s32 s10, $0x1;
	s10 =	sld [smem:$0x3FB3];
	_ =	sdelay $0x3  }
0x34: {  	[smem:$0x3FB3] =	sst s10  }
0x35: {  	s10 =	sld [smem:$0x3FB2];
	_ =	sdelay $0x3  }
0x36: {  	p1 =	seq.s32 s10, $0x1;
	s10 =	sld [smem:$0x3FB3];
	_ =	sdelay $0x3  }
0x37: {  	[smem:$0x3FB3] =	sst s10  }
0x38: {  	s10 =	sld [smem:$0x3FB4]  }
0x39: {  	_ = 	snop;
	(pc) =	sbr.ind lr, $3  }
0x3a: {  	_ = 	snop  }
0x3b: {  	_ = 	snop  }
0x3c: {  	p2 =	seq.s32 s10, $0x1;
	s10 =	sld [smem:$0x3FB3]  }
0x3d: {  	_ =	shalt  }
0x3e: {  	_ =	shalt  }
0x3f: {  	_ =	shalt  }
0x40: {  	_ =	shalt  }
0x41: {  	_ =	shalt  }
0x42: {  	_ =	shalt  }
0x43: {  	_ =	shalt  }
0x44: {  	_ =	shalt  }
0x45: {  	_ =	shalt  }
0x46: {  	_ =	shalt  }
0x47: {  	_ =	shalt  }
0x48: {  	_ =	shalt  }
0x49: {  	_ =	shalt  }
0x4a: {  	_ =	shalt  }
0x4b: {  	_ =	shalt  }
0x4c: {  	_ =	shalt  }
0x4d: {  	_ =	shalt  }
0x4e: {  	_ =	shalt  }
0x4f: {  	_ =	shalt  }
0x50: {  	_ =	shalt  }
0x51: {  	_ =	shalt  }
0x52: {  	_ =	shalt  }
0x53: {  	_ =	shalt  }
0x54: {  	_ =	shalt  }
0x55: {  	_ =	shalt  }
0x56: {  	_ =	shalt  }
0x57: {  	_ =	shalt  }
0x58: {  	_ =	shalt  }
0x59: {  	_ =	shalt  }
0x5a: {  	_ =	shalt  }
0x5b: {  	_ =	shalt  }
0x5c: {  	_ =	shalt  }
0x5d: {  	_ =	shalt  }
0x5e: {  	_ =	shalt  }
0x5f: {  	_ =	shalt  }
0x60: {  	_ =	shalt  }
0x61: {  	_ =	shalt  }
0x62: {  	_ =	shalt  }
0x63: {  	_ =	shalt  }
0x64: {  	_ =	shalt  }
0x65: {  	_ =	shalt  }
0x66: {  	_ =	shalt  }
0x67: {  	_ =	shalt  }
0x68: {  	_ =	shalt  }
0x69: {  	_ =	shalt  }
0x6a: {  	_ =	shalt  }
0x6b: {  	_ =	shalt  }
0x6c: {  	_ =	shalt  }
0x6d: {  	_ =	shalt  }
0x6e: {  	_ =	shalt  }
0x6f: {  	_ =	shalt  }
0x70: {  	_ =	shalt  }
0x71: {  	_ =	shalt  }
0x72: {  	_ =	shalt  }
0x73: {  	_ =	shalt  }
0x74: {  	_ =	shalt  }
0x75: {  	_ =	shalt  }
0x76: {  	_ =	shalt  }
0x77: {  	_ =	shalt  }
0x78: {  	_ =	shalt  }
0x79: {  	_ =	shalt  }
0x7a: {  	_ =	shalt  }
0x7b: {  	_ =	shalt  }
0x7c: {  	_ =	shalt  }
0x7d: {  	_ =	shalt  }
0x7e: {  	_ =	shalt  }
0x7f: {  	_ =	shalt  }
0x80: {  	_ =	shalt  }
0x81: {  	_ =	shalt  }
0x82: {  	_ =	shalt  }
0x83: {  	_ =	shalt  }
0x84: {  	_ =	shalt  }
0x85: {  	_ =	shalt  }
0x86: {  	_ =	shalt  }
0x87: {  	_ =	shalt  }
.Lfunc_end0:
.L_simem_size_0:
called_computation.4_lowered:
.L_overlay_start_0:
0x88: {  	s2 =	sld [smem:$0x3FD9]  }
0x89: {  	s3 =	sld [smem:$0x3FFE];
	_ =	sdelay $0x1  }
0x8a: {  	s1 =	srdreg.scid  }
0x8b: {  	s0 =	sand.u32 $0x1, s1  }
0x8c: {  	s16 =	sshll.u32 s0, $0xA;
	s2 =	sadd.s32 s3, s2  }
0x8d: {  	s2 =	sadd.s32 s2, s16  }
0x8e: {  	[smem:$0x3FBF] =	sst s2  }
0x8f: {  	_ = 	snop  }
0x90: {  	(tm) =	ssettm $0x1  }
0x91: {  	s17 =	sld [smem:$0x3FFB];
	_ =	sdelay $0x3  }
0x92: {  	_ =	strace s17  }
0x93: {  	s2 =	sld [smem:$0x3FFC];
	_ =	sdelay $0x3  }
0x94: {  	_ =	strace s2  }
0x95: {  	s2 =	sld [smem:$0x3FFD];
	_ =	sdelay $0x3  }
0x96: {  	_ =	strace s2  }
0x97: {  	_ =	strace $0x8FFFFFFF  }
0x98: {  	s18 =	sld [smem:$0x3FDB];
	_ =	sdelay $0x1  }
0x99: {  	s19 =	simm.s32 $_scs_section_size  }
0x9a: {  	s4 =	simm.s32 $_size__tile_overlayer_lowered;
	s5 =	simm.s32 $_tile_overlayer_lowered  }
0x9b: {  	s22 =	simm.s32 $0x1BFF;
	s21 =	sshll.u32 s5, $0x1;
	s2 =	sadd.s32 s19, s18  }
0x9c: {  	s6 =	simm.s32 $0x0;
	s20 =	sshll.u32 s4, $0x1;
	s4 =	sadd.s32 s21, s2  }
0x9d: {  	[timem:s6], [sflag:s22] =	dma.local [hbm:s4], s20  }
0x9e: {  	_ =	swait.ge [sflag:s22], s20  }
0x9f: {  	s3 =	ssub.s32 $0x0, s20;
	[sflag:s22] =	ssyncset.done $0x0  }
0xa0: {  	[sflag:s22] =	ssyncadd.s32 s3;
	_ =	sdelay $0x1  }
0xa1: {  	s23 =	simm.s32 $0x1B8B  }
0xa2: {  	_ =	swait.ge [sflag:s23], $0x1  }
0xa3: {  	[sflag:s23] =	ssyncset.done $0x0  }
0xa4: {  	s25 =	simm.s32 $0x1B8E;
	s24 =	sld [smem:$0x3FFE];
	[sflag:s23] =	ssyncadd.s32 $0xFFFFFFFF  }
0xa5: {  	s26 =	simm.s32 $execute0_lowered;
	[smem:$0x3FD2] =	sst s25  }
0xa6: {  	s4 =	sshll.u32 s26, $0x1;
	_ =	strace $0x80000052;
	[dreg:$0x1] =	wrdreg $0xFFFFFFFF  }
0xa7: {  	s28 =	simm.s32 $_size_execute0_lowered;
	s2 =	sadd.s32 s2, s4;
	[dreg:$0x0] =	wrdreg $0x0  }
0xa8: {  	s4 =	sshll.u32 s28, $0x1;
	[dreg:$0x2] =	wrdreg s2  }
0xa9: {  	[dreg:$0x3] =	wrdreg s4  }
0xaa: {  	[dreg:$0x4] =	wrdreg $0xC0  }
0xab: {  	_ =	task [dreg:s6], $0x5FFFF  }
0xac: {  	[dreg:$0x1] =	wrdreg $0xFFFFFFFF  }
0xad: {  	[dreg:$0x0] =	wrdreg $0x60  }
0xae: {  	[dreg:$0x2] =	wrdreg s24  }
0xaf: {  	[dreg:$0x3] =	wrdreg $0x0  }
0xb0: {  	[dreg:$0x4] =	wrdreg $0x9  }
0xb1: {  	_ =	task.clear_ibuf [dreg:s6], $0x5FFFF;
	_ =	strace $0x90000052  }
0xb2: {  	s29 =	simm.s32 $0x9;
	_ =	strace $0x80000054  }
0xb3: {  	_ =	swait.ge [sflag:s29], $0x1  }
0xb4: {  	[sflag:s29] =	ssyncadd.s32 $0xFFFFFFFF  }
0xb5: {  	_ =	strace $0x90000054  }
0xb6: {  	_ =	sfence  }
0xb7: {  	s30 =	sld [smem:$0x0];
	_ =	sdelay $0x2  }
0xb8: {  	s31 =	sshll.u32 s1, $0xD;
	s1 =	sshrl.u32 s1, $0x2  }
0xb9: {  	s3 =	sand.u32 $0x4000, s31;
	s1 =	sadd.s32 s1, s30  }
0xba: {  	s0 =	sor.u32 s3, s0;
	s1 =	sshll.u32 s1, $0x11  }
0xbb: {  	s0 =	sor.u32 s1, s0  }
0xbc: {  	s0 =	sadd.s32 $0x8F2B, s0  }
0xbd: {  	[sflag:s0] =	ssyncadd.remote.s32 $0x1  }
0xbe: {  	_ =	sfence.sel $0xFFFF  }
0xbf: {  	[dreg:$0x0] =	wrdreg $0xFFFFFFFF;
	(pc) =	sbr.abs _section_cstart, $3  }
0xc0: {  	[dreg:$0x1] =	wrdreg $0xFFFFFFFF  }
0xc1: {  	_ =	task.clear_ibuf [dreg:s6], $0x2FFFF;
	_ =	strace $0x9FFFFFFF  }
0xc2: {  	(tm) =	ssettm $0x7FFFFFFF  }
0xc3: {  	_ =	shalt  }
tec
execute0_lowered:
.L_overlay_start_1:
0x0: {  	(tag) =	ssettag $0x1  }
0x1: {  	s1 =	srdreg.scid  }
0x2: {  	s0 =	stileid.u32;
	s6 =	rddreg [dreg:$0x0]  }
0x3: {  	s2 =	rddreg [dreg:$0x1];
	s3 =	simm.s32 $0x0;
	s14 =	simm.s32 $0x16400  }
0x4: {  	s15 =	simm.s32 $0x80;
	s16 =	simm.s32 $0x18C00;
	s17 =	simm.s32 $0x1  }
0x5: {  	s18 =	simm.s32 $0x0;
	s5 =	sand.u32 $0x1, s1;
	s8 =	smul.u32 $0x13C00, s0  }
0x6: {  	s25 =	sshll.u32 s0, $0x1;
	[smem:$0x7FF] =	sst s3;
	s28 =	smul.u32 $0x4F000, s0  }
0x7: {  	s4 =	sadd.s32 $0x2AA00, s6;
	s1 =	sor.u32 s5, s25;
	s9 =	smul.u32 $0x13C000, s5  }
0x8: {  	s31 =	sshll.u32 s0, $0x6;
	s5 =	ssub.s32 $0x2, s5;
	s7 =	smul.u32 $0x500, s1  }
0x9: {  	s1 =	rddreg [dreg:$0x2];
	_ =	strace $0x80000053;
	s26 =	sshrl.u32 s8, $0x3  }
0xa: {  	s29 =	sshrl.u32 s5, $0x1;
	s30 =	sshrl.u32 s28, $0x2;
	s8 =	sadd.s32 s8, s9  }
0xb: {  	s12 =	ssub.s32 s5, s29;
	s13 =	sadd.s32 s30, s2;
	s8 =	sshrl.u32 s8, $0x3  }
0xc: {  	s10 =	sadd.s32 s7, s6;
	s7 =	sadd.s32 s26, s6;
	s11 =	sadd.s32 s8, s6  }
0xd: {  	s5 =	sadd.s32 $0x3200, s7;
	s6 =	sor.u32 $0x1C02, s31;
	s7 =	sadd.s32 $0x84C00, s10  }
0xe: {  	s8 =	sadd.s32 $0x7AC00, s10;
	s10 =	smax.u32 s12, $0x1;
	s12 =	simm.s32 $0x2  }
0xf: {  	s9 =	sadd.s32 $0x8EC00, s11;
	s11 =	sshrl.u32 s13, $0x3;
	s13 =	simm.s32 $0x13C00  }
.LBB2_1:
0x10: {  	[spmem:s11], [sflag:s6] =	dma.local [hbm:s5], $0x2780  }
0x11: {  	_ =	swait.ge [sflag:s12], $0x2780  }
0x12: {  	[sflag:s12] =	ssyncset.done $0x0  }
0x13: {  	[sflag:s12] =	ssyncadd.s32 $0xFFFFD880  }
0x14: {  	[tilespmem:s13], [sflag:$0x2] =	stream.linear.gather [hbm4b:s7+s3], $0x2780, $0x38;
	[tilespmem:$0x1CC00] =	vst v63  }
0x15: {  	_ =	swait.ge [sflag:s12], $0x2780  }
0x16: {  	[sflag:s12] =	ssyncset.done $0x0  }
0x17: {  	[sflag:s12] =	ssyncadd.s32 $0xFFFFD880  }
0x18: {  	[tilespmem:s14], [sflag:$0x2] =	stream.linear.gather [hbm4b:s8+s3], $0x2780, $0x38;
	[tilespmem:$0x1CC00] =	vst v63  }
0x19: {  	_ =	swait.ge [sflag:s12], $0x2780  }
0x1a: {  	[sflag:s12] =	ssyncset.done $0x0  }
0x1b: {  	[sflag:s12] =	ssyncadd.s32 $0xFFFFD880  }
0x1c: {  	s19 =	simm.s32 $0x13C00;
	[bflag:$0x0] =	sbarrier.arrive $0xFFFF  }
0x1d: {  	[tilespmem:s16], [sflag:$0x1] =	stream.indirect.gather [hbm4b:s4+s15], $0x80, s19, s15, $0xb8;
	[tilespmem:$0x1CC00] =	vst v63  }
0x1e: {  	_ =	swait.ge [sflag:s17], $0x4000  }
0x1f: {  	[sflag:s17] =	ssyncset.done $0x0  }
0x20: {  	s31 =	simm.s32 $0x16400;
	[sflag:s17] =	ssyncadd.s32 $0xFFFFC000  }
0x21: {  	[spmem:s2] =	stream.indirect.scatter.add.f32 [tilespmem:s16], [sflag:$0x2], $0x80, s31, s15, $0xb8;
	[tilespmem:$0x1CC00] =	vst v63  }
0x22: {  	_ =	swait.ge [sflag:s12], $0x4000  }
0x23: {  	s20 =	simm.s32 $0x400;
	s19 =	simm.s32 $0x80;
	[sflag:s12] =	ssyncset.done $0x0  }
.LBB2_2:
0x24: {  	s21 =	sadd.s32 $0x13C00, s19  }
0x25: {  	[sflag:s12] =	ssyncadd.s32 $0xFFFFC000;
	s22 =	smov.u32 s20;
	s23 =	sadd.s32 $0x200, s20  }
0x26: {  	[tilespmem:s16], [sflag:$0x1] =	stream.indirect.gather [hbm4b:s4+s15], $0x80, s21, s15, $0xb8;
	[tilespmem:$0x1CC00] =	vst v63  }
0x27: {  	p0 =	sne.s32 s20, $0x9C00;
	_ =	swait.ge [sflag:s17], $0x4000  }
.Ltmp0:
0x28: {  	[sflag:s17] =	ssyncset.done $0x0;
	(pc) =	sbr.rel @p0 .LBB2_2-.Ltmp0, $4  }
0x29: {  	s19 =	sadd.s32 $0x16400, s19;
	[sflag:s17] =	ssyncadd.s32 $0xFFFFC000  }
0x2a: {  	[spmem:s2] =	stream.indirect.scatter.add.f32 [tilespmem:s16], [sflag:$0x2], $0x80, s19, s15, $0xb8;
	[tilespmem:$0x1CC00] =	vst v63  }
0x2b: {  	_ =	swait.ge [sflag:s12], $0x4000  }
0x2c: {  	s20 =	smov.u32 s23;
	s19 =	sshra.s32 s22, $0x2;
	[sflag:s12] =	ssyncset.done $0x0  }
0x2d: {  	s20 =	sadd.s32 $0x13C00, s19;
	[sflag:s12] =	ssyncadd.s32 $0xFFFFC000  }
0x2e: {  	[tilespmem:s16], [sflag:$0x1] =	stream.indirect.gather [hbm4b:s4+s15], $0x80, s20, s15, $0xb8;
	[tilespmem:$0x1CC00] =	vst v63  }
0x2f: {  	_ =	swait.ge [sflag:s17], $0x4000  }
0x30: {  	[sflag:s17] =	ssyncset.done $0x0  }
0x31: {  	s31 =	sadd.s32 $0x16400, s19;
	[sflag:s17] =	ssyncadd.s32 $0xFFFFC000  }
0x32: {  	[spmem:s2] =	stream.indirect.scatter.add.f32 [tilespmem:s16], [sflag:$0x2], $0x80, s31, s15, $0xb8;
	[tilespmem:$0x1CC00] =	vst v63  }
0x33: {  	_ =	swait.ge [sflag:s12], $0x4000  }
0x34: {  	s18 =	sadd.s32 $0x1, s18;
	[sflag:s12] =	ssyncset.done $0x0  }
0x35: {  	p0 =	sne.s32 s18, s10;
	[sflag:s12] =	ssyncadd.s32 $0xFFFFC000  }
.Ltmp1:
0x36: {  	[bflag:$0x0] =	sbarrier.arrive $0xFFFF;
	(pc) =	sbr.rel @p0 .LBB2_1-.Ltmp1, $4  }
0x37: {  	[hbm:s9], [sflag:s6] =	dma.local [spmem:s11], $0x2780  }
0x38: {  	_ =	swait.ge [sflag:s12], $0x2780  }
0x39: {  	[sflag:s12] =	ssyncset.done $0x0  }
0x3a: {  	[sflag:s12] =	ssyncadd.s32 $0xFFFFD880  }
0x3b: {  	_ =	sfence.sel $0x180000  }
0x3c: {  	[bflag:$0x0] =	sbarrier.arrive $0xFFFF  }
0x3d: {  	p0 =	sne.s32 s0, $0x0;
	_ =	strace $0x90000053  }
0x3e: {  	s0 =	sadd.s32 @!p0 $0x100000, s1;
	[bflag:$0x2] =	sbarrier.arrive $0xFFFF  }
0x3f: {  	[sflag:s0] =	ssyncadd.tile.s32 @!p0 $0x1;
	_ =	shalt  }
.Lfunc_end2:
_tile_overlayer_lowered:
.L_overlay_start_2:
0x40: {  	(tag) =	ssettag $0x2  }
0x41: {  	s0 =	rddreg [dreg:$0x0];
	s2 =	stileid.u32  }
0x42: {  	s1 =	rddreg [dreg:$0x1];
	p0 =	sne.s32 s2, $0x0  }
0x43: {  	s3 =	rddreg [dreg:$0x2];
	[bflag:$0x3] =	sbarrier.arrive $0xFFFF;
	s2 =	simm.s32 @!p0 $0x1C02  }
0x44: {  	[timem:s3], [sflag:s2] =	dma.local @!p0 [hbm:s0], s1  }
0x45: {  	s0 =	simm.s32 @!p0 $0x2  }
0x46: {  	_ =	swait.ge @!p0 [sflag:s0], s1  }
0x47: {  	s1 =	ssub.s32 @!p0 $0x0, s1;
	[sflag:s0] =	ssyncset.done @!p0 $0x0  }
0x48: {  	[sflag:s0] =	ssyncadd.s32 @!p0 s1  }
0x49: {  	[bflag:$0x3] =	sbarrier.arrive $0xFFFF  }
0x4a: {  	_ =	shalt  }

// kernel: kernel.29.cloned.1.call-start
scs
__scs_entry_jumppad:
0x0: {  	(pc) =	sbr.rel $0x88, $3  }
0x1: {  	(tag) =	ssettag $0x0;
	lr =	simm.s32 $0x1  }
0x2: {  	[smem:$0x3F98] =	sst lr;
	_ =	strace $0xD0000000  }
0x3: {  	_ = 	snop  }
0x4: {  	_ = 	snop  }
0x5: {  	_ = 	snop  }
0x6: {  	_ = 	snop  }
0x7: {  	_ = 	snop  }
__scs_overlays_trampoline_lowered:
0x8: {  	[smem:$0x3FA7] =	sst s0  }
0x9: {  	[smem:$0x3FA8] =	sst s1  }
0xa: {  	[smem:$0x3FA9] =	sst s2  }
0xb: {  	[smem:$0x3FAA] =	sst s3  }
0xc: {  	[smem:$0x3FAB] =	sst s4  }
0xd: {  	[smem:$0x3FAC] =	sst s5  }
0xe: {  	[smem:$0x3FAD] =	sst s6  }
0xf: {  	[smem:$0x3FAE] =	sst s7  }
0x10: {  	[smem:$0x3FAF] =	sst s8  }
0x11: {  	[smem:$0x3FB0] =	sst s9;
	s0 =	simm.s32 @!p0 $0x0  }
0x12: {  	s1 =	sld [smem:$0x3F96];
	s0 =	simm.s32 @p0 $0x1  }
0x13: {  	[smem:$0x3FB1] =	sst s0;
	s0 =	simm.s32 @!p1 $0x0  }
0x14: {  	s2 =	sld [smem:$0x3F95];
	s0 =	simm.s32 @p1 $0x1  }
0x15: {  	[smem:$0x3FB2] =	sst s0;
	s0 =	simm.s32 @!p2 $0x0  }
0x16: {  	s3 =	sld [smem:$0x3FDB];
	s0 =	simm.s32 @p2 $0x1  }
0x17: {  	s4 =	simm.s32 $0x1BF5;
	[smem:$0x3FB4] =	sst s0  }
0x18: {  	s0 =	sld [smem:$0x3F97];
	_ =	swait.ge [sflag:s4], $0x0  }
0x19: {  	s7 =	sld [smem:$0x3F98]  }
0x1a: {  	s8 =	sadd.s32 $0xFFFFE003, lr  }
0x1b: {  	s9 =	sadd.s32 $0xFFFFFEF7, lr;
	s5 =	simm.s32 $0xFFFFFFFF;
	p2 =	slt.u32 s8, $0xFFFFF086  }
0x1c: {  	p1 =	slt.u32 s9, $0xF7A;
	s5 =	simm.s32 @!p2 $0x0  }
0x1d: {  	s5 =	simm.s32 @p1 $0x1;
	p0 =	seq.s32 s7, s2  }
0x1e: {  	s7 =	smul.u32 @!p0 $0xF7A, s2;
	p2 =	seq.s32 @!p0 s5, $0x0  }
0x1f: {  	s9 =	smul.u32 $0xF7A, s1;
	s8 =	simm.s32 @!p0 $0x1BF5;
	p2 =	por !p2, p0  }
0x20: {  	[sflag:s8] =	ssyncset.s32 @!p0 $0xFFFFF086;
	s6 =	sadd.s32 @!p0 s3, s7;
	s7 =	simm.s32 @!p0 $0x108  }
0x21: {  	s3 =	sadd.s32 s3, s9;
	s6 =	sadd.s32 @!p0 $0x88, s6;
	s7 =	simm.s32 @p2 $0x1082  }
0x22: {  	[simem:s7], [sflag:s8] =	dma.local @!p0 [hbm:s6], $0xF7A  }
0x23: {  	s9 =	sor.u32 $0xD0000000, s2;
	s6 =	simm.s32 $0x108;
	_ =	swait.ge @!p0 [sflag:s8], $0x0  }
0x24: {  	s3 =	sadd.s32 $0x88, s3;
	s6 =	simm.s32 @!p1 $0x1082;
	[sflag:s4] =	ssyncset.s32 $0xFFFFF086  }
0x25: {  	[simem:s6], [sflag:s4] =	dma.local [hbm:s3], $0xF7A  }
0x26: {  	[smem:$0x3F98] =	sst s1;
	(tag) =	ssettag s2;
	_ =	strace s9  }
0x27: {  	s1 =	sld [smem:$0x3FA8]  }
0x28: {  	s2 =	sld [smem:$0x3FA9]  }
0x29: {  	s4 =	sld [smem:$0x3FAB]  }
0x2a: {  	p0 =	seq.s32 s5, $0x0;
	s5 =	sld [smem:$0x3FAC]  }
0x2b: {  	s6 =	sld [smem:$0x3FAD]  }
0x2c: {  	s7 =	sld [smem:$0x3FAE]  }
0x2d: {  	s3 =	simm.s32 $0x108;
	s8 =	sld [smem:$0x3FAF]  }
0x2e: {  	s3 =	simm.s32 @!p0 $0x1082;
	s9 =	sld [smem:$0x3FB0]  }
0x2f: {  	lr =	sadd.s32 s0, s3;
	s0 =	sld [smem:$0x3FA7]  }
0x30: {  	s3 =	sld [smem:$0x3FAA]  }
0x31: {  	[smem:$0x3FB3] =	sst s10  }
0x32: {  	s10 =	sld [smem:$0x3FB1];
	_ =	sdelay $0x3  }
0x33: {  	p0 =	seq.s32 s10, $0x1;
	s10 =	sld [smem:$0x3FB3];
	_ =	sdelay $0x3  }
0x34: {  	[smem:$0x3FB3] =	sst s10  }
0x35: {  	s10 =	sld [smem:$0x3FB2];
	_ =	sdelay $0x3  }
0x36: {  	p1 =	seq.s32 s10, $0x1;
	s10 =	sld [smem:$0x3FB3];
	_ =	sdelay $0x3  }
0x37: {  	[smem:$0x3FB3] =	sst s10  }
0x38: {  	s10 =	sld [smem:$0x3FB4]  }
0x39: {  	_ = 	snop;
	(pc) =	sbr.ind lr, $3  }
0x3a: {  	_ = 	snop  }
0x3b: {  	_ = 	snop  }
0x3c: {  	p2 =	seq.s32 s10, $0x1;
	s10 =	sld [smem:$0x3FB3]  }
0x3d: {  	_ =	shalt  }
0x3e: {  	_ =	shalt  }
0x3f: {  	_ =	shalt  }
0x40: {  	_ =	shalt  }
0x41: {  	_ =	shalt  }
0x42: {  	_ =	shalt  }
0x43: {  	_ =	shalt  }
0x44: {  	_ =	shalt  }
0x45: {  	_ =	shalt  }
0x46: {  	_ =	shalt  }
0x47: {  	_ =	shalt  }
0x48: {  	_ =	shalt  }
0x49: {  	_ =	shalt  }
0x4a: {  	_ =	shalt  }
0x4b: {  	_ =	shalt  }
0x4c: {  	_ =	shalt  }
0x4d: {  	_ =	shalt  }
0x4e: {  	_ =	shalt  }
0x4f: {  	_ =	shalt  }
0x50: {  	_ =	shalt  }
0x51: {  	_ =	shalt  }
0x52: {  	_ =	shalt  }
0x53: {  	_ =	shalt  }
0x54: {  	_ =	shalt  }
0x55: {  	_ =	shalt  }
0x56: {  	_ =	shalt  }
0x57: {  	_ =	shalt  }
0x58: {  	_ =	shalt  }
0x59: {  	_ =	shalt  }
0x5a: {  	_ =	shalt  }
0x5b: {  	_ =	shalt  }
0x5c: {  	_ =	shalt  }
0x5d: {  	_ =	shalt  }
0x5e: {  	_ =	shalt  }
0x5f: {  	_ =	shalt  }
0x60: {  	_ =	shalt  }
0x61: {  	_ =	shalt  }
0x62: {  	_ =	shalt  }
0x63: {  	_ =	shalt  }
0x64: {  	_ =	shalt  }
0x65: {  	_ =	shalt  }
0x66: {  	_ =	shalt  }
0x67: {  	_ =	shalt  }
0x68: {  	_ =	shalt  }
0x69: {  	_ =	shalt  }
0x6a: {  	_ =	shalt  }
0x6b: {  	_ =	shalt  }
0x6c: {  	_ =	shalt  }
0x6d: {  	_ =	shalt  }
0x6e: {  	_ =	shalt  }
0x6f: {  	_ =	shalt  }
0x70: {  	_ =	shalt  }
0x71: {  	_ =	shalt  }
0x72: {  	_ =	shalt  }
0x73: {  	_ =	shalt  }
0x74: {  	_ =	shalt  }
0x75: {  	_ =	shalt  }
0x76: {  	_ =	shalt  }
0x77: {  	_ =	shalt  }
0x78: {  	_ =	shalt  }
0x79: {  	_ =	shalt  }
0x7a: {  	_ =	shalt  }
0x7b: {  	_ =	shalt  }
0x7c: {  	_ =	shalt  }
0x7d: {  	_ =	shalt  }
0x7e: {  	_ =	shalt  }
0x7f: {  	_ =	shalt  }
0x80: {  	_ =	shalt  }
0x81: {  	_ =	shalt  }
0x82: {  	_ =	shalt  }
0x83: {  	_ =	shalt  }
0x84: {  	_ =	shalt  }
0x85: {  	_ =	shalt  }
0x86: {  	_ =	shalt  }
0x87: {  	_ =	shalt  }
.Lfunc_end0:
.L_simem_size_0:
called_computation.5_lowered:
.L_overlay_start_0:
0x88: {  	s2 =	sld [smem:$0x3FD9]  }
0x89: {  	s3 =	sld [smem:$0x3FFE];
	_ =	sdelay $0x1  }
0x8a: {  	s1 =	srdreg.scid  }
0x8b: {  	s0 =	sand.u32 $0x1, s1  }
0x8c: {  	s16 =	sshll.u32 s0, $0xA;
	s2 =	sadd.s32 s3, s2  }
0x8d: {  	s2 =	sadd.s32 s2, s16  }
0x8e: {  	[smem:$0x3FBF] =	sst s2  }
0x8f: {  	_ = 	snop  }
0x90: {  	(tm) =	ssettm $0x1  }
0x91: {  	s17 =	sld [smem:$0x3FFB];
	_ =	sdelay $0x3  }
0x92: {  	_ =	strace s17  }
0x93: {  	s2 =	sld [smem:$0x3FFC];
	_ =	sdelay $0x3  }
0x94: {  	_ =	strace s2  }
0x95: {  	s2 =	sld [smem:$0x3FFD];
	_ =	sdelay $0x3  }
0x96: {  	_ =	strace s2  }
0x97: {  	_ =	strace $0x8FFFFFFF  }
0x98: {  	s18 =	sld [smem:$0x3FDB];
	_ =	sdelay $0x1  }
0x99: {  	s19 =	simm.s32 $_scs_section_size  }
0x9a: {  	s4 =	simm.s32 $_size__tile_overlayer_lowered;
	s5 =	simm.s32 $_tile_overlayer_lowered  }
0x9b: {  	s22 =	simm.s32 $0x1BFF;
	s21 =	sshll.u32 s5, $0x1;
	s2 =	sadd.s32 s19, s18  }
0x9c: {  	s6 =	simm.s32 $0x0;
	s20 =	sshll.u32 s4, $0x1;
	s4 =	sadd.s32 s21, s2  }
0x9d: {  	[timem:s6], [sflag:s22] =	dma.local [hbm:s4], s20  }
0x9e: {  	_ =	swait.ge [sflag:s22], s20  }
0x9f: {  	s3 =	ssub.s32 $0x0, s20;
	[sflag:s22] =	ssyncset.done $0x0  }
0xa0: {  	[sflag:s22] =	ssyncadd.s32 s3;
	_ =	sdelay $0x1  }
0xa1: {  	s23 =	simm.s32 $0x1B8B  }
0xa2: {  	_ =	swait.ge [sflag:s23], $0x1  }
0xa3: {  	[sflag:s23] =	ssyncset.done $0x0  }
0xa4: {  	s25 =	simm.s32 $0x1B8E;
	s24 =	sld [smem:$0x3FFE];
	[sflag:s23] =	ssyncadd.s32 $0xFFFFFFFF  }
0xa5: {  	s26 =	simm.s32 $execute0_lowered;
	[smem:$0x3FD2] =	sst s25  }
0xa6: {  	s4 =	sshll.u32 s26, $0x1;
	_ =	strace $0x80000055;
	[dreg:$0x1] =	wrdreg $0xFFFFFFFF  }
0xa7: {  	s28 =	simm.s32 $_size_execute0_lowered;
	s2 =	sadd.s32 s2, s4;
	[dreg:$0x0] =	wrdreg $0x0  }
0xa8: {  	s4 =	sshll.u32 s28, $0x1;
	[dreg:$0x2] =	wrdreg s2  }
0xa9: {  	[dreg:$0x3] =	wrdreg s4  }
0xaa: {  	[dreg:$0x4] =	wrdreg $0xC0  }
0xab: {  	_ =	task [dreg:s6], $0x5FFFF  }
0xac: {  	[dreg:$0x1] =	wrdreg $0xFFFFFFFF  }
0xad: {  	[dreg:$0x0] =	wrdreg $0x60  }
0xae: {  	[dreg:$0x2] =	wrdreg s24  }
0xaf: {  	[dreg:$0x3] =	wrdreg $0x0  }
0xb0: {  	[dreg:$0x4] =	wrdreg $0x9  }
0xb1: {  	_ =	task.clear_ibuf [dreg:s6], $0x5FFFF;
	_ =	strace $0x90000055  }
0xb2: {  	s29 =	simm.s32 $0x9;
	_ =	strace $0x80000057  }
0xb3: {  	_ =	swait.ge [sflag:s29], $0x1  }
0xb4: {  	[sflag:s29] =	ssyncadd.s32 $0xFFFFFFFF  }
0xb5: {  	_ =	strace $0x90000057  }
0xb6: {  	_ =	sfence  }
0xb7: {  	s30 =	sld [smem:$0x0];
	_ =	sdelay $0x2  }
0xb8: {  	s31 =	sshll.u32 s1, $0xD;
	s1 =	sshrl.u32 s1, $0x2  }
0xb9: {  	s3 =	sand.u32 $0x4000, s31;
	s1 =	sadd.s32 s1, s30  }
0xba: {  	s0 =	sor.u32 s3, s0;
	s1 =	sshll.u32 s1, $0x11  }
0xbb: {  	s0 =	sor.u32 s1, s0  }
0xbc: {  	s0 =	sadd.s32 $0x8F2B, s0  }
0xbd: {  	[sflag:s0] =	ssyncadd.remote.s32 $0x1  }
0xbe: {  	_ =	sfence.sel $0xFFFF  }
0xbf: {  	[dreg:$0x0] =	wrdreg $0xFFFFFFFF;
	(pc) =	sbr.abs _section_cstart, $3  }
0xc0: {  	[dreg:$0x1] =	wrdreg $0xFFFFFFFF  }
0xc1: {  	_ =	task.clear_ibuf [dreg:s6], $0x2FFFF;
	_ =	strace $0x9FFFFFFF  }
0xc2: {  	(tm) =	ssettm $0x7FFFFFFF  }
0xc3: {  	_ =	shalt  }
tec
execute0_lowered:
.L_overlay_start_1:
0x0: {  	(tag) =	ssettag $0x1  }
0x1: {  	s1 =	srdreg.scid  }
0x2: {  	s0 =	stileid.u32;
	s6 =	rddreg [dreg:$0x0]  }
0x3: {  	s2 =	rddreg [dreg:$0x1];
	s3 =	simm.s32 $0x0;
	s14 =	simm.s32 $0x16400  }
0x4: {  	s15 =	simm.s32 $0x80;
	s16 =	simm.s32 $0x18C00;
	s17 =	simm.s32 $0x1  }
0x5: {  	s18 =	simm.s32 $0x0;
	s5 =	sand.u32 $0x1, s1;
	s8 =	smul.u32 $0x13C00, s0  }
0x6: {  	s25 =	sshll.u32 s0, $0x1;
	[smem:$0x7FF] =	sst s3;
	s28 =	smul.u32 $0x4F000, s0  }
0x7: {  	s4 =	sadd.s32 $0x2AA00, s6;
	s1 =	sor.u32 s5, s25;
	s9 =	smul.u32 $0x13C000, s5  }
0x8: {  	s31 =	sshll.u32 s0, $0x6;
	s5 =	ssub.s32 $0x2, s5;
	s7 =	smul.u32 $0x500, s1  }
0x9: {  	s1 =	rddreg [dreg:$0x2];
	_ =	strace $0x80000056;
	s26 =	sshrl.u32 s8, $0x3  }
0xa: {  	s29 =	sshrl.u32 s5, $0x1;
	s30 =	sshrl.u32 s28, $0x2;
	s8 =	sadd.s32 s8, s9  }
0xb: {  	s12 =	ssub.s32 s5, s29;
	s13 =	sadd.s32 s30, s2;
	s8 =	sshrl.u32 s8, $0x3  }
0xc: {  	s10 =	sadd.s32 s7, s6;
	s7 =	sadd.s32 s26, s6;
	s11 =	sadd.s32 s8, s6  }
0xd: {  	s5 =	sadd.s32 $0x3200, s7;
	s6 =	sor.u32 $0x1C02, s31;
	s7 =	sadd.s32 $0x84C00, s10  }
0xe: {  	s8 =	sadd.s32 $0x7AC00, s10;
	s10 =	smax.u32 s12, $0x1;
	s12 =	simm.s32 $0x2  }
0xf: {  	s9 =	sadd.s32 $0x8EC00, s11;
	s11 =	sshrl.u32 s13, $0x3;
	s13 =	simm.s32 $0x13C00  }
.LBB2_1:
0x10: {  	[spmem:s11], [sflag:s6] =	dma.local [hbm:s5], $0x2780  }
0x11: {  	_ =	swait.ge [sflag:s12], $0x2780  }
0x12: {  	[sflag:s12] =	ssyncset.done $0x0  }
0x13: {  	[sflag:s12] =	ssyncadd.s32 $0xFFFFD880  }
0x14: {  	[tilespmem:s13], [sflag:$0x2] =	stream.linear.gather [hbm4b:s7+s3], $0x2780, $0x38;
	[tilespmem:$0x1CC00] =	vst v63  }
0x15: {  	_ =	swait.ge [sflag:s12], $0x2780  }
0x16: {  	[sflag:s12] =	ssyncset.done $0x0  }
0x17: {  	[sflag:s12] =	ssyncadd.s32 $0xFFFFD880  }
0x18: {  	[tilespmem:s14], [sflag:$0x2] =	stream.linear.gather [hbm4b:s8+s3], $0x2780, $0x38;
	[tilespmem:$0x1CC00] =	vst v63  }
0x19: {  	_ =	swait.ge [sflag:s12], $0x2780  }
0x1a: {  	[sflag:s12] =	ssyncset.done $0x0  }
0x1b: {  	[sflag:s12] =	ssyncadd.s32 $0xFFFFD880  }
0x1c: {  	s19 =	simm.s32 $0x13C00;
	[bflag:$0x0] =	sbarrier.arrive $0xFFFF  }
0x1d: {  	[tilespmem:s16], [sflag:$0x1] =	stream.indirect.gather [hbm4b:s4+s15], $0x80, s19, s15, $0xb8;
	[tilespmem:$0x1CC00] =	vst v63  }
0x1e: {  	_ =	swait.ge [sflag:s17], $0x4000  }
0x1f: {  	[sflag:s17] =	ssyncset.done $0x0  }
0x20: {  	s31 =	simm.s32 $0x16400;
	[sflag:s17] =	ssyncadd.s32 $0xFFFFC000  }
0x21: {  	[spmem:s2] =	stream.indirect.scatter.add.f32 [tilespmem:s16], [sflag:$0x2], $0x80, s31, s15, $0xb8;
	[tilespmem:$0x1CC00] =	vst v63  }
0x22: {  	_ =	swait.ge [sflag:s12], $0x4000  }
0x23: {  	s20 =	simm.s32 $0x400;
	s19 =	simm.s32 $0x80;
	[sflag:s12] =	ssyncset.done $0x0  }
.LBB2_2:
0x24: {  	s21 =	sadd.s32 $0x13C00, s19  }
0x25: {  	[sflag:s12] =	ssyncadd.s32 $0xFFFFC000;
	s22 =	smov.u32 s20;
	s23 =	sadd.s32 $0x200, s20  }
0x26: {  	[tilespmem:s16], [sflag:$0x1] =	stream.indirect.gather [hbm4b:s4+s15], $0x80, s21, s15, $0xb8;
	[tilespmem:$0x1CC00] =	vst v63  }
0x27: {  	p0 =	sne.s32 s20, $0x9C00;
	_ =	swait.ge [sflag:s17], $0x4000  }
.Ltmp0:
0x28: {  	[sflag:s17] =	ssyncset.done $0x0;
	(pc) =	sbr.rel @p0 .LBB2_2-.Ltmp0, $4  }
0x29: {  	s19 =	sadd.s32 $0x16400, s19;
	[sflag:s17] =	ssyncadd.s32 $0xFFFFC000  }
0x2a: {  	[spmem:s2] =	stream.indirect.scatter.add.f32 [tilespmem:s16], [sflag:$0x2], $0x80, s19, s15, $0xb8;
	[tilespmem:$0x1CC00] =	vst v63  }
0x2b: {  	_ =	swait.ge [sflag:s12], $0x4000  }
0x2c: {  	s20 =	smov.u32 s23;
	s19 =	sshra.s32 s22, $0x2;
	[sflag:s12] =	ssyncset.done $0x0  }
0x2d: {  	s20 =	sadd.s32 $0x13C00, s19;
	[sflag:s12] =	ssyncadd.s32 $0xFFFFC000  }
0x2e: {  	[tilespmem:s16], [sflag:$0x1] =	stream.indirect.gather [hbm4b:s4+s15], $0x80, s20, s15, $0xb8;
	[tilespmem:$0x1CC00] =	vst v63  }
0x2f: {  	_ =	swait.ge [sflag:s17], $0x4000  }
0x30: {  	[sflag:s17] =	ssyncset.done $0x0  }
0x31: {  	s31 =	sadd.s32 $0x16400, s19;
	[sflag:s17] =	ssyncadd.s32 $0xFFFFC000  }
0x32: {  	[spmem:s2] =	stream.indirect.scatter.add.f32 [tilespmem:s16], [sflag:$0x2], $0x80, s31, s15, $0xb8;
	[tilespmem:$0x1CC00] =	vst v63  }
0x33: {  	_ =	swait.ge [sflag:s12], $0x4000  }
0x34: {  	s18 =	sadd.s32 $0x1, s18;
	[sflag:s12] =	ssyncset.done $0x0  }
0x35: {  	p0 =	sne.s32 s18, s10;
	[sflag:s12] =	ssyncadd.s32 $0xFFFFC000  }
.Ltmp1:
0x36: {  	[bflag:$0x0] =	sbarrier.arrive $0xFFFF;
	(pc) =	sbr.rel @p0 .LBB2_1-.Ltmp1, $4  }
0x37: {  	[hbm:s9], [sflag:s6] =	dma.local [spmem:s11], $0x2780  }
0x38: {  	_ =	swait.ge [sflag:s12], $0x2780  }
0x39: {  	[sflag:s12] =	ssyncset.done $0x0  }
0x3a: {  	[sflag:s12] =	ssyncadd.s32 $0xFFFFD880  }
0x3b: {  	_ =	sfence.sel $0x180000  }
0x3c: {  	[bflag:$0x0] =	sbarrier.arrive $0xFFFF  }
0x3d: {  	p0 =	sne.s32 s0, $0x0;
	_ =	strace $0x90000056  }
0x3e: {  	s0 =	sadd.s32 @!p0 $0x100000, s1;
	[bflag:$0x2] =	sbarrier.arrive $0xFFFF  }
0x3f: {  	[sflag:s0] =	ssyncadd.tile.s32 @!p0 $0x1;
	_ =	shalt  }
.Lfunc_end2:
_tile_overlayer_lowered:
.L_overlay_start_2:
0x40: {  	(tag) =	ssettag $0x2  }
0x41: {  	s0 =	rddreg [dreg:$0x0];
	s2 =	stileid.u32  }
0x42: {  	s1 =	rddreg [dreg:$0x1];
	p0 =	sne.s32 s2, $0x0  }
0x43: {  	s3 =	rddreg [dreg:$0x2];
	[bflag:$0x3] =	sbarrier.arrive $0xFFFF;
	s2 =	simm.s32 @!p0 $0x1C02  }
0x44: {  	[timem:s3], [sflag:s2] =	dma.local @!p0 [hbm:s0], s1  }
0x45: {  	s0 =	simm.s32 @!p0 $0x2  }
0x46: {  	_ =	swait.ge @!p0 [sflag:s0], s1  }
0x47: {  	s1 =	ssub.s32 @!p0 $0x0, s1;
	[sflag:s0] =	ssyncset.done @!p0 $0x0  }
0x48: {  	[sflag:s0] =	ssyncadd.s32 @!p0 s1  }
0x49: {  	[bflag:$0x3] =	sbarrier.arrive $0xFFFF  }
0x4a: {  	_ =	shalt  }

</sc_bundles>
